<compile_context>
chip_gen: v7x
topology: tpu7x:2x2x1
jax: 0.10.2.dev20260603
libtpu: 0.0.44.dev20260713+nightly
codegen_flags: <defaults>
</compile_context>

<pallas_src>
import jax
import jax.numpy as jnp
from jax import lax
from jax.experimental import pallas as pl
from jax.experimental.pallas import tpu as pltpu, tpu_sc as plsc

_NT = 32
_SC_PARAMS = pltpu.CompilerParams(needs_layout_passes=False)


def _mesh():
    return plsc.VectorSubcoreMesh(core_axis_name="c", subcore_axis_name="s")


def _wid():
    return lax.axis_index("s") * 2 + lax.axis_index("c")


_Z16 = lambda: jnp.zeros((16,), jnp.float32)


def kernel(x, edge_index, edge_attr, W1, b1, W2, b2):
    src_e = edge_index[0]
    dst_e = edge_index[1]
    N, D_in = x.shape
    E = edge_attr.shape[0]
    D_h = W1.shape[1]
    D_out = W2.shape[1]
    f32 = jnp.float32

    EPT = E // _NT

    def deg_body(dst_hbm, w_hbm, out_hbm, dst_v, w_v, acc_v):
        wid = _wid()
        base = wid * EPT

        @plsc.parallel_loop(0, N, 16, unroll=8)
        def _zero(i):
            acc_v[pl.ds(i, 16)] = _Z16()

        pltpu.sync_copy(dst_hbm.at[pl.ds(base, EPT)], dst_v)
        pltpu.sync_copy(w_hbm.at[pl.ds(base, EPT)], w_v)

        @plsc.parallel_loop(0, EPT, 16, unroll=8)
        def _scat(j):
            d = dst_v[pl.ds(j, 16)]
            wv = w_v[pl.ds(j, 16)]
            plsc.addupdate_scatter(acc_v, [d], wv)

        pltpu.sync_copy(acc_v, out_hbm.at[pl.ds(wid * N, N)])

    deg_part = pl.kernel(
        deg_body,
        out_type=jax.ShapeDtypeStruct((_NT * N,), f32),
        mesh=_mesh(),
        scratch_types=[
            pltpu.VMEM((EPT,), jnp.int32),
            pltpu.VMEM((EPT,), f32),
            pltpu.VMEM((N,), f32),
        ],
        compiler_params=_SC_PARAMS,
    )(dst_e, edge_attr)

    W1e = W1[:, 0::2]
    W1o = W1[:, 1::2]

    def _pack_bf16(lo, hi):
        u0 = lax.bitcast_convert_type(lo, jnp.int32)
        u1 = lax.bitcast_convert_type(hi, jnp.int32)
        r0 = u0 + 0x7FFF + ((u0 >> 16) & 1)
        r1 = u1 + 0x7FFF + ((u1 >> 16) & 1)
        return (r1 & jnp.int32(-65536)) | ((r0 >> 16) & 0xFFFF)

    def tc1a(x_ref, w1e_ref, w1o_ref, h1t_ref, pk_ref):
        he = lax.dot_general(
            w1e_ref[...], x_ref[...], (((0,), (1,)), ((), ())),
            preferred_element_type=f32)
        ho = lax.dot_general(
            w1o_ref[...], x_ref[...], (((0,), (1,)), ((), ())),
            preferred_element_type=f32)
        h1t_ref[...] = jnp.concatenate([he, ho], axis=0)
        pk_ref[...] = _pack_bf16(he, ho)

    h1T, h1pk = pl.pallas_call(
        tc1a,
        out_shape=(jax.ShapeDtypeStruct((D_h, N), f32),
                   jax.ShapeDtypeStruct((D_h // 2, N), jnp.int32)),
    )(x, W1e, W1o)

    def tc1b(deg_ref, dinv_ref):
        deg = jnp.sum(deg_ref[...], axis=0) + 1.0
        dinv_ref[...] = lax.rsqrt(deg)

    dinv = pl.pallas_call(
        tc1b,
        out_shape=jax.ShapeDtypeStruct((N,), f32),
    )(deg_part.reshape(_NT, N))

    def norm_body(src_hbm, dst_hbm, w_hbm, dinv_hbm, nrm_hbm, pk_hbm,
                  src_v, dst_v, w_v, dinv_v, nrm_v, pk_v):
        wid = _wid()
        base = wid * EPT
        pltpu.sync_copy(dinv_hbm, dinv_v)
        pltpu.sync_copy(src_hbm.at[pl.ds(base, EPT)], src_v)
        pltpu.sync_copy(dst_hbm.at[pl.ds(base, EPT)], dst_v)
        pltpu.sync_copy(w_hbm.at[pl.ds(base, EPT)], w_v)

        @plsc.parallel_loop(0, EPT, 16, unroll=8)
        def _nrm(j):
            sl = pl.ds(j, 16)
            s = src_v[sl]
            d = dst_v[sl]
            wv = w_v[sl]
            nrm_v[sl] = plsc.load_gather(dinv_v, [s]) * wv * plsc.load_gather(dinv_v, [d])
            pk_v[sl] = (s << 16) | d

        pltpu.sync_copy(nrm_v, nrm_hbm.at[pl.ds(base, EPT)])
        pltpu.sync_copy(pk_v, pk_hbm.at[pl.ds(base, EPT)])

    norm, packed = pl.kernel(
        norm_body,
        out_type=(jax.ShapeDtypeStruct((E,), f32),
                  jax.ShapeDtypeStruct((E,), jnp.int32)),
        mesh=_mesh(),
        scratch_types=[
            pltpu.VMEM((EPT,), jnp.int32),
            pltpu.VMEM((EPT,), jnp.int32),
            pltpu.VMEM((EPT,), f32),
            pltpu.VMEM((N,), f32),
            pltpu.VMEM((EPT,), f32),
            pltpu.VMEM((EPT,), jnp.int32),
        ],
        compiler_params=_SC_PARAMS,
    )(src_e, dst_e, edge_attr, dinv)

    def make_agg(D, F, n_groups, n_reps, chunk):
        eps = E // n_reps
        nch = eps // chunk
        g_mask = n_groups - 1
        r_shift = n_groups.bit_length() - 1
        FN = F * N

        npairs = nch // 2
        assert nch % 2 == 0

        def body(pk_hbm, nrm_hbm, ht_hbm, out_hbm,
                 h_v, acc_v,
                 pk_v0, nrm_v0, pk_v1, nrm_v1,
                 sp0, sn0, sp1, sn1):
            wid = _wid()
            g = wid & g_mask
            r = wid >> r_shift
            ebase = r * eps
            E_tot = pk_hbm.shape[0]

            def issue(bufs, sems, ch):
                off = jnp.minimum(ebase + ch * chunk, E_tot - chunk)
                pltpu.async_copy(pk_hbm.at[pl.ds(off, chunk)], bufs[0], sems[0])
                pltpu.async_copy(nrm_hbm.at[pl.ds(off, chunk)], bufs[1], sems[1])

            def wait(bufs, sems):
                pltpu.make_async_copy(pk_hbm.at[pl.ds(0, chunk)], bufs[0], sems[0]).wait()
                pltpu.make_async_copy(nrm_hbm.at[pl.ds(0, chunk)], bufs[1], sems[1]).wait()

            def process(bufs):
                pk_v, nrm_v = bufs

                @plsc.parallel_loop(0, chunk, 16, unroll=4)
                def _agg(j):
                    sl = pl.ds(j, 16)
                    p = pk_v[sl]
                    s = p >> 16
                    d = p & 0xFFFF
                    nm = nrm_v[sl]
                    for f in range(F):
                        v = plsc.load_gather(h_v.at[pl.ds(f * N, N)], [s])
                        plsc.addupdate_scatter(acc_v.at[pl.ds(f * N, N)], [d], nm * v)

            b0 = (pk_v0, nrm_v0)
            b1 = (pk_v1, nrm_v1)
            s0 = (sp0, sn0)
            s1 = (sp1, sn1)

            issue(b0, s0, 0)
            pltpu.sync_copy(ht_hbm.at[pl.ds(g * FN, FN)], h_v)

            @plsc.parallel_loop(0, FN, 16, unroll=8)
            def _zero(i):
                acc_v[pl.ds(i, 16)] = _Z16()

            def pair_step(cp, _):
                ch0 = cp * 2
                issue(b1, s1, ch0 + 1)
                wait(b0, s0)
                process(b0)
                issue(b0, s0, ch0 + 2)
                wait(b1, s1)
                process(b1)
                return _

            lax.fori_loop(0, npairs, pair_step, None)
            wait(b0, s0)
            pltpu.sync_copy(acc_v, out_hbm.at[pl.ds(r * (D * N) + g * FN, FN)])

        return pl.kernel(
            body,
            out_type=jax.ShapeDtypeStruct((n_reps * D * N,), f32),
            mesh=_mesh(),
            scratch_types=[
                pltpu.VMEM((FN,), f32),
                pltpu.VMEM((FN,), f32),
                pltpu.VMEM((chunk,), jnp.int32),
                pltpu.VMEM((chunk,), f32),
                pltpu.VMEM((chunk,), jnp.int32),
                pltpu.VMEM((chunk,), f32),
                pltpu.SemaphoreType.DMA,
                pltpu.SemaphoreType.DMA,
                pltpu.SemaphoreType.DMA,
                pltpu.SemaphoreType.DMA,
            ],
            compiler_params=_SC_PARAMS,
        )

    def make_agg1(chunk):
        n_groups, n_reps = 16, 2
        eps = E // n_reps
        nch = eps // chunk
        assert nch % 2 == 0
        npairs = nch // 2
        N2 = 2 * N

        def body(pk_hbm, nrm_hbm, hpk_hbm, out_hbm,
                 h_v, acc_v, pk_v0, nrm_v0, pk_v1, nrm_v1, sp0, sn0, sp1, sn1):
            wid = _wid()
            g = wid & 15
            r = wid >> 4
            ebase = r * eps
            E_tot = pk_hbm.shape[0]

            def issue(bufs, sems, ch):
                off = jnp.minimum(ebase + ch * chunk, E_tot - chunk)
                pltpu.async_copy(pk_hbm.at[pl.ds(off, chunk)], bufs[0], sems[0])
                pltpu.async_copy(nrm_hbm.at[pl.ds(off, chunk)], bufs[1], sems[1])

            def wait(bufs, sems):
                pltpu.make_async_copy(pk_hbm.at[pl.ds(0, chunk)], bufs[0], sems[0]).wait()
                pltpu.make_async_copy(nrm_hbm.at[pl.ds(0, chunk)], bufs[1], sems[1]).wait()

            def process(bufs):
                pk_v, nrm_v = bufs

                @plsc.parallel_loop(0, chunk, 16, unroll=4)
                def _agg(j):
                    sl = pl.ds(j, 16)
                    p = pk_v[sl]
                    s = p >> 16
                    d = p & 0xFFFF
                    nm = nrm_v[sl]
                    for k in range(2):
                        pw = plsc.load_gather(h_v.at[pl.ds(k * N, N)], [s])
                        vlo = plsc.bitcast(pw << 16, f32)
                        vhi = plsc.bitcast(pw & jnp.int32(-65536), f32)
                        plsc.addupdate_scatter(acc_v.at[pl.ds(k * N, N)], [d], nm * vlo)
                        plsc.addupdate_scatter(acc_v.at[pl.ds((2 + k) * N, N)], [d], nm * vhi)

            b0 = (pk_v0, nrm_v0)
            b1 = (pk_v1, nrm_v1)
            s0 = (sp0, sn0)
            s1 = (sp1, sn1)
            issue(b0, s0, 0)
            pltpu.sync_copy(hpk_hbm.at[pl.ds(g * N2, N2)], h_v)

            @plsc.parallel_loop(0, 4 * N, 16, unroll=8)
            def _zero(i):
                acc_v[pl.ds(i, 16)] = _Z16()

            def pair_step(cp, _):
                ch0 = cp * 2
                issue(b1, s1, ch0 + 1)
                wait(b0, s0)
                process(b0)
                issue(b0, s0, ch0 + 2)
                wait(b1, s1)
                process(b1)
                return _

            lax.fori_loop(0, npairs, pair_step, None)
            wait(b0, s0)
            pltpu.sync_copy(acc_v.at[pl.ds(0, N2)],
                            out_hbm.at[pl.ds(r * (D_h * N) + (2 * g) * N, N2)])
            pltpu.sync_copy(acc_v.at[pl.ds(N2, N2)],
                            out_hbm.at[pl.ds(r * (D_h * N) + (32 + 2 * g) * N, N2)])

        return pl.kernel(
            body,
            out_type=jax.ShapeDtypeStruct((n_reps * D_h * N,), f32),
            mesh=_mesh(),
            scratch_types=[
                pltpu.VMEM((N2,), jnp.int32),
                pltpu.VMEM((4 * N,), f32),
                pltpu.VMEM((chunk,), jnp.int32),
                pltpu.VMEM((chunk,), f32),
                pltpu.VMEM((chunk,), jnp.int32),
                pltpu.VMEM((chunk,), f32),
                pltpu.SemaphoreType.DMA,
                pltpu.SemaphoreType.DMA,
                pltpu.SemaphoreType.DMA,
                pltpu.SemaphoreType.DMA,
            ],
            compiler_params=_SC_PARAMS,
        )

    p1 = make_agg1(8000)(packed, norm, h1pk.reshape(-1))

    perm = list(range(0, D_h, 2)) + list(range(1, D_h, 2))
    b1p = b1[jnp.array(perm)]
    W2r = W2[jnp.array(perm), :]

    lo_idx = [5 * g + k for g in range(8) for k in (0, 2, 4)]
    hi_idx = [min(5 * g + k, D_out - 1) for g in range(8) for k in (1, 3, 5)]
    W2lo = W2r[:, jnp.array(lo_idx)]
    W2hi = W2r[:, jnp.array(hi_idx)]

    def tc2(p_ref, h1t_ref, dinv_ref, w2_ref, w2lo_ref, w2hi_ref, b1_ref,
            h2t_ref, h2pk_ref):
        dinv = dinv_ref[...]
        o = p_ref[0] + p_ref[1] + (dinv * dinv) * h1t_ref[...]
        o = o + b1_ref[...][:, None]
        z = jnp.maximum(o, 0.0)
        h2t_ref[...] = lax.dot_general(
            w2_ref[...], z, (((0,), (0,)), ((), ())),
            preferred_element_type=f32)
        zlo = lax.dot_general(
            w2lo_ref[...], z, (((0,), (0,)), ((), ())),
            preferred_element_type=f32)
        zhi = lax.dot_general(
            w2hi_ref[...], z, (((0,), (0,)), ((), ())),
            preferred_element_type=f32)
        h2pk_ref[...] = _pack_bf16(zlo, zhi)

    h2T, h2pk = pl.pallas_call(
        tc2,
        out_shape=(jax.ShapeDtypeStruct((D_out, N), f32),
                   jax.ShapeDtypeStruct((24, N), jnp.int32)),
    )(p1.reshape(2, D_h, N), h1T, dinv, W2r, W2lo, W2hi, b1p)

    def make_agg2(chunk):
        n_groups, n_reps = 8, 4
        eps = E // n_reps
        nch = eps // chunk
        assert nch % 2 == 0
        npairs = nch // 2
        N3 = 3 * N
        N5 = 5 * N

        def body(pk_hbm, nrm_hbm, hpk_hbm, out_hbm,
                 h_v, acc_v, pk_v0, nrm_v0, pk_v1, nrm_v1, sp0, sn0, sp1, sn1):
            wid = _wid()
            g = wid & 7
            r = wid >> 3
            ebase = r * eps
            E_tot = pk_hbm.shape[0]

            def issue(bufs, sems, ch):
                off = jnp.minimum(ebase + ch * chunk, E_tot - chunk)
                pltpu.async_copy(pk_hbm.at[pl.ds(off, chunk)], bufs[0], sems[0])
                pltpu.async_copy(nrm_hbm.at[pl.ds(off, chunk)], bufs[1], sems[1])

            def wait(bufs, sems):
                pltpu.make_async_copy(pk_hbm.at[pl.ds(0, chunk)], bufs[0], sems[0]).wait()
                pltpu.make_async_copy(nrm_hbm.at[pl.ds(0, chunk)], bufs[1], sems[1]).wait()

            def process(bufs):
                pk_v, nrm_v = bufs

                @plsc.parallel_loop(0, chunk, 16, unroll=4)
                def _agg(j):
                    sl = pl.ds(j, 16)
                    p = pk_v[sl]
                    s = p >> 16
                    d = p & 0xFFFF
                    nm = nrm_v[sl]
                    for k in range(3):
                        pw = plsc.load_gather(h_v.at[pl.ds(k * N, N)], [s])
                        vlo = plsc.bitcast(pw << 16, f32)
                        plsc.addupdate_scatter(acc_v.at[pl.ds(2 * k * N, N)], [d], nm * vlo)
                        if k < 2:
                            vhi = plsc.bitcast(pw & jnp.int32(-65536), f32)
                            plsc.addupdate_scatter(acc_v.at[pl.ds((2 * k + 1) * N, N)], [d], nm * vhi)

            b0 = (pk_v0, nrm_v0)
            b1 = (pk_v1, nrm_v1)
            s0 = (sp0, sn0)
            s1 = (sp1, sn1)
            issue(b0, s0, 0)
            pltpu.sync_copy(hpk_hbm.at[pl.ds(g * N3, N3)], h_v)

            @plsc.parallel_loop(0, N5, 16, unroll=8)
            def _zero(i):
                acc_v[pl.ds(i, 16)] = _Z16()

            def pair_step(cp, _):
                ch0 = cp * 2
                issue(b1, s1, ch0 + 1)
                wait(b0, s0)
                process(b0)
                issue(b0, s0, ch0 + 2)
                wait(b1, s1)
                process(b1)
                return _

            lax.fori_loop(0, npairs, pair_step, None)
            wait(b0, s0)
            pltpu.sync_copy(acc_v, out_hbm.at[pl.ds(r * (D_out * N) + g * N5, N5)])

        return pl.kernel(
            body,
            out_type=jax.ShapeDtypeStruct((n_reps * D_out * N,), f32),
            mesh=_mesh(),
            scratch_types=[
                pltpu.VMEM((N3,), jnp.int32),
                pltpu.VMEM((N5,), f32),
                pltpu.VMEM((chunk,), jnp.int32),
                pltpu.VMEM((chunk,), f32),
                pltpu.VMEM((chunk,), jnp.int32),
                pltpu.VMEM((chunk,), f32),
                pltpu.SemaphoreType.DMA,
                pltpu.SemaphoreType.DMA,
                pltpu.SemaphoreType.DMA,
                pltpu.SemaphoreType.DMA,
            ],
            compiler_params=_SC_PARAMS,
        )

    p2 = make_agg2(8000)(packed, norm, h2pk.reshape(-1))

    def tc3(p_ref, h2t_ref, dinv_ref, b2_ref, out_ref):
        dinv = dinv_ref[...]
        o = p_ref[0] + p_ref[1] + p_ref[2] + p_ref[3]
        o = o + (dinv * dinv) * h2t_ref[...] + b2_ref[...][:, None]
        m = jnp.max(o, axis=0, keepdims=True)
        e = jnp.exp(o - m)
        sm = e / jnp.sum(e, axis=0, keepdims=True)
        out_ref[...] = jnp.transpose(sm, (1, 0))

    out = pl.pallas_call(
        tc3,
        out_shape=jax.ShapeDtypeStruct((N, D_out), f32),
    )(p2.reshape(4, D_out, N), h2T, dinv, b2)
    return out

# --- scband reference (transcript-rebuilt; emitter-appended) ---
"""Pipeline reference for scband-gcn-15504831938806 (READ-ONLY COPY).

The authoritative reference and input builder live on the scoring server;
editing this copy changes nothing except your own understanding.
"""

import jax, jax.numpy as jnp
import numpy as np

N = 10000
E = 320000
D_IN = 128
D_H = 64
D_OUT = 40


def setup_inputs(seed: int = 0) -> dict:
    key = jax.random.key(seed)
    ks = jax.random.split(key, 8)
    x = jax.random.normal(ks[0], (N, D_IN), dtype=jnp.float32)
    edge_index = jax.random.randint(ks[1], (2, E), 0, N, dtype=jnp.int32)
    edge_attr = jax.random.uniform(ks[2], (E,), dtype=jnp.float32)
    # GCNConv layer 1: in_channels=128 -> n_hidden_gcn=64 (glorot init, zero bias)
    W1 = jax.random.normal(ks[3], (D_IN, D_H), dtype=jnp.float32) * (1.0 / np.sqrt(D_IN))
    b1 = jnp.zeros((D_H,), dtype=jnp.float32)
    # GCNConv layer 2: n_hidden_gcn=64 -> out_channels=40
    W2 = jax.random.normal(ks[4], (D_H, D_OUT), dtype=jnp.float32) * (1.0 / np.sqrt(D_H))
    b2 = jnp.zeros((D_OUT,), dtype=jnp.float32)
    return {"x": x, "edge_index": edge_index, "edge_attr": edge_attr,
            "W1": W1, "b1": b1, "W2": W2, "b2": b2}


def _gcn_conv(x, src, dst, w, W, b):
    # PyG GCNConv: h = x @ W; symmetric normalization with edge weights;
    # out[dst] += deg^-1/2[src] * w * deg^-1/2[dst] * h[src]; out += b
    h = x @ W
    deg = jnp.zeros((N,), dtype=x.dtype).at[dst].add(w)
    dinv = jax.lax.rsqrt(deg)  # deg >= 1 always (self loops have weight 1)
    norm = dinv[src] * w * dinv[dst]
    out = jnp.zeros((N, W.shape[1]), dtype=x.dtype).at[dst].add(norm[:, None] * h[src])
    return out + b


def reference(x, edge_index, edge_attr, W1, b1, W2, b2):
    # add self loops once (both GCNConv layers use add_self_loops=True with fill_value=1)
    loop = jnp.arange(N, dtype=edge_index.dtype)
    src = jnp.concatenate([edge_index[0], loop])
    dst = jnp.concatenate([edge_index[1], loop])
    w = jnp.concatenate([edge_attr, jnp.ones((N,), dtype=x.dtype)])
    # layer 1 + ReLU (dropout is identity in eval mode)
    h = _gcn_conv(x, src, dst, w, W1, b1)
    h = jax.nn.relu(h)
    # layer 2
    out = _gcn_conv(h, src, dst, w, W2, b2)
    return jax.nn.softmax(out, axis=-1)

if __name__ == "__main__":
    import jax
    _d = setup_inputs()
    print(jax.jit(kernel)(*tuple(_d.values())))

</pallas_src>

<mosaic_0001>
#map = affine_map<(d0, d1) -> (0)>
module attributes {stable_mosaic.version = 14 : i64} {
  func.func @deg_body(%arg0: i32, %arg1: i32, %arg2: memref<320000xi32, #tpu.memory_space<hbm>>, %arg3: memref<320000xf32, #tpu.memory_space<hbm>>, %arg4: memref<320000xf32, #tpu.memory_space<hbm>>, %arg5: memref<10000xi32, #tpu.memory_space<vmem>>, %arg6: memref<10000xf32, #tpu.memory_space<vmem>>, %arg7: memref<10000xf32, #tpu.memory_space<vmem>>) attributes {dimension_semantics = [#tpu.dimension_semantics<core_parallel>, #tpu.dimension_semantics<subcore_parallel>], iteration_bounds = array<i64: 2, 16>, scalar_prefetch = 0 : i64, scratch_operands = 3 : i64, tpu.core_type = #tpu.core_type<sc_vector_subcore>, window_params = [{transform_indices = #map}, {transform_indices = #map}, {transform_indices = #map}]} {
    %mul3A = arith.constant 2 : i32
    %mul3A_0 = arith.muli %arg1, %mul3A : i32
    %add3A = arith.addi %mul3A_0, %arg0 : i32
    %mul3A_1 = arith.constant 10000 : i32
    %mul3A_2 = arith.muli %add3A, %mul3A_1 : i32
    %parallel_loop3A = arith.constant 0 : i32
    %parallel_loop3A_3 = arith.constant 10000 : i32
    %parallel_loop3A_4 = arith.constant 16 : i32
    scf.for %parallel_loop3A_10 = %parallel_loop3A to %parallel_loop3A_3 step %parallel_loop3A_4  : i32 {
      %parallel_loop3A_11 = arith.constant 0.000000e+00 : f32
      %parallel_loop3A_12 = vector.broadcast %parallel_loop3A_11 : f32 to vector<16xf32>
      %parallel_loop3A_13 = arith.index_cast %parallel_loop3A_10 : i32 to index
      %parallel_loop3A_14 = tpu.vector_load %arg7[%parallel_loop3A_13] {strides = array<i32>} : memref<10000xf32, #tpu.memory_space<vmem>>, vector<16xf32>,
      tpu.vector_store %arg7[%parallel_loop3A_13], %parallel_loop3A_12 {strides = array<i32>} : memref<10000xf32, #tpu.memory_space<vmem>>, vector<16xf32>,
    } {sc.loop_unroll_factor = 8 : i64, sc.parallel_access}
    "tpu.region"() ({
      %run_scoped3A = tpu.sem_alloc : memref<!tpu.dma_semaphore, #tpu.memory_space<semaphore_mem>>
      %dma_start3A = tpu.memref_slice %arg2[%mul3A_2] : memref<320000xi32, #tpu.memory_space<hbm>> -> memref<10000xi32, #tpu.memory_space<hbm>>
      %dma_start3A_10 = tpu.memref_slice %arg2[%mul3A_2] : memref<320000xi32, #tpu.memory_space<hbm>> -> memref<10000xi32, #tpu.memory_space<hbm>>
      tpu.enqueue_dma source(%dma_start3A_10 : memref<10000xi32, #tpu.memory_space<hbm>>) target(%arg5 : memref<10000xi32, #tpu.memory_space<vmem>>) target_semaphore(%run_scoped3A : memref<!tpu.dma_semaphore, #tpu.memory_space<semaphore_mem>>)
      %dma_wait3A = tpu.memref_slice %arg2[%mul3A_2] : memref<320000xi32, #tpu.memory_space<hbm>> -> memref<10000xi32, #tpu.memory_space<hbm>>
      %dma_wait3A_11 = tpu.memref_slice %arg2[%mul3A_2] : memref<320000xi32, #tpu.memory_space<hbm>> -> memref<10000xi32, #tpu.memory_space<hbm>>
      tpu.wait_dma2 semaphore(%run_scoped3A : memref<!tpu.dma_semaphore, #tpu.memory_space<semaphore_mem>>) src(%dma_wait3A_11 : memref<10000xi32, #tpu.memory_space<hbm>>) dst(%arg5 : memref<10000xi32, #tpu.memory_space<vmem>>)
      tpu.yield
    }) : () -> ()
    "tpu.region"() ({
      %run_scoped3A = tpu.sem_alloc : memref<!tpu.dma_semaphore, #tpu.memory_space<semaphore_mem>>
      %dma_start3A = tpu.memref_slice %arg3[%mul3A_2] : memref<320000xf32, #tpu.memory_space<hbm>> -> memref<10000xf32, #tpu.memory_space<hbm>>
      %dma_start3A_10 = tpu.memref_slice %arg3[%mul3A_2] : memref<320000xf32, #tpu.memory_space<hbm>> -> memref<10000xf32, #tpu.memory_space<hbm>>
      tpu.enqueue_dma source(%dma_start3A_10 : memref<10000xf32, #tpu.memory_space<hbm>>) target(%arg6 : memref<10000xf32, #tpu.memory_space<vmem>>) target_semaphore(%run_scoped3A : memref<!tpu.dma_semaphore, #tpu.memory_space<semaphore_mem>>)
      %dma_wait3A = tpu.memref_slice %arg3[%mul3A_2] : memref<320000xf32, #tpu.memory_space<hbm>> -> memref<10000xf32, #tpu.memory_space<hbm>>
      %dma_wait3A_11 = tpu.memref_slice %arg3[%mul3A_2] : memref<320000xf32, #tpu.memory_space<hbm>> -> memref<10000xf32, #tpu.memory_space<hbm>>
      tpu.wait_dma2 semaphore(%run_scoped3A : memref<!tpu.dma_semaphore, #tpu.memory_space<semaphore_mem>>) src(%dma_wait3A_11 : memref<10000xf32, #tpu.memory_space<hbm>>) dst(%arg6 : memref<10000xf32, #tpu.memory_space<vmem>>)
      tpu.yield
    }) : () -> ()
    %parallel_loop3A_5 = arith.constant 0 : i32
    %parallel_loop3A_6 = arith.constant 10000 : i32
    %parallel_loop3A_7 = arith.constant 16 : i32
    scf.for %parallel_loop3A_10 = %parallel_loop3A_5 to %parallel_loop3A_6 step %parallel_loop3A_7  : i32 {
      %parallel_loop3A_11 = arith.index_cast %parallel_loop3A_10 : i32 to index
      %parallel_loop3A_12 = tpu.vector_load %arg5[%parallel_loop3A_11] {strides = array<i32>} : memref<10000xi32, #tpu.memory_space<vmem>>, vector<16xi32>,
      %parallel_loop3A_13 = arith.index_cast %parallel_loop3A_10 : i32 to index
      %parallel_loop3A_14 = tpu.vector_load %arg6[%parallel_loop3A_13] {strides = array<i32>} : memref<10000xf32, #tpu.memory_space<vmem>>, vector<16xf32>,
      tpu.vector_store_idx %arg7[%parallel_loop3A_12], %parallel_loop3A_14 {add = true} : memref<10000xf32, #tpu.memory_space<vmem>>[vector<16xi32>], vector<16xf32>,
    } {sc.loop_unroll_factor = 8 : i64, sc.parallel_access}
    %mul3A_8 = arith.constant 10000 : i32
    %mul3A_9 = arith.muli %add3A, %mul3A_8 : i32
    "tpu.region"() ({
      %run_scoped3A = tpu.sem_alloc : memref<!tpu.dma_semaphore, #tpu.memory_space<semaphore_mem>>
      %dma_start3A = tpu.memref_slice %arg4[%mul3A_9] : memref<320000xf32, #tpu.memory_space<hbm>> -> memref<10000xf32, #tpu.memory_space<hbm>>
      %dma_start3A_10 = tpu.memref_slice %arg4[%mul3A_9] : memref<320000xf32, #tpu.memory_space<hbm>> -> memref<10000xf32, #tpu.memory_space<hbm>>
      tpu.enqueue_dma source(%arg7 : memref<10000xf32, #tpu.memory_space<vmem>>) target(%dma_start3A_10 : memref<10000xf32, #tpu.memory_space<hbm>>) target_semaphore(%run_scoped3A : memref<!tpu.dma_semaphore, #tpu.memory_space<semaphore_mem>>)
      %dma_wait3A = tpu.memref_slice %arg4[%mul3A_9] : memref<320000xf32, #tpu.memory_space<hbm>> -> memref<10000xf32, #tpu.memory_space<hbm>>
      %dma_wait3A_11 = tpu.memref_slice %arg4[%mul3A_9] : memref<320000xf32, #tpu.memory_space<hbm>> -> memref<10000xf32, #tpu.memory_space<hbm>>
      tpu.wait_dma2 semaphore(%run_scoped3A : memref<!tpu.dma_semaphore, #tpu.memory_space<semaphore_mem>>) src(%arg7 : memref<10000xf32, #tpu.memory_space<vmem>>) dst(%dma_wait3A_11 : memref<10000xf32, #tpu.memory_space<hbm>>)
      tpu.yield
    }) : () -> ()
    return
  }
}

#map = affine_map<(d0, d1) -> (0)>
module attributes {stable_mosaic.version = 14 : i64} {
  func.func @norm_body(%arg0: i32, %arg1: i32, %arg2: memref<320000xi32, #tpu.memory_space<hbm>>, %arg3: memref<320000xi32, #tpu.memory_space<hbm>>, %arg4: memref<320000xf32, #tpu.memory_space<hbm>>, %arg5: memref<10000xf32, #tpu.memory_space<hbm>>, %arg6: memref<320000xf32, #tpu.memory_space<hbm>>, %arg7: memref<320000xi32, #tpu.memory_space<hbm>>, %arg8: memref<10000xi32, #tpu.memory_space<vmem>>, %arg9: memref<10000xi32, #tpu.memory_space<vmem>>, %arg10: memref<10000xf32, #tpu.memory_space<vmem>>, %arg11: memref<10000xf32, #tpu.memory_space<vmem>>, %arg12: memref<10000xf32, #tpu.memory_space<vmem>>, %arg13: memref<10000xi32, #tpu.memory_space<vmem>>) attributes {dimension_semantics = [#tpu.dimension_semantics<core_parallel>, #tpu.dimension_semantics<subcore_parallel>], iteration_bounds = array<i64: 2, 16>, scalar_prefetch = 0 : i64, scratch_operands = 6 : i64, tpu.core_type = #tpu.core_type<sc_vector_subcore>, window_params = [{transform_indices = #map}, {transform_indices = #map}, {transform_indices = #map}, {transform_indices = #map}, {transform_indices = #map}, {transform_indices = #map}]} {
    %mul3A = arith.constant 2 : i32
    %mul3A_0 = arith.muli %arg1, %mul3A : i32
    %add3A = arith.addi %mul3A_0, %arg0 : i32
    %mul3A_1 = arith.constant 10000 : i32
    %mul3A_2 = arith.muli %add3A, %mul3A_1 : i32
    "tpu.region"() ({
      %run_scoped3A = tpu.sem_alloc : memref<!tpu.dma_semaphore, #tpu.memory_space<semaphore_mem>>
      tpu.enqueue_dma source(%arg5 : memref<10000xf32, #tpu.memory_space<hbm>>) target(%arg11 : memref<10000xf32, #tpu.memory_space<vmem>>) target_semaphore(%run_scoped3A : memref<!tpu.dma_semaphore, #tpu.memory_space<semaphore_mem>>)
      tpu.wait_dma2 semaphore(%run_scoped3A : memref<!tpu.dma_semaphore, #tpu.memory_space<semaphore_mem>>) src(%arg5 : memref<10000xf32, #tpu.memory_space<hbm>>) dst(%arg11 : memref<10000xf32, #tpu.memory_space<vmem>>)
      tpu.yield
    }) : () -> ()
    "tpu.region"() ({
      %run_scoped3A = tpu.sem_alloc : memref<!tpu.dma_semaphore, #tpu.memory_space<semaphore_mem>>
      %dma_start3A = tpu.memref_slice %arg2[%mul3A_2] : memref<320000xi32, #tpu.memory_space<hbm>> -> memref<10000xi32, #tpu.memory_space<hbm>>
      %dma_start3A_5 = tpu.memref_slice %arg2[%mul3A_2] : memref<320000xi32, #tpu.memory_space<hbm>> -> memref<10000xi32, #tpu.memory_space<hbm>>
      tpu.enqueue_dma source(%dma_start3A_5 : memref<10000xi32, #tpu.memory_space<hbm>>) target(%arg8 : memref<10000xi32, #tpu.memory_space<vmem>>) target_semaphore(%run_scoped3A : memref<!tpu.dma_semaphore, #tpu.memory_space<semaphore_mem>>)
      %dma_wait3A = tpu.memref_slice %arg2[%mul3A_2] : memref<320000xi32, #tpu.memory_space<hbm>> -> memref<10000xi32, #tpu.memory_space<hbm>>
      %dma_wait3A_6 = tpu.memref_slice %arg2[%mul3A_2] : memref<320000xi32, #tpu.memory_space<hbm>> -> memref<10000xi32, #tpu.memory_space<hbm>>
      tpu.wait_dma2 semaphore(%run_scoped3A : memref<!tpu.dma_semaphore, #tpu.memory_space<semaphore_mem>>) src(%dma_wait3A_6 : memref<10000xi32, #tpu.memory_space<hbm>>) dst(%arg8 : memref<10000xi32, #tpu.memory_space<vmem>>)
      tpu.yield
    }) : () -> ()
    "tpu.region"() ({
      %run_scoped3A = tpu.sem_alloc : memref<!tpu.dma_semaphore, #tpu.memory_space<semaphore_mem>>
      %dma_start3A = tpu.memref_slice %arg3[%mul3A_2] : memref<320000xi32, #tpu.memory_space<hbm>> -> memref<10000xi32, #tpu.memory_space<hbm>>
      %dma_start3A_5 = tpu.memref_slice %arg3[%mul3A_2] : memref<320000xi32, #tpu.memory_space<hbm>> -> memref<10000xi32, #tpu.memory_space<hbm>>
      tpu.enqueue_dma source(%dma_start3A_5 : memref<10000xi32, #tpu.memory_space<hbm>>) target(%arg9 : memref<10000xi32, #tpu.memory_space<vmem>>) target_semaphore(%run_scoped3A : memref<!tpu.dma_semaphore, #tpu.memory_space<semaphore_mem>>)
      %dma_wait3A = tpu.memref_slice %arg3[%mul3A_2] : memref<320000xi32, #tpu.memory_space<hbm>> -> memref<10000xi32, #tpu.memory_space<hbm>>
      %dma_wait3A_6 = tpu.memref_slice %arg3[%mul3A_2] : memref<320000xi32, #tpu.memory_space<hbm>> -> memref<10000xi32, #tpu.memory_space<hbm>>
      tpu.wait_dma2 semaphore(%run_scoped3A : memref<!tpu.dma_semaphore, #tpu.memory_space<semaphore_mem>>) src(%dma_wait3A_6 : memref<10000xi32, #tpu.memory_space<hbm>>) dst(%arg9 : memref<10000xi32, #tpu.memory_space<vmem>>)
      tpu.yield
    }) : () -> ()
    "tpu.region"() ({
      %run_scoped3A = tpu.sem_alloc : memref<!tpu.dma_semaphore, #tpu.memory_space<semaphore_mem>>
      %dma_start3A = tpu.memref_slice %arg4[%mul3A_2] : memref<320000xf32, #tpu.memory_space<hbm>> -> memref<10000xf32, #tpu.memory_space<hbm>>
      %dma_start3A_5 = tpu.memref_slice %arg4[%mul3A_2] : memref<320000xf32, #tpu.memory_space<hbm>> -> memref<10000xf32, #tpu.memory_space<hbm>>
      tpu.enqueue_dma source(%dma_start3A_5 : memref<10000xf32, #tpu.memory_space<hbm>>) target(%arg10 : memref<10000xf32, #tpu.memory_space<vmem>>) target_semaphore(%run_scoped3A : memref<!tpu.dma_semaphore, #tpu.memory_space<semaphore_mem>>)
      %dma_wait3A = tpu.memref_slice %arg4[%mul3A_2] : memref<320000xf32, #tpu.memory_space<hbm>> -> memref<10000xf32, #tpu.memory_space<hbm>>
      %dma_wait3A_6 = tpu.memref_slice %arg4[%mul3A_2] : memref<320000xf32, #tpu.memory_space<hbm>> -> memref<10000xf32, #tpu.memory_space<hbm>>
      tpu.wait_dma2 semaphore(%run_scoped3A : memref<!tpu.dma_semaphore, #tpu.memory_space<semaphore_mem>>) src(%dma_wait3A_6 : memref<10000xf32, #tpu.memory_space<hbm>>) dst(%arg10 : memref<10000xf32, #tpu.memory_space<vmem>>)
      tpu.yield
    }) : () -> ()
    %parallel_loop3A = arith.constant 0 : i32
    %parallel_loop3A_3 = arith.constant 10000 : i32
    %parallel_loop3A_4 = arith.constant 16 : i32
    scf.for %parallel_loop3A_5 = %parallel_loop3A to %parallel_loop3A_3 step %parallel_loop3A_4  : i32 {
      %parallel_loop3A_6 = arith.index_cast %parallel_loop3A_5 : i32 to index
      %parallel_loop3A_7 = tpu.vector_load %arg8[%parallel_loop3A_6] {strides = array<i32>} : memref<10000xi32, #tpu.memory_space<vmem>>, vector<16xi32>,
      %parallel_loop3A_8 = arith.index_cast %parallel_loop3A_5 : i32 to index
      %parallel_loop3A_9 = tpu.vector_load %arg9[%parallel_loop3A_8] {strides = array<i32>} : memref<10000xi32, #tpu.memory_space<vmem>>, vector<16xi32>,
      %parallel_loop3A_10 = arith.index_cast %parallel_loop3A_5 : i32 to index
      %parallel_loop3A_11 = tpu.vector_load %arg10[%parallel_loop3A_10] {strides = array<i32>} : memref<10000xf32, #tpu.memory_space<vmem>>, vector<16xf32>,
      %parallel_loop3A_12 = tpu.vector_load_idx %arg11[%parallel_loop3A_7] : memref<10000xf32, #tpu.memory_space<vmem>>[vector<16xi32>], vector<16xf32>,
      %parallel_loop3A_13 = arith.mulf %parallel_loop3A_12, %parallel_loop3A_11 : vector<16xf32>
      %parallel_loop3A_14 = tpu.vector_load_idx %arg11[%parallel_loop3A_9] : memref<10000xf32, #tpu.memory_space<vmem>>[vector<16xi32>], vector<16xf32>,
      %parallel_loop3A_15 = arith.mulf %parallel_loop3A_13, %parallel_loop3A_14 : vector<16xf32>
      %parallel_loop3A_16 = arith.index_cast %parallel_loop3A_5 : i32 to index
      %parallel_loop3A_17 = tpu.vector_load %arg12[%parallel_loop3A_16] {strides = array<i32>} : memref<10000xf32, #tpu.memory_space<vmem>>, vector<16xf32>,
      tpu.vector_store %arg12[%parallel_loop3A_16], %parallel_loop3A_15 {strides = array<i32>} : memref<10000xf32, #tpu.memory_space<vmem>>, vector<16xf32>,
      %parallel_loop3A_18 = arith.constant 16 : i32
      %parallel_loop3A_19 = vector.broadcast %parallel_loop3A_18 : i32 to vector<16xi32>
      %parallel_loop3A_20 = arith.shli %parallel_loop3A_7, %parallel_loop3A_19 : vector<16xi32>
      %parallel_loop3A_21 = arith.ori %parallel_loop3A_20, %parallel_loop3A_9 : vector<16xi32>
      %parallel_loop3A_22 = arith.index_cast %parallel_loop3A_5 : i32 to index
      %parallel_loop3A_23 = tpu.vector_load %arg13[%parallel_loop3A_22] {strides = array<i32>} : memref<10000xi32, #tpu.memory_space<vmem>>, vector<16xi32>,
      tpu.vector_store %arg13[%parallel_loop3A_22], %parallel_loop3A_21 {strides = array<i32>} : memref<10000xi32, #tpu.memory_space<vmem>>, vector<16xi32>,
    } {sc.loop_unroll_factor = 8 : i64, sc.parallel_access}
    "tpu.region"() ({
      %run_scoped3A = tpu.sem_alloc : memref<!tpu.dma_semaphore, #tpu.memory_space<semaphore_mem>>
      %dma_start3A = tpu.memref_slice %arg6[%mul3A_2] : memref<320000xf32, #tpu.memory_space<hbm>> -> memref<10000xf32, #tpu.memory_space<hbm>>
      %dma_start3A_5 = tpu.memref_slice %arg6[%mul3A_2] : memref<320000xf32, #tpu.memory_space<hbm>> -> memref<10000xf32, #tpu.memory_space<hbm>>
      tpu.enqueue_dma source(%arg12 : memref<10000xf32, #tpu.memory_space<vmem>>) target(%dma_start3A_5 : memref<10000xf32, #tpu.memory_space<hbm>>) target_semaphore(%run_scoped3A : memref<!tpu.dma_semaphore, #tpu.memory_space<semaphore_mem>>)
      %dma_wait3A = tpu.memref_slice %arg6[%mul3A_2] : memref<320000xf32, #tpu.memory_space<hbm>> -> memref<10000xf32, #tpu.memory_space<hbm>>
      %dma_wait3A_6 = tpu.memref_slice %arg6[%mul3A_2] : memref<320000xf32, #tpu.memory_space<hbm>> -> memref<10000xf32, #tpu.memory_space<hbm>>
      tpu.wait_dma2 semaphore(%run_scoped3A : memref<!tpu.dma_semaphore, #tpu.memory_space<semaphore_mem>>) src(%arg12 : memref<10000xf32, #tpu.memory_space<vmem>>) dst(%dma_wait3A_6 : memref<10000xf32, #tpu.memory_space<hbm>>)
      tpu.yield
    }) : () -> ()
    "tpu.region"() ({
      %run_scoped3A = tpu.sem_alloc : memref<!tpu.dma_semaphore, #tpu.memory_space<semaphore_mem>>
      %dma_start3A = tpu.memref_slice %arg7[%mul3A_2] : memref<320000xi32, #tpu.memory_space<hbm>> -> memref<10000xi32, #tpu.memory_space<hbm>>
      %dma_start3A_5 = tpu.memref_slice %arg7[%mul3A_2] : memref<320000xi32, #tpu.memory_space<hbm>> -> memref<10000xi32, #tpu.memory_space<hbm>>
      tpu.enqueue_dma source(%arg13 : memref<10000xi32, #tpu.memory_space<vmem>>) target(%dma_start3A_5 : memref<10000xi32, #tpu.memory_space<hbm>>) target_semaphore(%run_scoped3A : memref<!tpu.dma_semaphore, #tpu.memory_space<semaphore_mem>>)
      %dma_wait3A = tpu.memref_slice %arg7[%mul3A_2] : memref<320000xi32, #tpu.memory_space<hbm>> -> memref<10000xi32, #tpu.memory_space<hbm>>
      %dma_wait3A_6 = tpu.memref_slice %arg7[%mul3A_2] : memref<320000xi32, #tpu.memory_space<hbm>> -> memref<10000xi32, #tpu.memory_space<hbm>>
      tpu.wait_dma2 semaphore(%run_scoped3A : memref<!tpu.dma_semaphore, #tpu.memory_space<semaphore_mem>>) src(%arg13 : memref<10000xi32, #tpu.memory_space<vmem>>) dst(%dma_wait3A_6 : memref<10000xi32, #tpu.memory_space<hbm>>)
      tpu.yield
    }) : () -> ()
    return
  }
}

#map = affine_map<(d0, d1) -> (0)>
module attributes {stable_mosaic.version = 14 : i64} {
  func.func @body(%arg0: i32, %arg1: i32, %arg2: memref<320000xi32, #tpu.memory_space<hbm>>, %arg3: memref<320000xf32, #tpu.memory_space<hbm>>, %arg4: memref<320000xi32, #tpu.memory_space<hbm>>, %arg5: memref<1280000xf32, #tpu.memory_space<hbm>>, %arg6: memref<20000xi32, #tpu.memory_space<vmem>>, %arg7: memref<40000xf32, #tpu.memory_space<vmem>>, %arg8: memref<8000xi32, #tpu.memory_space<vmem>>, %arg9: memref<8000xf32, #tpu.memory_space<vmem>>, %arg10: memref<8000xi32, #tpu.memory_space<vmem>>, %arg11: memref<8000xf32, #tpu.memory_space<vmem>>, %arg12: memref<!tpu.dma_semaphore, #tpu.memory_space<semaphore_mem>>, %arg13: memref<!tpu.dma_semaphore, #tpu.memory_space<semaphore_mem>>, %arg14: memref<!tpu.dma_semaphore, #tpu.memory_space<semaphore_mem>>, %arg15: memref<!tpu.dma_semaphore, #tpu.memory_space<semaphore_mem>>) attributes {dimension_semantics = [#tpu.dimension_semantics<core_parallel>, #tpu.dimension_semantics<subcore_parallel>], iteration_bounds = array<i64: 2, 16>, scalar_prefetch = 0 : i64, scratch_operands = 10 : i64, tpu.core_type = #tpu.core_type<sc_vector_subcore>, window_params = [{transform_indices = #map}, {transform_indices = #map}, {transform_indices = #map}, {transform_indices = #map}]} {
    %mul3A = arith.constant 2 : i32
    %mul3A_0 = arith.muli %arg1, %mul3A : i32
    %add3A = arith.addi %mul3A_0, %arg0 : i32
    %and3A = arith.constant 15 : i32
    %and3A_1 = arith.andi %add3A, %and3A : i32
    %shift_right_arithmetic3A = arith.constant 4 : i32
    %shift_right_arithmetic3A_2 = arith.shrsi %add3A, %shift_right_arithmetic3A : i32
    %mul3A_3 = arith.constant 160000 : i32
    %mul3A_4 = arith.muli %shift_right_arithmetic3A_2, %mul3A_3 : i32
    %add3A_5 = arith.constant 0 : i32
    %add3A_6 = arith.addi %mul3A_4, %add3A_5 : i32
    %min3A = arith.constant 312000 : i32
    %min3A_7 = arith.minsi %add3A_6, %min3A : i32
    %dma_start3A = tpu.memref_slice %arg2[%min3A_7] : memref<320000xi32, #tpu.memory_space<hbm>> -> memref<8000xi32, #tpu.memory_space<hbm>>
    %dma_start3A_8 = tpu.memref_slice %arg2[%min3A_7] : memref<320000xi32, #tpu.memory_space<hbm>> -> memref<8000xi32, #tpu.memory_space<hbm>>
    tpu.enqueue_dma source(%dma_start3A_8 : memref<8000xi32, #tpu.memory_space<hbm>>) target(%arg8 : memref<8000xi32, #tpu.memory_space<vmem>>) target_semaphore(%arg12 : memref<!tpu.dma_semaphore, #tpu.memory_space<semaphore_mem>>)
    %dma_start3A_9 = tpu.memref_slice %arg3[%min3A_7] : memref<320000xf32, #tpu.memory_space<hbm>> -> memref<8000xf32, #tpu.memory_space<hbm>>
    %dma_start3A_10 = tpu.memref_slice %arg3[%min3A_7] : memref<320000xf32, #tpu.memory_space<hbm>> -> memref<8000xf32, #tpu.memory_space<hbm>>
    tpu.enqueue_dma source(%dma_start3A_10 : memref<8000xf32, #tpu.memory_space<hbm>>) target(%arg9 : memref<8000xf32, #tpu.memory_space<vmem>>) target_semaphore(%arg13 : memref<!tpu.dma_semaphore, #tpu.memory_space<semaphore_mem>>)
    %mul3A_11 = arith.constant 20000 : i32
    %mul3A_12 = arith.muli %and3A_1, %mul3A_11 : i32
    "tpu.region"() ({
      %run_scoped3A = tpu.sem_alloc : memref<!tpu.dma_semaphore, #tpu.memory_space<semaphore_mem>>
      %dma_start3A_42 = tpu.memref_slice %arg4[%mul3A_12] : memref<320000xi32, #tpu.memory_space<hbm>> -> memref<20000xi32, #tpu.memory_space<hbm>>
      %dma_start3A_43 = tpu.memref_slice %arg4[%mul3A_12] : memref<320000xi32, #tpu.memory_space<hbm>> -> memref<20000xi32, #tpu.memory_space<hbm>>
      tpu.enqueue_dma source(%dma_start3A_43 : memref<20000xi32, #tpu.memory_space<hbm>>) target(%arg6 : memref<20000xi32, #tpu.memory_space<vmem>>) target_semaphore(%run_scoped3A : memref<!tpu.dma_semaphore, #tpu.memory_space<semaphore_mem>>)
      %dma_wait3A_44 = tpu.memref_slice %arg4[%mul3A_12] : memref<320000xi32, #tpu.memory_space<hbm>> -> memref<20000xi32, #tpu.memory_space<hbm>>
      %dma_wait3A_45 = tpu.memref_slice %arg4[%mul3A_12] : memref<320000xi32, #tpu.memory_space<hbm>> -> memref<20000xi32, #tpu.memory_space<hbm>>
      tpu.wait_dma2 semaphore(%run_scoped3A : memref<!tpu.dma_semaphore, #tpu.memory_space<semaphore_mem>>) src(%dma_wait3A_45 : memref<20000xi32, #tpu.memory_space<hbm>>) dst(%arg6 : memref<20000xi32, #tpu.memory_space<vmem>>)
      tpu.yield
    }) : () -> ()
    %parallel_loop3A = arith.constant 0 : i32
    %parallel_loop3A_13 = arith.constant 40000 : i32
    %parallel_loop3A_14 = arith.constant 16 : i32
    scf.for %parallel_loop3A_42 = %parallel_loop3A to %parallel_loop3A_13 step %parallel_loop3A_14  : i32 {
      %parallel_loop3A_43 = arith.constant 0.000000e+00 : f32
      %parallel_loop3A_44 = vector.broadcast %parallel_loop3A_43 : f32 to vector<16xf32>
      %parallel_loop3A_45 = arith.index_cast %parallel_loop3A_42 : i32 to index
      %parallel_loop3A_46 = tpu.vector_load %arg7[%parallel_loop3A_45] {strides = array<i32>} : memref<40000xf32, #tpu.memory_space<vmem>>, vector<16xf32>,
      tpu.vector_store %arg7[%parallel_loop3A_45], %parallel_loop3A_44 {strides = array<i32>} : memref<40000xf32, #tpu.memory_space<vmem>>, vector<16xf32>,
    } {sc.loop_unroll_factor = 8 : i64, sc.parallel_access}
    %scan3A = arith.constant 0 : i32
    %scan3A_15 = arith.constant 10 : i32
    %scan3A_16 = arith.addi %scan3A, %scan3A_15 : i32
    %scan3A_17 = arith.constant 1 : i32
    scf.for %scan3A_42 = %scan3A to %scan3A_16 step %scan3A_17  : i32 {
      %mul3A_43 = arith.constant 2 : i32
      %mul3A_44 = arith.muli %scan3A_42, %mul3A_43 : i32
      %add3A_45 = arith.constant 1 : i32
      %add3A_46 = arith.addi %mul3A_44, %add3A_45 : i32
      %mul3A_47 = arith.constant 8000 : i32
      %mul3A_48 = arith.muli %add3A_46, %mul3A_47 : i32
      %add3A_49 = arith.addi %mul3A_4, %mul3A_48 : i32
      %min3A_50 = arith.constant 312000 : i32
      %min3A_51 = arith.minsi %add3A_49, %min3A_50 : i32
      %dma_start3A_52 = tpu.memref_slice %arg2[%min3A_51] : memref<320000xi32, #tpu.memory_space<hbm>> -> memref<8000xi32, #tpu.memory_space<hbm>>
      %dma_start3A_53 = tpu.memref_slice %arg2[%min3A_51] : memref<320000xi32, #tpu.memory_space<hbm>> -> memref<8000xi32, #tpu.memory_space<hbm>>
      tpu.enqueue_dma source(%dma_start3A_53 : memref<8000xi32, #tpu.memory_space<hbm>>) target(%arg10 : memref<8000xi32, #tpu.memory_space<vmem>>) target_semaphore(%arg14 : memref<!tpu.dma_semaphore, #tpu.memory_space<semaphore_mem>>)
      %dma_start3A_54 = tpu.memref_slice %arg3[%min3A_51] : memref<320000xf32, #tpu.memory_space<hbm>> -> memref<8000xf32, #tpu.memory_space<hbm>>
      %dma_start3A_55 = tpu.memref_slice %arg3[%min3A_51] : memref<320000xf32, #tpu.memory_space<hbm>> -> memref<8000xf32, #tpu.memory_space<hbm>>
      tpu.enqueue_dma source(%dma_start3A_55 : memref<8000xf32, #tpu.memory_space<hbm>>) target(%arg11 : memref<8000xf32, #tpu.memory_space<vmem>>) target_semaphore(%arg15 : memref<!tpu.dma_semaphore, #tpu.memory_space<semaphore_mem>>)
      %dma_wait3A_56 = arith.constant 0 : i32
      %dma_wait3A_57 = tpu.memref_slice %arg2[%dma_wait3A_56] : memref<320000xi32, #tpu.memory_space<hbm>> -> memref<8000xi32, #tpu.memory_space<hbm>>
      %dma_wait3A_58 = arith.constant 0 : i32
      %dma_wait3A_59 = tpu.memref_slice %arg2[%dma_wait3A_58] : memref<320000xi32, #tpu.memory_space<hbm>> -> memref<8000xi32, #tpu.memory_space<hbm>>
      tpu.wait_dma2 semaphore(%arg12 : memref<!tpu.dma_semaphore, #tpu.memory_space<semaphore_mem>>) src(%dma_wait3A_59 : memref<8000xi32, #tpu.memory_space<hbm>>) dst(%arg8 : memref<8000xi32, #tpu.memory_space<vmem>>)
      %dma_wait3A_60 = arith.constant 0 : i32
      %dma_wait3A_61 = tpu.memref_slice %arg3[%dma_wait3A_60] : memref<320000xf32, #tpu.memory_space<hbm>> -> memref<8000xf32, #tpu.memory_space<hbm>>
      %dma_wait3A_62 = arith.constant 0 : i32
      %dma_wait3A_63 = tpu.memref_slice %arg3[%dma_wait3A_62] : memref<320000xf32, #tpu.memory_space<hbm>> -> memref<8000xf32, #tpu.memory_space<hbm>>
      tpu.wait_dma2 semaphore(%arg13 : memref<!tpu.dma_semaphore, #tpu.memory_space<semaphore_mem>>) src(%dma_wait3A_63 : memref<8000xf32, #tpu.memory_space<hbm>>) dst(%arg9 : memref<8000xf32, #tpu.memory_space<vmem>>)
      %parallel_loop3A_64 = arith.constant 0 : i32
      %parallel_loop3A_65 = arith.constant 8000 : i32
      %parallel_loop3A_66 = arith.constant 16 : i32
      scf.for %parallel_loop3A_89 = %parallel_loop3A_64 to %parallel_loop3A_65 step %parallel_loop3A_66  : i32 {
        %parallel_loop3A_90 = arith.index_cast %parallel_loop3A_89 : i32 to index
        %parallel_loop3A_91 = tpu.vector_load %arg8[%parallel_loop3A_90] {strides = array<i32>} : memref<8000xi32, #tpu.memory_space<vmem>>, vector<16xi32>,
        %parallel_loop3A_92 = arith.constant 16 : i32
        %parallel_loop3A_93 = vector.broadcast %parallel_loop3A_92 : i32 to vector<16xi32>
        %parallel_loop3A_94 = arith.shrsi %parallel_loop3A_91, %parallel_loop3A_93 : vector<16xi32>
        %parallel_loop3A_95 = arith.constant 65535 : i32
        %parallel_loop3A_96 = vector.broadcast %parallel_loop3A_95 : i32 to vector<16xi32>
        %parallel_loop3A_97 = arith.andi %parallel_loop3A_91, %parallel_loop3A_96 : vector<16xi32>
        %parallel_loop3A_98 = arith.index_cast %parallel_loop3A_89 : i32 to index
        %parallel_loop3A_99 = tpu.vector_load %arg9[%parallel_loop3A_98] {strides = array<i32>} : memref<8000xf32, #tpu.memory_space<vmem>>, vector<16xf32>,
        %parallel_loop3A_100 = arith.constant 0 : i32
        %parallel_loop3A_101 = tpu.memref_slice %arg6[%parallel_loop3A_100] : memref<20000xi32, #tpu.memory_space<vmem>> -> memref<10000xi32, #tpu.memory_space<vmem>>
        %parallel_loop3A_102 = tpu.vector_load_idx %parallel_loop3A_101[%parallel_loop3A_94] : memref<10000xi32, #tpu.memory_space<vmem>>[vector<16xi32>], vector<16xi32>,
        %parallel_loop3A_103 = arith.constant 16 : i32
        %parallel_loop3A_104 = vector.broadcast %parallel_loop3A_103 : i32 to vector<16xi32>
        %parallel_loop3A_105 = arith.shli %parallel_loop3A_102, %parallel_loop3A_104 : vector<16xi32>
        %parallel_loop3A_106 = vector.bitcast %parallel_loop3A_105 : vector<16xi32> to vector<16xf32>
        %parallel_loop3A_107 = arith.constant -65536 : i32
        %parallel_loop3A_108 = vector.broadcast %parallel_loop3A_107 : i32 to vector<16xi32>
        %parallel_loop3A_109 = arith.andi %parallel_loop3A_102, %parallel_loop3A_108 : vector<16xi32>
        %parallel_loop3A_110 = vector.bitcast %parallel_loop3A_109 : vector<16xi32> to vector<16xf32>
        %parallel_loop3A_111 = arith.mulf %parallel_loop3A_99, %parallel_loop3A_106 : vector<16xf32>
        %parallel_loop3A_112 = arith.constant 0 : i32
        %parallel_loop3A_113 = tpu.memref_slice %arg7[%parallel_loop3A_112] : memref<40000xf32, #tpu.memory_space<vmem>> -> memref<10000xf32, #tpu.memory_space<vmem>>
        tpu.vector_store_idx %parallel_loop3A_113[%parallel_loop3A_97], %parallel_loop3A_111 {add = true} : memref<10000xf32, #tpu.memory_space<vmem>>[vector<16xi32>], vector<16xf32>,
        %parallel_loop3A_114 = arith.mulf %parallel_loop3A_99, %parallel_loop3A_110 : vector<16xf32>
        %parallel_loop3A_115 = arith.constant 20000 : i32
        %parallel_loop3A_116 = tpu.memref_slice %arg7[%parallel_loop3A_115] : memref<40000xf32, #tpu.memory_space<vmem>> -> memref<10000xf32, #tpu.memory_space<vmem>>
        tpu.vector_store_idx %parallel_loop3A_116[%parallel_loop3A_97], %parallel_loop3A_114 {add = true} : memref<10000xf32, #tpu.memory_space<vmem>>[vector<16xi32>], vector<16xf32>,
        %parallel_loop3A_117 = arith.constant 10000 : i32
        %parallel_loop3A_118 = tpu.memref_slice %arg6[%parallel_loop3A_117] : memref<20000xi32, #tpu.memory_space<vmem>> -> memref<10000xi32, #tpu.memory_space<vmem>>
        %parallel_loop3A_119 = tpu.vector_load_idx %parallel_loop3A_118[%parallel_loop3A_94] : memref<10000xi32, #tpu.memory_space<vmem>>[vector<16xi32>], vector<16xi32>,
        %parallel_loop3A_120 = arith.constant 16 : i32
        %parallel_loop3A_121 = vector.broadcast %parallel_loop3A_120 : i32 to vector<16xi32>
        %parallel_loop3A_122 = arith.shli %parallel_loop3A_119, %parallel_loop3A_121 : vector<16xi32>
        %parallel_loop3A_123 = vector.bitcast %parallel_loop3A_122 : vector<16xi32> to vector<16xf32>
        %parallel_loop3A_124 = arith.constant -65536 : i32
        %parallel_loop3A_125 = vector.broadcast %parallel_loop3A_124 : i32 to vector<16xi32>
        %parallel_loop3A_126 = arith.andi %parallel_loop3A_119, %parallel_loop3A_125 : vector<16xi32>
        %parallel_loop3A_127 = vector.bitcast %parallel_loop3A_126 : vector<16xi32> to vector<16xf32>
        %parallel_loop3A_128 = arith.mulf %parallel_loop3A_99, %parallel_loop3A_123 : vector<16xf32>
        %parallel_loop3A_129 = arith.constant 10000 : i32
        %parallel_loop3A_130 = tpu.memref_slice %arg7[%parallel_loop3A_129] : memref<40000xf32, #tpu.memory_space<vmem>> -> memref<10000xf32, #tpu.memory_space<vmem>>
        tpu.vector_store_idx %parallel_loop3A_130[%parallel_loop3A_97], %parallel_loop3A_128 {add = true} : memref<10000xf32, #tpu.memory_space<vmem>>[vector<16xi32>], vector<16xf32>,
        %parallel_loop3A_131 = arith.mulf %parallel_loop3A_99, %parallel_loop3A_127 : vector<16xf32>
        %parallel_loop3A_132 = arith.constant 30000 : i32
        %parallel_loop3A_133 = tpu.memref_slice %arg7[%parallel_loop3A_132] : memref<40000xf32, #tpu.memory_space<vmem>> -> memref<10000xf32, #tpu.memory_space<vmem>>
        tpu.vector_store_idx %parallel_loop3A_133[%parallel_loop3A_97], %parallel_loop3A_131 {add = true} : memref<10000xf32, #tpu.memory_space<vmem>>[vector<16xi32>], vector<16xf32>,
      } {sc.loop_unroll_factor = 4 : i64, sc.parallel_access}
      %add3A_67 = arith.constant 2 : i32
      %add3A_68 = arith.addi %mul3A_44, %add3A_67 : i32
      %mul3A_69 = arith.constant 8000 : i32
      %mul3A_70 = arith.muli %add3A_68, %mul3A_69 : i32
      %add3A_71 = arith.addi %mul3A_4, %mul3A_70 : i32
      %min3A_72 = arith.constant 312000 : i32
      %min3A_73 = arith.minsi %add3A_71, %min3A_72 : i32
      %dma_start3A_74 = tpu.memref_slice %arg2[%min3A_73] : memref<320000xi32, #tpu.memory_space<hbm>> -> memref<8000xi32, #tpu.memory_space<hbm>>
      %dma_start3A_75 = tpu.memref_slice %arg2[%min3A_73] : memref<320000xi32, #tpu.memory_space<hbm>> -> memref<8000xi32, #tpu.memory_space<hbm>>
      tpu.enqueue_dma source(%dma_start3A_75 : memref<8000xi32, #tpu.memory_space<hbm>>) target(%arg8 : memref<8000xi32, #tpu.memory_space<vmem>>) target_semaphore(%arg12 : memref<!tpu.dma_semaphore, #tpu.memory_space<semaphore_mem>>)
      %dma_start3A_76 = tpu.memref_slice %arg3[%min3A_73] : memref<320000xf32, #tpu.memory_space<hbm>> -> memref<8000xf32, #tpu.memory_space<hbm>>
      %dma_start3A_77 = tpu.memref_slice %arg3[%min3A_73] : memref<320000xf32, #tpu.memory_space<hbm>> -> memref<8000xf32, #tpu.memory_space<hbm>>
      tpu.enqueue_dma source(%dma_start3A_77 : memref<8000xf32, #tpu.memory_space<hbm>>) target(%arg9 : memref<8000xf32, #tpu.memory_space<vmem>>) target_semaphore(%arg13 : memref<!tpu.dma_semaphore, #tpu.memory_space<semaphore_mem>>)
      %dma_wait3A_78 = arith.constant 0 : i32
      %dma_wait3A_79 = tpu.memref_slice %arg2[%dma_wait3A_78] : memref<320000xi32, #tpu.memory_space<hbm>> -> memref<8000xi32, #tpu.memory_space<hbm>>
      %dma_wait3A_80 = arith.constant 0 : i32
      %dma_wait3A_81 = tpu.memref_slice %arg2[%dma_wait3A_80] : memref<320000xi32, #tpu.memory_space<hbm>> -> memref<8000xi32, #tpu.memory_space<hbm>>
      tpu.wait_dma2 semaphore(%arg14 : memref<!tpu.dma_semaphore, #tpu.memory_space<semaphore_mem>>) src(%dma_wait3A_81 : memref<8000xi32, #tpu.memory_space<hbm>>) dst(%arg10 : memref<8000xi32, #tpu.memory_space<vmem>>)
      %dma_wait3A_82 = arith.constant 0 : i32
      %dma_wait3A_83 = tpu.memref_slice %arg3[%dma_wait3A_82] : memref<320000xf32, #tpu.memory_space<hbm>> -> memref<8000xf32, #tpu.memory_space<hbm>>
      %dma_wait3A_84 = arith.constant 0 : i32
      %dma_wait3A_85 = tpu.memref_slice %arg3[%dma_wait3A_84] : memref<320000xf32, #tpu.memory_space<hbm>> -> memref<8000xf32, #tpu.memory_space<hbm>>
      tpu.wait_dma2 semaphore(%arg15 : memref<!tpu.dma_semaphore, #tpu.memory_space<semaphore_mem>>) src(%dma_wait3A_85 : memref<8000xf32, #tpu.memory_space<hbm>>) dst(%arg11 : memref<8000xf32, #tpu.memory_space<vmem>>)
      %parallel_loop3A_86 = arith.constant 0 : i32
      %parallel_loop3A_87 = arith.constant 8000 : i32
      %parallel_loop3A_88 = arith.constant 16 : i32
      scf.for %parallel_loop3A_89 = %parallel_loop3A_86 to %parallel_loop3A_87 step %parallel_loop3A_88  : i32 {
        %parallel_loop3A_90 = arith.index_cast %parallel_loop3A_89 : i32 to index
        %parallel_loop3A_91 = tpu.vector_load %arg10[%parallel_loop3A_90] {strides = array<i32>} : memref<8000xi32, #tpu.memory_space<vmem>>, vector<16xi32>,
        %parallel_loop3A_92 = arith.constant 16 : i32
        %parallel_loop3A_93 = vector.broadcast %parallel_loop3A_92 : i32 to vector<16xi32>
        %parallel_loop3A_94 = arith.shrsi %parallel_loop3A_91, %parallel_loop3A_93 : vector<16xi32>
        %parallel_loop3A_95 = arith.constant 65535 : i32
        %parallel_loop3A_96 = vector.broadcast %parallel_loop3A_95 : i32 to vector<16xi32>
        %parallel_loop3A_97 = arith.andi %parallel_loop3A_91, %parallel_loop3A_96 : vector<16xi32>
        %parallel_loop3A_98 = arith.index_cast %parallel_loop3A_89 : i32 to index
        %parallel_loop3A_99 = tpu.vector_load %arg11[%parallel_loop3A_98] {strides = array<i32>} : memref<8000xf32, #tpu.memory_space<vmem>>, vector<16xf32>,
        %parallel_loop3A_100 = arith.constant 0 : i32
        %parallel_loop3A_101 = tpu.memref_slice %arg6[%parallel_loop3A_100] : memref<20000xi32, #tpu.memory_space<vmem>> -> memref<10000xi32, #tpu.memory_space<vmem>>
        %parallel_loop3A_102 = tpu.vector_load_idx %parallel_loop3A_101[%parallel_loop3A_94] : memref<10000xi32, #tpu.memory_space<vmem>>[vector<16xi32>], vector<16xi32>,
        %parallel_loop3A_103 = arith.constant 16 : i32
        %parallel_loop3A_104 = vector.broadcast %parallel_loop3A_103 : i32 to vector<16xi32>
        %parallel_loop3A_105 = arith.shli %parallel_loop3A_102, %parallel_loop3A_104 : vector<16xi32>
        %parallel_loop3A_106 = vector.bitcast %parallel_loop3A_105 : vector<16xi32> to vector<16xf32>
        %parallel_loop3A_107 = arith.constant -65536 : i32
        %parallel_loop3A_108 = vector.broadcast %parallel_loop3A_107 : i32 to vector<16xi32>
        %parallel_loop3A_109 = arith.andi %parallel_loop3A_102, %parallel_loop3A_108 : vector<16xi32>
        %parallel_loop3A_110 = vector.bitcast %parallel_loop3A_109 : vector<16xi32> to vector<16xf32>
        %parallel_loop3A_111 = arith.mulf %parallel_loop3A_99, %parallel_loop3A_106 : vector<16xf32>
        %parallel_loop3A_112 = arith.constant 0 : i32
        %parallel_loop3A_113 = tpu.memref_slice %arg7[%parallel_loop3A_112] : memref<40000xf32, #tpu.memory_space<vmem>> -> memref<10000xf32, #tpu.memory_space<vmem>>
        tpu.vector_store_idx %parallel_loop3A_113[%parallel_loop3A_97], %parallel_loop3A_111 {add = true} : memref<10000xf32, #tpu.memory_space<vmem>>[vector<16xi32>], vector<16xf32>,
        %parallel_loop3A_114 = arith.mulf %parallel_loop3A_99, %parallel_loop3A_110 : vector<16xf32>
        %parallel_loop3A_115 = arith.constant 20000 : i32
        %parallel_loop3A_116 = tpu.memref_slice %arg7[%parallel_loop3A_115] : memref<40000xf32, #tpu.memory_space<vmem>> -> memref<10000xf32, #tpu.memory_space<vmem>>
        tpu.vector_store_idx %parallel_loop3A_116[%parallel_loop3A_97], %parallel_loop3A_114 {add = true} : memref<10000xf32, #tpu.memory_space<vmem>>[vector<16xi32>], vector<16xf32>,
        %parallel_loop3A_117 = arith.constant 10000 : i32
        %parallel_loop3A_118 = tpu.memref_slice %arg6[%parallel_loop3A_117] : memref<20000xi32, #tpu.memory_space<vmem>> -> memref<10000xi32, #tpu.memory_space<vmem>>
        %parallel_loop3A_119 = tpu.vector_load_idx %parallel_loop3A_118[%parallel_loop3A_94] : memref<10000xi32, #tpu.memory_space<vmem>>[vector<16xi32>], vector<16xi32>,
        %parallel_loop3A_120 = arith.constant 16 : i32
        %parallel_loop3A_121 = vector.broadcast %parallel_loop3A_120 : i32 to vector<16xi32>
        %parallel_loop3A_122 = arith.shli %parallel_loop3A_119, %parallel_loop3A_121 : vector<16xi32>
        %parallel_loop3A_123 = vector.bitcast %parallel_loop3A_122 : vector<16xi32> to vector<16xf32>
        %parallel_loop3A_124 = arith.constant -65536 : i32
        %parallel_loop3A_125 = vector.broadcast %parallel_loop3A_124 : i32 to vector<16xi32>
        %parallel_loop3A_126 = arith.andi %parallel_loop3A_119, %parallel_loop3A_125 : vector<16xi32>
        %parallel_loop3A_127 = vector.bitcast %parallel_loop3A_126 : vector<16xi32> to vector<16xf32>
        %parallel_loop3A_128 = arith.mulf %parallel_loop3A_99, %parallel_loop3A_123 : vector<16xf32>
        %parallel_loop3A_129 = arith.constant 10000 : i32
        %parallel_loop3A_130 = tpu.memref_slice %arg7[%parallel_loop3A_129] : memref<40000xf32, #tpu.memory_space<vmem>> -> memref<10000xf32, #tpu.memory_space<vmem>>
        tpu.vector_store_idx %parallel_loop3A_130[%parallel_loop3A_97], %parallel_loop3A_128 {add = true} : memref<10000xf32, #tpu.memory_space<vmem>>[vector<16xi32>], vector<16xf32>,
        %parallel_loop3A_131 = arith.mulf %parallel_loop3A_99, %parallel_loop3A_127 : vector<16xf32>
        %parallel_loop3A_132 = arith.constant 30000 : i32
        %parallel_loop3A_133 = tpu.memref_slice %arg7[%parallel_loop3A_132] : memref<40000xf32, #tpu.memory_space<vmem>> -> memref<10000xf32, #tpu.memory_space<vmem>>
        tpu.vector_store_idx %parallel_loop3A_133[%parallel_loop3A_97], %parallel_loop3A_131 {add = true} : memref<10000xf32, #tpu.memory_space<vmem>>[vector<16xi32>], vector<16xf32>,
      } {sc.loop_unroll_factor = 4 : i64, sc.parallel_access}
    }
    %scan3A_18 = arith.constant 10 : i32
    %dma_wait3A = arith.constant 0 : i32
    %dma_wait3A_19 = tpu.memref_slice %arg2[%dma_wait3A] : memref<320000xi32, #tpu.memory_space<hbm>> -> memref<8000xi32, #tpu.memory_space<hbm>>
    %dma_wait3A_20 = arith.constant 0 : i32
    %dma_wait3A_21 = tpu.memref_slice %arg2[%dma_wait3A_20] : memref<320000xi32, #tpu.memory_space<hbm>> -> memref<8000xi32, #tpu.memory_space<hbm>>
    tpu.wait_dma2 semaphore(%arg12 : memref<!tpu.dma_semaphore, #tpu.memory_space<semaphore_mem>>) src(%dma_wait3A_21 : memref<8000xi32, #tpu.memory_space<hbm>>) dst(%arg8 : memref<8000xi32, #tpu.memory_space<vmem>>)
    %dma_wait3A_22 = arith.constant 0 : i32
    %dma_wait3A_23 = tpu.memref_slice %arg3[%dma_wait3A_22] : memref<320000xf32, #tpu.memory_space<hbm>> -> memref<8000xf32, #tpu.memory_space<hbm>>
    %dma_wait3A_24 = arith.constant 0 : i32
    %dma_wait3A_25 = tpu.memref_slice %arg3[%dma_wait3A_24] : memref<320000xf32, #tpu.memory_space<hbm>> -> memref<8000xf32, #tpu.memory_space<hbm>>
    tpu.wait_dma2 semaphore(%arg13 : memref<!tpu.dma_semaphore, #tpu.memory_space<semaphore_mem>>) src(%dma_wait3A_25 : memref<8000xf32, #tpu.memory_space<hbm>>) dst(%arg9 : memref<8000xf32, #tpu.memory_space<vmem>>)
    %mul3A_26 = arith.constant 640000 : i32
    %mul3A_27 = arith.muli %shift_right_arithmetic3A_2, %mul3A_26 : i32
    %mul3A_28 = arith.constant 2 : i32
    %mul3A_29 = arith.muli %mul3A_28, %and3A_1 : i32
    %mul3A_30 = arith.constant 10000 : i32
    %mul3A_31 = arith.muli %mul3A_29, %mul3A_30 : i32
    %add3A_32 = arith.addi %mul3A_27, %mul3A_31 : i32
    "tpu.region"() ({
      %run_scoped3A = tpu.sem_alloc : memref<!tpu.dma_semaphore, #tpu.memory_space<semaphore_mem>>
      %dma_start3A_42 = arith.constant 0 : i32
      %dma_start3A_43 = tpu.memref_slice %arg7[%dma_start3A_42] : memref<40000xf32, #tpu.memory_space<vmem>> -> memref<20000xf32, #tpu.memory_space<vmem>>
      %dma_start3A_44 = tpu.memref_slice %arg5[%add3A_32] : memref<1280000xf32, #tpu.memory_space<hbm>> -> memref<20000xf32, #tpu.memory_space<hbm>>
      %dma_start3A_45 = tpu.memref_slice %arg5[%add3A_32] : memref<1280000xf32, #tpu.memory_space<hbm>> -> memref<20000xf32, #tpu.memory_space<hbm>>
      %dma_start3A_46 = arith.constant 0 : i32
      %dma_start3A_47 = tpu.memref_slice %arg7[%dma_start3A_46] : memref<40000xf32, #tpu.memory_space<vmem>> -> memref<20000xf32, #tpu.memory_space<vmem>>
      tpu.enqueue_dma source(%dma_start3A_47 : memref<20000xf32, #tpu.memory_space<vmem>>) target(%dma_start3A_45 : memref<20000xf32, #tpu.memory_space<hbm>>) target_semaphore(%run_scoped3A : memref<!tpu.dma_semaphore, #tpu.memory_space<semaphore_mem>>)
      %dma_wait3A_48 = arith.constant 0 : i32
      %dma_wait3A_49 = tpu.memref_slice %arg7[%dma_wait3A_48] : memref<40000xf32, #tpu.memory_space<vmem>> -> memref<20000xf32, #tpu.memory_space<vmem>>
      %dma_wait3A_50 = tpu.memref_slice %arg5[%add3A_32] : memref<1280000xf32, #tpu.memory_space<hbm>> -> memref<20000xf32, #tpu.memory_space<hbm>>
      %dma_wait3A_51 = tpu.memref_slice %arg5[%add3A_32] : memref<1280000xf32, #tpu.memory_space<hbm>> -> memref<20000xf32, #tpu.memory_space<hbm>>
      %dma_wait3A_52 = arith.constant 0 : i32
      %dma_wait3A_53 = tpu.memref_slice %arg7[%dma_wait3A_52] : memref<40000xf32, #tpu.memory_space<vmem>> -> memref<20000xf32, #tpu.memory_space<vmem>>
      tpu.wait_dma2 semaphore(%run_scoped3A : memref<!tpu.dma_semaphore, #tpu.memory_space<semaphore_mem>>) src(%dma_wait3A_53 : memref<20000xf32, #tpu.memory_space<vmem>>) dst(%dma_wait3A_51 : memref<20000xf32, #tpu.memory_space<hbm>>)
      tpu.yield
    }) : () -> ()
    %mul3A_33 = arith.constant 640000 : i32
    %mul3A_34 = arith.muli %shift_right_arithmetic3A_2, %mul3A_33 : i32
    %mul3A_35 = arith.constant 2 : i32
    %mul3A_36 = arith.muli %mul3A_35, %and3A_1 : i32
    %add3A_37 = arith.constant 32 : i32
    %add3A_38 = arith.addi %add3A_37, %mul3A_36 : i32
    %mul3A_39 = arith.constant 10000 : i32
    %mul3A_40 = arith.muli %add3A_38, %mul3A_39 : i32
    %add3A_41 = arith.addi %mul3A_34, %mul3A_40 : i32
    "tpu.region"() ({
      %run_scoped3A = tpu.sem_alloc : memref<!tpu.dma_semaphore, #tpu.memory_space<semaphore_mem>>
      %dma_start3A_42 = arith.constant 20000 : i32
      %dma_start3A_43 = tpu.memref_slice %arg7[%dma_start3A_42] : memref<40000xf32, #tpu.memory_space<vmem>> -> memref<20000xf32, #tpu.memory_space<vmem>>
      %dma_start3A_44 = tpu.memref_slice %arg5[%add3A_41] : memref<1280000xf32, #tpu.memory_space<hbm>> -> memref<20000xf32, #tpu.memory_space<hbm>>
      %dma_start3A_45 = tpu.memref_slice %arg5[%add3A_41] : memref<1280000xf32, #tpu.memory_space<hbm>> -> memref<20000xf32, #tpu.memory_space<hbm>>
      %dma_start3A_46 = arith.constant 20000 : i32
      %dma_start3A_47 = tpu.memref_slice %arg7[%dma_start3A_46] : memref<40000xf32, #tpu.memory_space<vmem>> -> memref<20000xf32, #tpu.memory_space<vmem>>
      tpu.enqueue_dma source(%dma_start3A_47 : memref<20000xf32, #tpu.memory_space<vmem>>) target(%dma_start3A_45 : memref<20000xf32, #tpu.memory_space<hbm>>) target_semaphore(%run_scoped3A : memref<!tpu.dma_semaphore, #tpu.memory_space<semaphore_mem>>)
      %dma_wait3A_48 = arith.constant 20000 : i32
      %dma_wait3A_49 = tpu.memref_slice %arg7[%dma_wait3A_48] : memref<40000xf32, #tpu.memory_space<vmem>> -> memref<20000xf32, #tpu.memory_space<vmem>>
      %dma_wait3A_50 = tpu.memref_slice %arg5[%add3A_41] : memref<1280000xf32, #tpu.memory_space<hbm>> -> memref<20000xf32, #tpu.memory_space<hbm>>
      %dma_wait3A_51 = tpu.memref_slice %arg5[%add3A_41] : memref<1280000xf32, #tpu.memory_space<hbm>> -> memref<20000xf32, #tpu.memory_space<hbm>>
      %dma_wait3A_52 = arith.constant 20000 : i32
      %dma_wait3A_53 = tpu.memref_slice %arg7[%dma_wait3A_52] : memref<40000xf32, #tpu.memory_space<vmem>> -> memref<20000xf32, #tpu.memory_space<vmem>>
      tpu.wait_dma2 semaphore(%run_scoped3A : memref<!tpu.dma_semaphore, #tpu.memory_space<semaphore_mem>>) src(%dma_wait3A_53 : memref<20000xf32, #tpu.memory_space<vmem>>) dst(%dma_wait3A_51 : memref<20000xf32, #tpu.memory_space<hbm>>)
      tpu.yield
    }) : () -> ()
    return
  }
}

#map = affine_map<(d0, d1) -> (0)>
module attributes {stable_mosaic.version = 14 : i64} {
  func.func @body(%arg0: i32, %arg1: i32, %arg2: memref<320000xi32, #tpu.memory_space<hbm>>, %arg3: memref<320000xf32, #tpu.memory_space<hbm>>, %arg4: memref<240000xi32, #tpu.memory_space<hbm>>, %arg5: memref<1600000xf32, #tpu.memory_space<hbm>>, %arg6: memref<30000xi32, #tpu.memory_space<vmem>>, %arg7: memref<50000xf32, #tpu.memory_space<vmem>>, %arg8: memref<8000xi32, #tpu.memory_space<vmem>>, %arg9: memref<8000xf32, #tpu.memory_space<vmem>>, %arg10: memref<8000xi32, #tpu.memory_space<vmem>>, %arg11: memref<8000xf32, #tpu.memory_space<vmem>>, %arg12: memref<!tpu.dma_semaphore, #tpu.memory_space<semaphore_mem>>, %arg13: memref<!tpu.dma_semaphore, #tpu.memory_space<semaphore_mem>>, %arg14: memref<!tpu.dma_semaphore, #tpu.memory_space<semaphore_mem>>, %arg15: memref<!tpu.dma_semaphore, #tpu.memory_space<semaphore_mem>>) attributes {dimension_semantics = [#tpu.dimension_semantics<core_parallel>, #tpu.dimension_semantics<subcore_parallel>], iteration_bounds = array<i64: 2, 16>, scalar_prefetch = 0 : i64, scratch_operands = 10 : i64, tpu.core_type = #tpu.core_type<sc_vector_subcore>, window_params = [{transform_indices = #map}, {transform_indices = #map}, {transform_indices = #map}, {transform_indices = #map}]} {
    %mul3A = arith.constant 2 : i32
    %mul3A_0 = arith.muli %arg1, %mul3A : i32
    %add3A = arith.addi %mul3A_0, %arg0 : i32
    %and3A = arith.constant 7 : i32
    %and3A_1 = arith.andi %add3A, %and3A : i32
    %shift_right_arithmetic3A = arith.constant 3 : i32
    %shift_right_arithmetic3A_2 = arith.shrsi %add3A, %shift_right_arithmetic3A : i32
    %mul3A_3 = arith.constant 80000 : i32
    %mul3A_4 = arith.muli %shift_right_arithmetic3A_2, %mul3A_3 : i32
    %add3A_5 = arith.constant 0 : i32
    %add3A_6 = arith.addi %mul3A_4, %add3A_5 : i32
    %min3A = arith.constant 312000 : i32
    %min3A_7 = arith.minsi %add3A_6, %min3A : i32
    %dma_start3A = tpu.memref_slice %arg2[%min3A_7] : memref<320000xi32, #tpu.memory_space<hbm>> -> memref<8000xi32, #tpu.memory_space<hbm>>
    %dma_start3A_8 = tpu.memref_slice %arg2[%min3A_7] : memref<320000xi32, #tpu.memory_space<hbm>> -> memref<8000xi32, #tpu.memory_space<hbm>>
    tpu.enqueue_dma source(%dma_start3A_8 : memref<8000xi32, #tpu.memory_space<hbm>>) target(%arg8 : memref<8000xi32, #tpu.memory_space<vmem>>) target_semaphore(%arg12 : memref<!tpu.dma_semaphore, #tpu.memory_space<semaphore_mem>>)
    %dma_start3A_9 = tpu.memref_slice %arg3[%min3A_7] : memref<320000xf32, #tpu.memory_space<hbm>> -> memref<8000xf32, #tpu.memory_space<hbm>>
    %dma_start3A_10 = tpu.memref_slice %arg3[%min3A_7] : memref<320000xf32, #tpu.memory_space<hbm>> -> memref<8000xf32, #tpu.memory_space<hbm>>
    tpu.enqueue_dma source(%dma_start3A_10 : memref<8000xf32, #tpu.memory_space<hbm>>) target(%arg9 : memref<8000xf32, #tpu.memory_space<vmem>>) target_semaphore(%arg13 : memref<!tpu.dma_semaphore, #tpu.memory_space<semaphore_mem>>)
    %mul3A_11 = arith.constant 30000 : i32
    %mul3A_12 = arith.muli %and3A_1, %mul3A_11 : i32
    "tpu.region"() ({
      %run_scoped3A = tpu.sem_alloc : memref<!tpu.dma_semaphore, #tpu.memory_space<semaphore_mem>>
      %dma_start3A_31 = tpu.memref_slice %arg4[%mul3A_12] : memref<240000xi32, #tpu.memory_space<hbm>> -> memref<30000xi32, #tpu.memory_space<hbm>>
      %dma_start3A_32 = tpu.memref_slice %arg4[%mul3A_12] : memref<240000xi32, #tpu.memory_space<hbm>> -> memref<30000xi32, #tpu.memory_space<hbm>>
      tpu.enqueue_dma source(%dma_start3A_32 : memref<30000xi32, #tpu.memory_space<hbm>>) target(%arg6 : memref<30000xi32, #tpu.memory_space<vmem>>) target_semaphore(%run_scoped3A : memref<!tpu.dma_semaphore, #tpu.memory_space<semaphore_mem>>)
      %dma_wait3A_33 = tpu.memref_slice %arg4[%mul3A_12] : memref<240000xi32, #tpu.memory_space<hbm>> -> memref<30000xi32, #tpu.memory_space<hbm>>
      %dma_wait3A_34 = tpu.memref_slice %arg4[%mul3A_12] : memref<240000xi32, #tpu.memory_space<hbm>> -> memref<30000xi32, #tpu.memory_space<hbm>>
      tpu.wait_dma2 semaphore(%run_scoped3A : memref<!tpu.dma_semaphore, #tpu.memory_space<semaphore_mem>>) src(%dma_wait3A_34 : memref<30000xi32, #tpu.memory_space<hbm>>) dst(%arg6 : memref<30000xi32, #tpu.memory_space<vmem>>)
      tpu.yield
    }) : () -> ()
    %parallel_loop3A = arith.constant 0 : i32
    %parallel_loop3A_13 = arith.constant 50000 : i32
    %parallel_loop3A_14 = arith.constant 16 : i32
    scf.for %parallel_loop3A_31 = %parallel_loop3A to %parallel_loop3A_13 step %parallel_loop3A_14  : i32 {
      %parallel_loop3A_32 = arith.constant 0.000000e+00 : f32
      %parallel_loop3A_33 = vector.broadcast %parallel_loop3A_32 : f32 to vector<16xf32>
      %parallel_loop3A_34 = arith.index_cast %parallel_loop3A_31 : i32 to index
      %parallel_loop3A_35 = tpu.vector_load %arg7[%parallel_loop3A_34] {strides = array<i32>} : memref<50000xf32, #tpu.memory_space<vmem>>, vector<16xf32>,
      tpu.vector_store %arg7[%parallel_loop3A_34], %parallel_loop3A_33 {strides = array<i32>} : memref<50000xf32, #tpu.memory_space<vmem>>, vector<16xf32>,
    } {sc.loop_unroll_factor = 8 : i64, sc.parallel_access}
    %scan3A = arith.constant 0 : i32
    %scan3A_15 = arith.constant 5 : i32
    %scan3A_16 = arith.addi %scan3A, %scan3A_15 : i32
    %scan3A_17 = arith.constant 1 : i32
    scf.for %scan3A_31 = %scan3A to %scan3A_16 step %scan3A_17  : i32 {
      %mul3A_32 = arith.constant 2 : i32
      %mul3A_33 = arith.muli %scan3A_31, %mul3A_32 : i32
      %add3A_34 = arith.constant 1 : i32
      %add3A_35 = arith.addi %mul3A_33, %add3A_34 : i32
      %mul3A_36 = arith.constant 8000 : i32
      %mul3A_37 = arith.muli %add3A_35, %mul3A_36 : i32
      %add3A_38 = arith.addi %mul3A_4, %mul3A_37 : i32
      %min3A_39 = arith.constant 312000 : i32
      %min3A_40 = arith.minsi %add3A_38, %min3A_39 : i32
      %dma_start3A_41 = tpu.memref_slice %arg2[%min3A_40] : memref<320000xi32, #tpu.memory_space<hbm>> -> memref<8000xi32, #tpu.memory_space<hbm>>
      %dma_start3A_42 = tpu.memref_slice %arg2[%min3A_40] : memref<320000xi32, #tpu.memory_space<hbm>> -> memref<8000xi32, #tpu.memory_space<hbm>>
      tpu.enqueue_dma source(%dma_start3A_42 : memref<8000xi32, #tpu.memory_space<hbm>>) target(%arg10 : memref<8000xi32, #tpu.memory_space<vmem>>) target_semaphore(%arg14 : memref<!tpu.dma_semaphore, #tpu.memory_space<semaphore_mem>>)
      %dma_start3A_43 = tpu.memref_slice %arg3[%min3A_40] : memref<320000xf32, #tpu.memory_space<hbm>> -> memref<8000xf32, #tpu.memory_space<hbm>>
      %dma_start3A_44 = tpu.memref_slice %arg3[%min3A_40] : memref<320000xf32, #tpu.memory_space<hbm>> -> memref<8000xf32, #tpu.memory_space<hbm>>
      tpu.enqueue_dma source(%dma_start3A_44 : memref<8000xf32, #tpu.memory_space<hbm>>) target(%arg11 : memref<8000xf32, #tpu.memory_space<vmem>>) target_semaphore(%arg15 : memref<!tpu.dma_semaphore, #tpu.memory_space<semaphore_mem>>)
      %dma_wait3A_45 = arith.constant 0 : i32
      %dma_wait3A_46 = tpu.memref_slice %arg2[%dma_wait3A_45] : memref<320000xi32, #tpu.memory_space<hbm>> -> memref<8000xi32, #tpu.memory_space<hbm>>
      %dma_wait3A_47 = arith.constant 0 : i32
      %dma_wait3A_48 = tpu.memref_slice %arg2[%dma_wait3A_47] : memref<320000xi32, #tpu.memory_space<hbm>> -> memref<8000xi32, #tpu.memory_space<hbm>>
      tpu.wait_dma2 semaphore(%arg12 : memref<!tpu.dma_semaphore, #tpu.memory_space<semaphore_mem>>) src(%dma_wait3A_48 : memref<8000xi32, #tpu.memory_space<hbm>>) dst(%arg8 : memref<8000xi32, #tpu.memory_space<vmem>>)
      %dma_wait3A_49 = arith.constant 0 : i32
      %dma_wait3A_50 = tpu.memref_slice %arg3[%dma_wait3A_49] : memref<320000xf32, #tpu.memory_space<hbm>> -> memref<8000xf32, #tpu.memory_space<hbm>>
      %dma_wait3A_51 = arith.constant 0 : i32
      %dma_wait3A_52 = tpu.memref_slice %arg3[%dma_wait3A_51] : memref<320000xf32, #tpu.memory_space<hbm>> -> memref<8000xf32, #tpu.memory_space<hbm>>
      tpu.wait_dma2 semaphore(%arg13 : memref<!tpu.dma_semaphore, #tpu.memory_space<semaphore_mem>>) src(%dma_wait3A_52 : memref<8000xf32, #tpu.memory_space<hbm>>) dst(%arg9 : memref<8000xf32, #tpu.memory_space<vmem>>)
      %parallel_loop3A_53 = arith.constant 0 : i32
      %parallel_loop3A_54 = arith.constant 8000 : i32
      %parallel_loop3A_55 = arith.constant 16 : i32
      scf.for %parallel_loop3A_78 = %parallel_loop3A_53 to %parallel_loop3A_54 step %parallel_loop3A_55  : i32 {
        %parallel_loop3A_79 = arith.index_cast %parallel_loop3A_78 : i32 to index
        %parallel_loop3A_80 = tpu.vector_load %arg8[%parallel_loop3A_79] {strides = array<i32>} : memref<8000xi32, #tpu.memory_space<vmem>>, vector<16xi32>,
        %parallel_loop3A_81 = arith.constant 16 : i32
        %parallel_loop3A_82 = vector.broadcast %parallel_loop3A_81 : i32 to vector<16xi32>
        %parallel_loop3A_83 = arith.shrsi %parallel_loop3A_80, %parallel_loop3A_82 : vector<16xi32>
        %parallel_loop3A_84 = arith.constant 65535 : i32
        %parallel_loop3A_85 = vector.broadcast %parallel_loop3A_84 : i32 to vector<16xi32>
        %parallel_loop3A_86 = arith.andi %parallel_loop3A_80, %parallel_loop3A_85 : vector<16xi32>
        %parallel_loop3A_87 = arith.index_cast %parallel_loop3A_78 : i32 to index
        %parallel_loop3A_88 = tpu.vector_load %arg9[%parallel_loop3A_87] {strides = array<i32>} : memref<8000xf32, #tpu.memory_space<vmem>>, vector<16xf32>,
        %parallel_loop3A_89 = arith.constant 0 : i32
        %parallel_loop3A_90 = tpu.memref_slice %arg6[%parallel_loop3A_89] : memref<30000xi32, #tpu.memory_space<vmem>> -> memref<10000xi32, #tpu.memory_space<vmem>>
        %parallel_loop3A_91 = tpu.vector_load_idx %parallel_loop3A_90[%parallel_loop3A_83] : memref<10000xi32, #tpu.memory_space<vmem>>[vector<16xi32>], vector<16xi32>,
        %parallel_loop3A_92 = arith.constant 16 : i32
        %parallel_loop3A_93 = vector.broadcast %parallel_loop3A_92 : i32 to vector<16xi32>
        %parallel_loop3A_94 = arith.shli %parallel_loop3A_91, %parallel_loop3A_93 : vector<16xi32>
        %parallel_loop3A_95 = vector.bitcast %parallel_loop3A_94 : vector<16xi32> to vector<16xf32>
        %parallel_loop3A_96 = arith.mulf %parallel_loop3A_88, %parallel_loop3A_95 : vector<16xf32>
        %parallel_loop3A_97 = arith.constant 0 : i32
        %parallel_loop3A_98 = tpu.memref_slice %arg7[%parallel_loop3A_97] : memref<50000xf32, #tpu.memory_space<vmem>> -> memref<10000xf32, #tpu.memory_space<vmem>>
        tpu.vector_store_idx %parallel_loop3A_98[%parallel_loop3A_86], %parallel_loop3A_96 {add = true} : memref<10000xf32, #tpu.memory_space<vmem>>[vector<16xi32>], vector<16xf32>,
        %parallel_loop3A_99 = arith.constant -65536 : i32
        %parallel_loop3A_100 = vector.broadcast %parallel_loop3A_99 : i32 to vector<16xi32>
        %parallel_loop3A_101 = arith.andi %parallel_loop3A_91, %parallel_loop3A_100 : vector<16xi32>
        %parallel_loop3A_102 = vector.bitcast %parallel_loop3A_101 : vector<16xi32> to vector<16xf32>
        %parallel_loop3A_103 = arith.mulf %parallel_loop3A_88, %parallel_loop3A_102 : vector<16xf32>
        %parallel_loop3A_104 = arith.constant 10000 : i32
        %parallel_loop3A_105 = tpu.memref_slice %arg7[%parallel_loop3A_104] : memref<50000xf32, #tpu.memory_space<vmem>> -> memref<10000xf32, #tpu.memory_space<vmem>>
        tpu.vector_store_idx %parallel_loop3A_105[%parallel_loop3A_86], %parallel_loop3A_103 {add = true} : memref<10000xf32, #tpu.memory_space<vmem>>[vector<16xi32>], vector<16xf32>,
        %parallel_loop3A_106 = arith.constant 10000 : i32
        %parallel_loop3A_107 = tpu.memref_slice %arg6[%parallel_loop3A_106] : memref<30000xi32, #tpu.memory_space<vmem>> -> memref<10000xi32, #tpu.memory_space<vmem>>
        %parallel_loop3A_108 = tpu.vector_load_idx %parallel_loop3A_107[%parallel_loop3A_83] : memref<10000xi32, #tpu.memory_space<vmem>>[vector<16xi32>], vector<16xi32>,
        %parallel_loop3A_109 = arith.constant 16 : i32
        %parallel_loop3A_110 = vector.broadcast %parallel_loop3A_109 : i32 to vector<16xi32>
        %parallel_loop3A_111 = arith.shli %parallel_loop3A_108, %parallel_loop3A_110 : vector<16xi32>
        %parallel_loop3A_112 = vector.bitcast %parallel_loop3A_111 : vector<16xi32> to vector<16xf32>
        %parallel_loop3A_113 = arith.mulf %parallel_loop3A_88, %parallel_loop3A_112 : vector<16xf32>
        %parallel_loop3A_114 = arith.constant 20000 : i32
        %parallel_loop3A_115 = tpu.memref_slice %arg7[%parallel_loop3A_114] : memref<50000xf32, #tpu.memory_space<vmem>> -> memref<10000xf32, #tpu.memory_space<vmem>>
        tpu.vector_store_idx %parallel_loop3A_115[%parallel_loop3A_86], %parallel_loop3A_113 {add = true} : memref<10000xf32, #tpu.memory_space<vmem>>[vector<16xi32>], vector<16xf32>,
        %parallel_loop3A_116 = arith.constant -65536 : i32
        %parallel_loop3A_117 = vector.broadcast %parallel_loop3A_116 : i32 to vector<16xi32>
        %parallel_loop3A_118 = arith.andi %parallel_loop3A_108, %parallel_loop3A_117 : vector<16xi32>
        %parallel_loop3A_119 = vector.bitcast %parallel_loop3A_118 : vector<16xi32> to vector<16xf32>
        %parallel_loop3A_120 = arith.mulf %parallel_loop3A_88, %parallel_loop3A_119 : vector<16xf32>
        %parallel_loop3A_121 = arith.constant 30000 : i32
        %parallel_loop3A_122 = tpu.memref_slice %arg7[%parallel_loop3A_121] : memref<50000xf32, #tpu.memory_space<vmem>> -> memref<10000xf32, #tpu.memory_space<vmem>>
        tpu.vector_store_idx %parallel_loop3A_122[%parallel_loop3A_86], %parallel_loop3A_120 {add = true} : memref<10000xf32, #tpu.memory_space<vmem>>[vector<16xi32>], vector<16xf32>,
        %parallel_loop3A_123 = arith.constant 20000 : i32
        %parallel_loop3A_124 = tpu.memref_slice %arg6[%parallel_loop3A_123] : memref<30000xi32, #tpu.memory_space<vmem>> -> memref<10000xi32, #tpu.memory_space<vmem>>
        %parallel_loop3A_125 = tpu.vector_load_idx %parallel_loop3A_124[%parallel_loop3A_83] : memref<10000xi32, #tpu.memory_space<vmem>>[vector<16xi32>], vector<16xi32>,
        %parallel_loop3A_126 = arith.constant 16 : i32
        %parallel_loop3A_127 = vector.broadcast %parallel_loop3A_126 : i32 to vector<16xi32>
        %parallel_loop3A_128 = arith.shli %parallel_loop3A_125, %parallel_loop3A_127 : vector<16xi32>
        %parallel_loop3A_129 = vector.bitcast %parallel_loop3A_128 : vector<16xi32> to vector<16xf32>
        %parallel_loop3A_130 = arith.mulf %parallel_loop3A_88, %parallel_loop3A_129 : vector<16xf32>
        %parallel_loop3A_131 = arith.constant 40000 : i32
        %parallel_loop3A_132 = tpu.memref_slice %arg7[%parallel_loop3A_131] : memref<50000xf32, #tpu.memory_space<vmem>> -> memref<10000xf32, #tpu.memory_space<vmem>>
        tpu.vector_store_idx %parallel_loop3A_132[%parallel_loop3A_86], %parallel_loop3A_130 {add = true} : memref<10000xf32, #tpu.memory_space<vmem>>[vector<16xi32>], vector<16xf32>,
      } {sc.loop_unroll_factor = 4 : i64, sc.parallel_access}
      %add3A_56 = arith.constant 2 : i32
      %add3A_57 = arith.addi %mul3A_33, %add3A_56 : i32
      %mul3A_58 = arith.constant 8000 : i32
      %mul3A_59 = arith.muli %add3A_57, %mul3A_58 : i32
      %add3A_60 = arith.addi %mul3A_4, %mul3A_59 : i32
      %min3A_61 = arith.constant 312000 : i32
      %min3A_62 = arith.minsi %add3A_60, %min3A_61 : i32
      %dma_start3A_63 = tpu.memref_slice %arg2[%min3A_62] : memref<320000xi32, #tpu.memory_space<hbm>> -> memref<8000xi32, #tpu.memory_space<hbm>>
      %dma_start3A_64 = tpu.memref_slice %arg2[%min3A_62] : memref<320000xi32, #tpu.memory_space<hbm>> -> memref<8000xi32, #tpu.memory_space<hbm>>
      tpu.enqueue_dma source(%dma_start3A_64 : memref<8000xi32, #tpu.memory_space<hbm>>) target(%arg8 : memref<8000xi32, #tpu.memory_space<vmem>>) target_semaphore(%arg12 : memref<!tpu.dma_semaphore, #tpu.memory_space<semaphore_mem>>)
      %dma_start3A_65 = tpu.memref_slice %arg3[%min3A_62] : memref<320000xf32, #tpu.memory_space<hbm>> -> memref<8000xf32, #tpu.memory_space<hbm>>
      %dma_start3A_66 = tpu.memref_slice %arg3[%min3A_62] : memref<320000xf32, #tpu.memory_space<hbm>> -> memref<8000xf32, #tpu.memory_space<hbm>>
      tpu.enqueue_dma source(%dma_start3A_66 : memref<8000xf32, #tpu.memory_space<hbm>>) target(%arg9 : memref<8000xf32, #tpu.memory_space<vmem>>) target_semaphore(%arg13 : memref<!tpu.dma_semaphore, #tpu.memory_space<semaphore_mem>>)
      %dma_wait3A_67 = arith.constant 0 : i32
      %dma_wait3A_68 = tpu.memref_slice %arg2[%dma_wait3A_67] : memref<320000xi32, #tpu.memory_space<hbm>> -> memref<8000xi32, #tpu.memory_space<hbm>>
      %dma_wait3A_69 = arith.constant 0 : i32
      %dma_wait3A_70 = tpu.memref_slice %arg2[%dma_wait3A_69] : memref<320000xi32, #tpu.memory_space<hbm>> -> memref<8000xi32, #tpu.memory_space<hbm>>
      tpu.wait_dma2 semaphore(%arg14 : memref<!tpu.dma_semaphore, #tpu.memory_space<semaphore_mem>>) src(%dma_wait3A_70 : memref<8000xi32, #tpu.memory_space<hbm>>) dst(%arg10 : memref<8000xi32, #tpu.memory_space<vmem>>)
      %dma_wait3A_71 = arith.constant 0 : i32
      %dma_wait3A_72 = tpu.memref_slice %arg3[%dma_wait3A_71] : memref<320000xf32, #tpu.memory_space<hbm>> -> memref<8000xf32, #tpu.memory_space<hbm>>
      %dma_wait3A_73 = arith.constant 0 : i32
      %dma_wait3A_74 = tpu.memref_slice %arg3[%dma_wait3A_73] : memref<320000xf32, #tpu.memory_space<hbm>> -> memref<8000xf32, #tpu.memory_space<hbm>>
      tpu.wait_dma2 semaphore(%arg15 : memref<!tpu.dma_semaphore, #tpu.memory_space<semaphore_mem>>) src(%dma_wait3A_74 : memref<8000xf32, #tpu.memory_space<hbm>>) dst(%arg11 : memref<8000xf32, #tpu.memory_space<vmem>>)
      %parallel_loop3A_75 = arith.constant 0 : i32
      %parallel_loop3A_76 = arith.constant 8000 : i32
      %parallel_loop3A_77 = arith.constant 16 : i32
      scf.for %parallel_loop3A_78 = %parallel_loop3A_75 to %parallel_loop3A_76 step %parallel_loop3A_77  : i32 {
        %parallel_loop3A_79 = arith.index_cast %parallel_loop3A_78 : i32 to index
        %parallel_loop3A_80 = tpu.vector_load %arg10[%parallel_loop3A_79] {strides = array<i32>} : memref<8000xi32, #tpu.memory_space<vmem>>, vector<16xi32>,
        %parallel_loop3A_81 = arith.constant 16 : i32
        %parallel_loop3A_82 = vector.broadcast %parallel_loop3A_81 : i32 to vector<16xi32>
        %parallel_loop3A_83 = arith.shrsi %parallel_loop3A_80, %parallel_loop3A_82 : vector<16xi32>
        %parallel_loop3A_84 = arith.constant 65535 : i32
        %parallel_loop3A_85 = vector.broadcast %parallel_loop3A_84 : i32 to vector<16xi32>
        %parallel_loop3A_86 = arith.andi %parallel_loop3A_80, %parallel_loop3A_85 : vector<16xi32>
        %parallel_loop3A_87 = arith.index_cast %parallel_loop3A_78 : i32 to index
        %parallel_loop3A_88 = tpu.vector_load %arg11[%parallel_loop3A_87] {strides = array<i32>} : memref<8000xf32, #tpu.memory_space<vmem>>, vector<16xf32>,
        %parallel_loop3A_89 = arith.constant 0 : i32
        %parallel_loop3A_90 = tpu.memref_slice %arg6[%parallel_loop3A_89] : memref<30000xi32, #tpu.memory_space<vmem>> -> memref<10000xi32, #tpu.memory_space<vmem>>
        %parallel_loop3A_91 = tpu.vector_load_idx %parallel_loop3A_90[%parallel_loop3A_83] : memref<10000xi32, #tpu.memory_space<vmem>>[vector<16xi32>], vector<16xi32>,
        %parallel_loop3A_92 = arith.constant 16 : i32
        %parallel_loop3A_93 = vector.broadcast %parallel_loop3A_92 : i32 to vector<16xi32>
        %parallel_loop3A_94 = arith.shli %parallel_loop3A_91, %parallel_loop3A_93 : vector<16xi32>
        %parallel_loop3A_95 = vector.bitcast %parallel_loop3A_94 : vector<16xi32> to vector<16xf32>
        %parallel_loop3A_96 = arith.mulf %parallel_loop3A_88, %parallel_loop3A_95 : vector<16xf32>
        %parallel_loop3A_97 = arith.constant 0 : i32
        %parallel_loop3A_98 = tpu.memref_slice %arg7[%parallel_loop3A_97] : memref<50000xf32, #tpu.memory_space<vmem>> -> memref<10000xf32, #tpu.memory_space<vmem>>
        tpu.vector_store_idx %parallel_loop3A_98[%parallel_loop3A_86], %parallel_loop3A_96 {add = true} : memref<10000xf32, #tpu.memory_space<vmem>>[vector<16xi32>], vector<16xf32>,
        %parallel_loop3A_99 = arith.constant -65536 : i32
        %parallel_loop3A_100 = vector.broadcast %parallel_loop3A_99 : i32 to vector<16xi32>
        %parallel_loop3A_101 = arith.andi %parallel_loop3A_91, %parallel_loop3A_100 : vector<16xi32>
        %parallel_loop3A_102 = vector.bitcast %parallel_loop3A_101 : vector<16xi32> to vector<16xf32>
        %parallel_loop3A_103 = arith.mulf %parallel_loop3A_88, %parallel_loop3A_102 : vector<16xf32>
        %parallel_loop3A_104 = arith.constant 10000 : i32
        %parallel_loop3A_105 = tpu.memref_slice %arg7[%parallel_loop3A_104] : memref<50000xf32, #tpu.memory_space<vmem>> -> memref<10000xf32, #tpu.memory_space<vmem>>
        tpu.vector_store_idx %parallel_loop3A_105[%parallel_loop3A_86], %parallel_loop3A_103 {add = true} : memref<10000xf32, #tpu.memory_space<vmem>>[vector<16xi32>], vector<16xf32>,
        %parallel_loop3A_106 = arith.constant 10000 : i32
        %parallel_loop3A_107 = tpu.memref_slice %arg6[%parallel_loop3A_106] : memref<30000xi32, #tpu.memory_space<vmem>> -> memref<10000xi32, #tpu.memory_space<vmem>>
        %parallel_loop3A_108 = tpu.vector_load_idx %parallel_loop3A_107[%parallel_loop3A_83] : memref<10000xi32, #tpu.memory_space<vmem>>[vector<16xi32>], vector<16xi32>,
        %parallel_loop3A_109 = arith.constant 16 : i32
        %parallel_loop3A_110 = vector.broadcast %parallel_loop3A_109 : i32 to vector<16xi32>
        %parallel_loop3A_111 = arith.shli %parallel_loop3A_108, %parallel_loop3A_110 : vector<16xi32>
        %parallel_loop3A_112 = vector.bitcast %parallel_loop3A_111 : vector<16xi32> to vector<16xf32>
        %parallel_loop3A_113 = arith.mulf %parallel_loop3A_88, %parallel_loop3A_112 : vector<16xf32>
        %parallel_loop3A_114 = arith.constant 20000 : i32
        %parallel_loop3A_115 = tpu.memref_slice %arg7[%parallel_loop3A_114] : memref<50000xf32, #tpu.memory_space<vmem>> -> memref<10000xf32, #tpu.memory_space<vmem>>
        tpu.vector_store_idx %parallel_loop3A_115[%parallel_loop3A_86], %parallel_loop3A_113 {add = true} : memref<10000xf32, #tpu.memory_space<vmem>>[vector<16xi32>], vector<16xf32>,
        %parallel_loop3A_116 = arith.constant -65536 : i32
        %parallel_loop3A_117 = vector.broadcast %parallel_loop3A_116 : i32 to vector<16xi32>
        %parallel_loop3A_118 = arith.andi %parallel_loop3A_108, %parallel_loop3A_117 : vector<16xi32>
        %parallel_loop3A_119 = vector.bitcast %parallel_loop3A_118 : vector<16xi32> to vector<16xf32>
        %parallel_loop3A_120 = arith.mulf %parallel_loop3A_88, %parallel_loop3A_119 : vector<16xf32>
        %parallel_loop3A_121 = arith.constant 30000 : i32
        %parallel_loop3A_122 = tpu.memref_slice %arg7[%parallel_loop3A_121] : memref<50000xf32, #tpu.memory_space<vmem>> -> memref<10000xf32, #tpu.memory_space<vmem>>
        tpu.vector_store_idx %parallel_loop3A_122[%parallel_loop3A_86], %parallel_loop3A_120 {add = true} : memref<10000xf32, #tpu.memory_space<vmem>>[vector<16xi32>], vector<16xf32>,
        %parallel_loop3A_123 = arith.constant 20000 : i32
        %parallel_loop3A_124 = tpu.memref_slice %arg6[%parallel_loop3A_123] : memref<30000xi32, #tpu.memory_space<vmem>> -> memref<10000xi32, #tpu.memory_space<vmem>>
        %parallel_loop3A_125 = tpu.vector_load_idx %parallel_loop3A_124[%parallel_loop3A_83] : memref<10000xi32, #tpu.memory_space<vmem>>[vector<16xi32>], vector<16xi32>,
        %parallel_loop3A_126 = arith.constant 16 : i32
        %parallel_loop3A_127 = vector.broadcast %parallel_loop3A_126 : i32 to vector<16xi32>
        %parallel_loop3A_128 = arith.shli %parallel_loop3A_125, %parallel_loop3A_127 : vector<16xi32>
        %parallel_loop3A_129 = vector.bitcast %parallel_loop3A_128 : vector<16xi32> to vector<16xf32>
        %parallel_loop3A_130 = arith.mulf %parallel_loop3A_88, %parallel_loop3A_129 : vector<16xf32>
        %parallel_loop3A_131 = arith.constant 40000 : i32
        %parallel_loop3A_132 = tpu.memref_slice %arg7[%parallel_loop3A_131] : memref<50000xf32, #tpu.memory_space<vmem>> -> memref<10000xf32, #tpu.memory_space<vmem>>
        tpu.vector_store_idx %parallel_loop3A_132[%parallel_loop3A_86], %parallel_loop3A_130 {add = true} : memref<10000xf32, #tpu.memory_space<vmem>>[vector<16xi32>], vector<16xf32>,
      } {sc.loop_unroll_factor = 4 : i64, sc.parallel_access}
    }
    %scan3A_18 = arith.constant 5 : i32
    %dma_wait3A = arith.constant 0 : i32
    %dma_wait3A_19 = tpu.memref_slice %arg2[%dma_wait3A] : memref<320000xi32, #tpu.memory_space<hbm>> -> memref<8000xi32, #tpu.memory_space<hbm>>
    %dma_wait3A_20 = arith.constant 0 : i32
    %dma_wait3A_21 = tpu.memref_slice %arg2[%dma_wait3A_20] : memref<320000xi32, #tpu.memory_space<hbm>> -> memref<8000xi32, #tpu.memory_space<hbm>>
    tpu.wait_dma2 semaphore(%arg12 : memref<!tpu.dma_semaphore, #tpu.memory_space<semaphore_mem>>) src(%dma_wait3A_21 : memref<8000xi32, #tpu.memory_space<hbm>>) dst(%arg8 : memref<8000xi32, #tpu.memory_space<vmem>>)
    %dma_wait3A_22 = arith.constant 0 : i32
    %dma_wait3A_23 = tpu.memref_slice %arg3[%dma_wait3A_22] : memref<320000xf32, #tpu.memory_space<hbm>> -> memref<8000xf32, #tpu.memory_space<hbm>>
    %dma_wait3A_24 = arith.constant 0 : i32
    %dma_wait3A_25 = tpu.memref_slice %arg3[%dma_wait3A_24] : memref<320000xf32, #tpu.memory_space<hbm>> -> memref<8000xf32, #tpu.memory_space<hbm>>
    tpu.wait_dma2 semaphore(%arg13 : memref<!tpu.dma_semaphore, #tpu.memory_space<semaphore_mem>>) src(%dma_wait3A_25 : memref<8000xf32, #tpu.memory_space<hbm>>) dst(%arg9 : memref<8000xf32, #tpu.memory_space<vmem>>)
    %mul3A_26 = arith.constant 400000 : i32
    %mul3A_27 = arith.muli %shift_right_arithmetic3A_2, %mul3A_26 : i32
    %mul3A_28 = arith.constant 50000 : i32
    %mul3A_29 = arith.muli %and3A_1, %mul3A_28 : i32
    %add3A_30 = arith.addi %mul3A_27, %mul3A_29 : i32
    "tpu.region"() ({
      %run_scoped3A = tpu.sem_alloc : memref<!tpu.dma_semaphore, #tpu.memory_space<semaphore_mem>>
      %dma_start3A_31 = tpu.memref_slice %arg5[%add3A_30] : memref<1600000xf32, #tpu.memory_space<hbm>> -> memref<50000xf32, #tpu.memory_space<hbm>>
      %dma_start3A_32 = tpu.memref_slice %arg5[%add3A_30] : memref<1600000xf32, #tpu.memory_space<hbm>> -> memref<50000xf32, #tpu.memory_space<hbm>>
      tpu.enqueue_dma source(%arg7 : memref<50000xf32, #tpu.memory_space<vmem>>) target(%dma_start3A_32 : memref<50000xf32, #tpu.memory_space<hbm>>) target_semaphore(%run_scoped3A : memref<!tpu.dma_semaphore, #tpu.memory_space<semaphore_mem>>)
      %dma_wait3A_33 = tpu.memref_slice %arg5[%add3A_30] : memref<1600000xf32, #tpu.memory_space<hbm>> -> memref<50000xf32, #tpu.memory_space<hbm>>
      %dma_wait3A_34 = tpu.memref_slice %arg5[%add3A_30] : memref<1600000xf32, #tpu.memory_space<hbm>> -> memref<50000xf32, #tpu.memory_space<hbm>>
      tpu.wait_dma2 semaphore(%run_scoped3A : memref<!tpu.dma_semaphore, #tpu.memory_space<semaphore_mem>>) src(%arg7 : memref<50000xf32, #tpu.memory_space<vmem>>) dst(%dma_wait3A_34 : memref<50000xf32, #tpu.memory_space<hbm>>)
      tpu.yield
    }) : () -> ()
    return
  }
}

module attributes {stable_mosaic.version = 14 : i64} {
  func.func @tc1b(%arg0: memref<32x10000xf32, #tpu.memory_space<vmem>>, %arg1: memref<10000xf32, #tpu.memory_space<vmem>>) attributes {dimension_semantics = [], scalar_prefetch = 0 : i64, scratch_operands = 0 : i64, tpu.core_type = #tpu.core_type<tc>} {
    %get3A = arith.constant 0 : index
    %get3A_0 = arith.constant 0 : index
    %get3A_1 = vector.load %arg0[%get3A, %get3A_0] : memref<32x10000xf32, #tpu.memory_space<vmem>>, vector<32x10000xf32>
    %reduce_sum3A = arith.constant dense<0.000000e+00> : vector<10000xf32>
    %reduce_sum3A_2 = vector.multi_reduction <add>, %get3A_1, %reduce_sum3A [0] : vector<32x10000xf32> to vector<10000xf32>
    %add3A = arith.constant 1.000000e+00 : f32
    %add3A_3 = vector.broadcast %add3A : f32 to vector<10000xf32>
    %add3A_4 = arith.addf %reduce_sum3A_2, %add3A_3 : vector<10000xf32>
    %rsqrt3A = math.rsqrt %add3A_4 : vector<10000xf32>
    %swap3A = arith.constant 0 : index
    %swap3A_5 = vector.load %arg1[%swap3A] : memref<10000xf32, #tpu.memory_space<vmem>>, vector<10000xf32>
    tpu.vector_store %arg1[%swap3A], %rsqrt3A {strides = array<i32>} : memref<10000xf32, #tpu.memory_space<vmem>>, vector<10000xf32>,
    return
  }
}

module attributes {stable_mosaic.version = 14 : i64} {
  func.func @tc1a(%arg0: memref<10000x128xf32, #tpu.memory_space<vmem>>, %arg1: memref<128x32xf32, #tpu.memory_space<vmem>>, %arg2: memref<128x32xf32, #tpu.memory_space<vmem>>, %arg3: memref<64x10000xf32, #tpu.memory_space<vmem>>, %arg4: memref<32x10000xi32, #tpu.memory_space<vmem>>) attributes {dimension_semantics = [], scalar_prefetch = 0 : i64, scratch_operands = 0 : i64, tpu.core_type = #tpu.core_type<tc>} {
    %get3A = arith.constant 0 : index
    %get3A_0 = arith.constant 0 : index
    %get3A_1 = vector.load %arg1[%get3A, %get3A_0] : memref<128x32xf32, #tpu.memory_space<vmem>>, vector<128x32xf32>
    %get3A_2 = arith.constant 0 : index
    %get3A_3 = arith.constant 0 : index
    %get3A_4 = vector.load %arg0[%get3A_2, %get3A_3] : memref<10000x128xf32, #tpu.memory_space<vmem>>, vector<10000x128xf32>
    %dot_general3A = arith.constant dense<0.000000e+00> : vector<32x10000xf32>
    %dot_general3A_5 = tpu.matmul %get3A_1, %get3A_4, %dot_general3A {dimension_numbers = #tpu.dot_dimension_numbers<[0], [1], [1], [0], [0, 1, 1, 0], [], []>, transpose_lhs_hint = false} : vector<128x32xf32>, vector<10000x128xf32>, vector<32x10000xf32> -> vector<32x10000xf32>
    %get3A_6 = arith.constant 0 : index
    %get3A_7 = arith.constant 0 : index
    %get3A_8 = vector.load %arg2[%get3A_6, %get3A_7] : memref<128x32xf32, #tpu.memory_space<vmem>>, vector<128x32xf32>
    %get3A_9 = arith.constant 0 : index
    %get3A_10 = arith.constant 0 : index
    %get3A_11 = vector.load %arg0[%get3A_9, %get3A_10] : memref<10000x128xf32, #tpu.memory_space<vmem>>, vector<10000x128xf32>
    %dot_general3A_12 = arith.constant dense<0.000000e+00> : vector<32x10000xf32>
    %dot_general3A_13 = tpu.matmul %get3A_8, %get3A_11, %dot_general3A_12 {dimension_numbers = #tpu.dot_dimension_numbers<[0], [1], [1], [0], [0, 1, 1, 0], [], []>, transpose_lhs_hint = false} : vector<128x32xf32>, vector<10000x128xf32>, vector<32x10000xf32> -> vector<32x10000xf32>
    %concatenate3A = tpu.concatenate %dot_general3A_5, %dot_general3A_13 in 0 : vector<32x10000xf32>, vector<32x10000xf32> -> vector<64x10000xf32>
    %swap3A = arith.constant 0 : index
    %swap3A_14 = arith.constant 0 : index
    %swap3A_15 = vector.load %arg3[%swap3A, %swap3A_14] : memref<64x10000xf32, #tpu.memory_space<vmem>>, vector<64x10000xf32>
    tpu.vector_store %arg3[%swap3A, %swap3A_14], %concatenate3A {strides = array<i32>} : memref<64x10000xf32, #tpu.memory_space<vmem>>, vector<64x10000xf32>,
    %bitcast_convert_type3A = tpu.bitcast %dot_general3A_5 : vector<32x10000xf32> -> vector<32x10000xi32>
    %bitcast_convert_type3A_16 = tpu.bitcast %dot_general3A_13 : vector<32x10000xf32> -> vector<32x10000xi32>
    %add3A = arith.constant 32767 : i32
    %add3A_17 = vector.broadcast %add3A : i32 to vector<32x10000xi32>
    %add3A_18 = arith.addi %bitcast_convert_type3A, %add3A_17 : vector<32x10000xi32>
    %shift_right_arithmetic3A = arith.constant 16 : i32
    %shift_right_arithmetic3A_19 = vector.broadcast %shift_right_arithmetic3A : i32 to vector<32x10000xi32>
    %shift_right_arithmetic3A_20 = arith.shrsi %bitcast_convert_type3A, %shift_right_arithmetic3A_19 : vector<32x10000xi32>
    %and3A = arith.constant 1 : i32
    %and3A_21 = vector.broadcast %and3A : i32 to vector<32x10000xi32>
    %and3A_22 = arith.andi %shift_right_arithmetic3A_20, %and3A_21 : vector<32x10000xi32>
    %add3A_23 = arith.addi %add3A_18, %and3A_22 : vector<32x10000xi32>
    %add3A_24 = arith.constant 32767 : i32
    %add3A_25 = vector.broadcast %add3A_24 : i32 to vector<32x10000xi32>
    %add3A_26 = arith.addi %bitcast_convert_type3A_16, %add3A_25 : vector<32x10000xi32>
    %shift_right_arithmetic3A_27 = arith.constant 16 : i32
    %shift_right_arithmetic3A_28 = vector.broadcast %shift_right_arithmetic3A_27 : i32 to vector<32x10000xi32>
    %shift_right_arithmetic3A_29 = arith.shrsi %bitcast_convert_type3A_16, %shift_right_arithmetic3A_28 : vector<32x10000xi32>
    %and3A_30 = arith.constant 1 : i32
    %and3A_31 = vector.broadcast %and3A_30 : i32 to vector<32x10000xi32>
    %and3A_32 = arith.andi %shift_right_arithmetic3A_29, %and3A_31 : vector<32x10000xi32>
    %add3A_33 = arith.addi %add3A_26, %and3A_32 : vector<32x10000xi32>
    %and3A_34 = arith.constant -65536 : i32
    %and3A_35 = vector.broadcast %and3A_34 : i32 to vector<32x10000xi32>
    %and3A_36 = arith.andi %add3A_33, %and3A_35 : vector<32x10000xi32>
    %shift_right_arithmetic3A_37 = arith.constant 16 : i32
    %shift_right_arithmetic3A_38 = vector.broadcast %shift_right_arithmetic3A_37 : i32 to vector<32x10000xi32>
    %shift_right_arithmetic3A_39 = arith.shrsi %add3A_23, %shift_right_arithmetic3A_38 : vector<32x10000xi32>
    %and3A_40 = arith.constant 65535 : i32
    %and3A_41 = vector.broadcast %and3A_40 : i32 to vector<32x10000xi32>
    %and3A_42 = arith.andi %shift_right_arithmetic3A_39, %and3A_41 : vector<32x10000xi32>
    %or3A = arith.ori %and3A_36, %and3A_42 : vector<32x10000xi32>
    %swap3A_43 = arith.constant 0 : index
    %swap3A_44 = arith.constant 0 : index
    %swap3A_45 = vector.load %arg4[%swap3A_43, %swap3A_44] : memref<32x10000xi32, #tpu.memory_space<vmem>>, vector<32x10000xi32>
    tpu.vector_store %arg4[%swap3A_43, %swap3A_44], %or3A {strides = array<i32>} : memref<32x10000xi32, #tpu.memory_space<vmem>>, vector<32x10000xi32>,
    return
  }
}

module attributes {stable_mosaic.version = 14 : i64} {
  func.func @tc2(%arg0: memref<2x64x10000xf32, #tpu.memory_space<vmem>>, %arg1: memref<64x10000xf32, #tpu.memory_space<vmem>>, %arg2: memref<10000xf32, #tpu.memory_space<vmem>>, %arg3: memref<64x40xf32, #tpu.memory_space<vmem>>, %arg4: memref<64x24xf32, #tpu.memory_space<vmem>>, %arg5: memref<64x24xf32, #tpu.memory_space<vmem>>, %arg6: memref<64xf32, #tpu.memory_space<vmem>>, %arg7: memref<40x10000xf32, #tpu.memory_space<vmem>>, %arg8: memref<24x10000xi32, #tpu.memory_space<vmem>>) attributes {dimension_semantics = [], scalar_prefetch = 0 : i64, scratch_operands = 0 : i64, tpu.core_type = #tpu.core_type<tc>} {
    %get3A = arith.constant 0 : index
    %get3A_0 = vector.load %arg2[%get3A] : memref<10000xf32, #tpu.memory_space<vmem>>, vector<10000xf32>
    %get3A_1 = arith.constant 0 : index
    %get3A_2 = arith.constant 0 : index
    %get3A_3 = arith.constant 0 : index
    %get3A_4 = vector.load %arg0[%get3A_1, %get3A_2, %get3A_3] : memref<2x64x10000xf32, #tpu.memory_space<vmem>>, vector<1x64x10000xf32>
    %get3A_5 = vector.shape_cast %get3A_4 : vector<1x64x10000xf32> to vector<64x10000xf32>
    %get3A_6 = arith.constant 1 : index
    %get3A_7 = arith.constant 0 : index
    %get3A_8 = arith.constant 0 : index
    %get3A_9 = vector.load %arg0[%get3A_6, %get3A_7, %get3A_8] : memref<2x64x10000xf32, #tpu.memory_space<vmem>>, vector<1x64x10000xf32>
    %get3A_10 = vector.shape_cast %get3A_9 : vector<1x64x10000xf32> to vector<64x10000xf32>
    %add3A = arith.addf %get3A_5, %get3A_10 : vector<64x10000xf32>
    %mul3A = arith.mulf %get3A_0, %get3A_0 : vector<10000xf32>
    %get3A_11 = arith.constant 0 : index
    %get3A_12 = arith.constant 0 : index
    %get3A_13 = vector.load %arg1[%get3A_11, %get3A_12] : memref<64x10000xf32, #tpu.memory_space<vmem>>, vector<64x10000xf32>
    %broadcast_in_dim3A = vector.shape_cast %mul3A : vector<10000xf32> to vector<1x10000xf32>
    %mul3A_14 = vector.broadcast %broadcast_in_dim3A : vector<1x10000xf32> to vector<64x10000xf32>
    %mul3A_15 = arith.mulf %mul3A_14, %get3A_13 : vector<64x10000xf32>
    %add3A_16 = arith.addf %add3A, %mul3A_15 : vector<64x10000xf32>
    %get3A_17 = arith.constant 0 : index
    %get3A_18 = vector.load %arg6[%get3A_17] : memref<64xf32, #tpu.memory_space<vmem>>, vector<64xf32>
    %broadcast_in_dim3A_19 = vector.shape_cast %get3A_18 : vector<64xf32> to vector<64x1xf32>
    %add3A_20 = vector.broadcast %broadcast_in_dim3A_19 : vector<64x1xf32> to vector<64x10000xf32>
    %add3A_21 = arith.addf %add3A_16, %add3A_20 : vector<64x10000xf32>
    %max3A = arith.constant 0.000000e+00 : f32
    %max3A_22 = vector.broadcast %max3A : f32 to vector<64x10000xf32>
    %max3A_23 = arith.maximumf %add3A_21, %max3A_22 : vector<64x10000xf32>
    %get3A_24 = arith.constant 0 : index
    %get3A_25 = arith.constant 0 : index
    %get3A_26 = vector.load %arg3[%get3A_24, %get3A_25] : memref<64x40xf32, #tpu.memory_space<vmem>>, vector<64x40xf32>
    %dot_general3A = arith.constant dense<0.000000e+00> : vector<40x10000xf32>
    %dot_general3A_27 = tpu.matmul %get3A_26, %max3A_23, %dot_general3A {dimension_numbers = #tpu.dot_dimension_numbers<[0], [0], [1], [1], [0, 1, 1, 1], [], []>, transpose_lhs_hint = false} : vector<64x40xf32>, vector<64x10000xf32>, vector<40x10000xf32> -> vector<40x10000xf32>
    %swap3A = arith.constant 0 : index
    %swap3A_28 = arith.constant 0 : index
    %swap3A_29 = vector.load %arg7[%swap3A, %swap3A_28] : memref<40x10000xf32, #tpu.memory_space<vmem>>, vector<40x10000xf32>
    tpu.vector_store %arg7[%swap3A, %swap3A_28], %dot_general3A_27 {strides = array<i32>} : memref<40x10000xf32, #tpu.memory_space<vmem>>, vector<40x10000xf32>,
    %get3A_30 = arith.constant 0 : index
    %get3A_31 = arith.constant 0 : index
    %get3A_32 = vector.load %arg4[%get3A_30, %get3A_31] : memref<64x24xf32, #tpu.memory_space<vmem>>, vector<64x24xf32>
    %dot_general3A_33 = arith.constant dense<0.000000e+00> : vector<24x10000xf32>
    %dot_general3A_34 = tpu.matmul %get3A_32, %max3A_23, %dot_general3A_33 {dimension_numbers = #tpu.dot_dimension_numbers<[0], [0], [1], [1], [0, 1, 1, 1], [], []>, transpose_lhs_hint = false} : vector<64x24xf32>, vector<64x10000xf32>, vector<24x10000xf32> -> vector<24x10000xf32>
    %get3A_35 = arith.constant 0 : index
    %get3A_36 = arith.constant 0 : index
    %get3A_37 = vector.load %arg5[%get3A_35, %get3A_36] : memref<64x24xf32, #tpu.memory_space<vmem>>, vector<64x24xf32>
    %dot_general3A_38 = arith.constant dense<0.000000e+00> : vector<24x10000xf32>
    %dot_general3A_39 = tpu.matmul %get3A_37, %max3A_23, %dot_general3A_38 {dimension_numbers = #tpu.dot_dimension_numbers<[0], [0], [1], [1], [0, 1, 1, 1], [], []>, transpose_lhs_hint = false} : vector<64x24xf32>, vector<64x10000xf32>, vector<24x10000xf32> -> vector<24x10000xf32>
    %bitcast_convert_type3A = tpu.bitcast %dot_general3A_34 : vector<24x10000xf32> -> vector<24x10000xi32>
    %bitcast_convert_type3A_40 = tpu.bitcast %dot_general3A_39 : vector<24x10000xf32> -> vector<24x10000xi32>
    %add3A_41 = arith.constant 32767 : i32
    %add3A_42 = vector.broadcast %add3A_41 : i32 to vector<24x10000xi32>
    %add3A_43 = arith.addi %bitcast_convert_type3A, %add3A_42 : vector<24x10000xi32>
    %shift_right_arithmetic3A = arith.constant 16 : i32
    %shift_right_arithmetic3A_44 = vector.broadcast %shift_right_arithmetic3A : i32 to vector<24x10000xi32>
    %shift_right_arithmetic3A_45 = arith.shrsi %bitcast_convert_type3A, %shift_right_arithmetic3A_44 : vector<24x10000xi32>
    %and3A = arith.constant 1 : i32
    %and3A_46 = vector.broadcast %and3A : i32 to vector<24x10000xi32>
    %and3A_47 = arith.andi %shift_right_arithmetic3A_45, %and3A_46 : vector<24x10000xi32>
    %add3A_48 = arith.addi %add3A_43, %and3A_47 : vector<24x10000xi32>
    %add3A_49 = arith.constant 32767 : i32
    %add3A_50 = vector.broadcast %add3A_49 : i32 to vector<24x10000xi32>
    %add3A_51 = arith.addi %bitcast_convert_type3A_40, %add3A_50 : vector<24x10000xi32>
    %shift_right_arithmetic3A_52 = arith.constant 16 : i32
    %shift_right_arithmetic3A_53 = vector.broadcast %shift_right_arithmetic3A_52 : i32 to vector<24x10000xi32>
    %shift_right_arithmetic3A_54 = arith.shrsi %bitcast_convert_type3A_40, %shift_right_arithmetic3A_53 : vector<24x10000xi32>
    %and3A_55 = arith.constant 1 : i32
    %and3A_56 = vector.broadcast %and3A_55 : i32 to vector<24x10000xi32>
    %and3A_57 = arith.andi %shift_right_arithmetic3A_54, %and3A_56 : vector<24x10000xi32>
    %add3A_58 = arith.addi %add3A_51, %and3A_57 : vector<24x10000xi32>
    %and3A_59 = arith.constant -65536 : i32
    %and3A_60 = vector.broadcast %and3A_59 : i32 to vector<24x10000xi32>
    %and3A_61 = arith.andi %add3A_58, %and3A_60 : vector<24x10000xi32>
    %shift_right_arithmetic3A_62 = arith.constant 16 : i32
    %shift_right_arithmetic3A_63 = vector.broadcast %shift_right_arithmetic3A_62 : i32 to vector<24x10000xi32>
    %shift_right_arithmetic3A_64 = arith.shrsi %add3A_48, %shift_right_arithmetic3A_63 : vector<24x10000xi32>
    %and3A_65 = arith.constant 65535 : i32
    %and3A_66 = vector.broadcast %and3A_65 : i32 to vector<24x10000xi32>
    %and3A_67 = arith.andi %shift_right_arithmetic3A_64, %and3A_66 : vector<24x10000xi32>
    %or3A = arith.ori %and3A_61, %and3A_67 : vector<24x10000xi32>
    %swap3A_68 = arith.constant 0 : index
    %swap3A_69 = arith.constant 0 : index
    %swap3A_70 = vector.load %arg8[%swap3A_68, %swap3A_69] : memref<24x10000xi32, #tpu.memory_space<vmem>>, vector<24x10000xi32>
    tpu.vector_store %arg8[%swap3A_68, %swap3A_69], %or3A {strides = array<i32>} : memref<24x10000xi32, #tpu.memory_space<vmem>>, vector<24x10000xi32>,
    return
  }
}

module attributes {stable_mosaic.version = 14 : i64} {
  func.func @tc3(%arg0: memref<4x40x10000xf32, #tpu.memory_space<vmem>>, %arg1: memref<40x10000xf32, #tpu.memory_space<vmem>>, %arg2: memref<10000xf32, #tpu.memory_space<vmem>>, %arg3: memref<40xf32, #tpu.memory_space<vmem>>, %arg4: memref<10000x40xf32, #tpu.memory_space<vmem>>) attributes {dimension_semantics = [], scalar_prefetch = 0 : i64, scratch_operands = 0 : i64, tpu.core_type = #tpu.core_type<tc>} {
    %get3A = arith.constant 0 : index
    %get3A_0 = vector.load %arg2[%get3A] : memref<10000xf32, #tpu.memory_space<vmem>>, vector<10000xf32>
    %get3A_1 = arith.constant 0 : index
    %get3A_2 = arith.constant 0 : index
    %get3A_3 = arith.constant 0 : index
    %get3A_4 = vector.load %arg0[%get3A_1, %get3A_2, %get3A_3] : memref<4x40x10000xf32, #tpu.memory_space<vmem>>, vector<1x40x10000xf32>
    %get3A_5 = vector.shape_cast %get3A_4 : vector<1x40x10000xf32> to vector<40x10000xf32>
    %get3A_6 = arith.constant 1 : index
    %get3A_7 = arith.constant 0 : index
    %get3A_8 = arith.constant 0 : index
    %get3A_9 = vector.load %arg0[%get3A_6, %get3A_7, %get3A_8] : memref<4x40x10000xf32, #tpu.memory_space<vmem>>, vector<1x40x10000xf32>
    %get3A_10 = vector.shape_cast %get3A_9 : vector<1x40x10000xf32> to vector<40x10000xf32>
    %add3A = arith.addf %get3A_5, %get3A_10 : vector<40x10000xf32>
    %get3A_11 = arith.constant 2 : index
    %get3A_12 = arith.constant 0 : index
    %get3A_13 = arith.constant 0 : index
    %get3A_14 = vector.load %arg0[%get3A_11, %get3A_12, %get3A_13] : memref<4x40x10000xf32, #tpu.memory_space<vmem>>, vector<1x40x10000xf32>
    %get3A_15 = vector.shape_cast %get3A_14 : vector<1x40x10000xf32> to vector<40x10000xf32>
    %add3A_16 = arith.addf %add3A, %get3A_15 : vector<40x10000xf32>
    %get3A_17 = arith.constant 3 : index
    %get3A_18 = arith.constant 0 : index
    %get3A_19 = arith.constant 0 : index
    %get3A_20 = vector.load %arg0[%get3A_17, %get3A_18, %get3A_19] : memref<4x40x10000xf32, #tpu.memory_space<vmem>>, vector<1x40x10000xf32>
    %get3A_21 = vector.shape_cast %get3A_20 : vector<1x40x10000xf32> to vector<40x10000xf32>
    %add3A_22 = arith.addf %add3A_16, %get3A_21 : vector<40x10000xf32>
    %mul3A = arith.mulf %get3A_0, %get3A_0 : vector<10000xf32>
    %get3A_23 = arith.constant 0 : index
    %get3A_24 = arith.constant 0 : index
    %get3A_25 = vector.load %arg1[%get3A_23, %get3A_24] : memref<40x10000xf32, #tpu.memory_space<vmem>>, vector<40x10000xf32>
    %broadcast_in_dim3A = vector.shape_cast %mul3A : vector<10000xf32> to vector<1x10000xf32>
    %mul3A_26 = vector.broadcast %broadcast_in_dim3A : vector<1x10000xf32> to vector<40x10000xf32>
    %mul3A_27 = arith.mulf %mul3A_26, %get3A_25 : vector<40x10000xf32>
    %add3A_28 = arith.addf %add3A_22, %mul3A_27 : vector<40x10000xf32>
    %get3A_29 = arith.constant 0 : index
    %get3A_30 = vector.load %arg3[%get3A_29] : memref<40xf32, #tpu.memory_space<vmem>>, vector<40xf32>
    %broadcast_in_dim3A_31 = vector.shape_cast %get3A_30 : vector<40xf32> to vector<40x1xf32>
    %add3A_32 = vector.broadcast %broadcast_in_dim3A_31 : vector<40x1xf32> to vector<40x10000xf32>
    %add3A_33 = arith.addf %add3A_28, %add3A_32 : vector<40x10000xf32>
    %reduce_max3A = arith.constant dense<0xFF800000> : vector<10000xf32>
    %reduce_max3A_34 = vector.multi_reduction <maximumf>, %add3A_33, %reduce_max3A [0] : vector<40x10000xf32> to vector<10000xf32>
    %broadcast_in_dim3A_35 = vector.shape_cast %reduce_max3A_34 : vector<10000xf32> to vector<1x10000xf32>
    %sub3A = vector.broadcast %broadcast_in_dim3A_35 : vector<1x10000xf32> to vector<40x10000xf32>
    %sub3A_36 = arith.subf %add3A_33, %sub3A : vector<40x10000xf32>
    %exp3A = math.exp %sub3A_36 : vector<40x10000xf32>
    %reduce_sum3A = arith.constant dense<0.000000e+00> : vector<10000xf32>
    %reduce_sum3A_37 = vector.multi_reduction <add>, %exp3A, %reduce_sum3A [0] : vector<40x10000xf32> to vector<10000xf32>
    %broadcast_in_dim3A_38 = vector.shape_cast %reduce_sum3A_37 : vector<10000xf32> to vector<1x10000xf32>
    %div3A = vector.broadcast %broadcast_in_dim3A_38 : vector<1x10000xf32> to vector<40x10000xf32>
    %div3A_39 = arith.divf %exp3A, %div3A : vector<40x10000xf32>
    %transpose3A = tpu.transpose %div3A_39, [1, 0] : vector<40x10000xf32> -> vector<10000x40xf32>
    %swap3A = arith.constant 0 : index
    %swap3A_40 = arith.constant 0 : index
    %swap3A_41 = vector.load %arg4[%swap3A, %swap3A_40] : memref<10000x40xf32, #tpu.memory_space<vmem>>, vector<10000x40xf32>
    tpu.vector_store %arg4[%swap3A, %swap3A_40], %transpose3A {strides = array<i32>} : memref<10000x40xf32, #tpu.memory_space<vmem>>, vector<10000x40xf32>,
    return
  }
}

</mosaic_0001>

<sc_bundles>
// kernel: kernel.10.cloned.1.call-start
scs
__scs_entry_jumppad:
0x0: {  	(pc) =	sbr.rel $0x88, $3  }
0x1: {  	(tag) =	ssettag $0x0;
	lr =	simm.s32 $0x1  }
0x2: {  	[smem:$0x3F9A] =	sst lr;
	_ =	strace $0xD0000000  }
0x3: {  	_ = 	snop  }
0x4: {  	_ = 	snop  }
0x5: {  	_ = 	snop  }
0x6: {  	_ = 	snop  }
0x7: {  	_ = 	snop  }
__scs_overlays_trampoline_lowered:
0x8: {  	[smem:$0x3FA9] =	sst s0  }
0x9: {  	[smem:$0x3FAA] =	sst s1  }
0xa: {  	[smem:$0x3FAB] =	sst s2  }
0xb: {  	[smem:$0x3FAC] =	sst s3  }
0xc: {  	[smem:$0x3FAD] =	sst s4  }
0xd: {  	[smem:$0x3FAE] =	sst s5  }
0xe: {  	[smem:$0x3FAF] =	sst s6  }
0xf: {  	[smem:$0x3FB0] =	sst s7  }
0x10: {  	[smem:$0x3FB1] =	sst s8  }
0x11: {  	[smem:$0x3FB2] =	sst s9;
	s0 =	simm.s32 @!p0 $0x0  }
0x12: {  	s1 =	sld [smem:$0x3F98];
	s0 =	simm.s32 @p0 $0x1  }
0x13: {  	[smem:$0x3FB3] =	sst s0;
	s0 =	simm.s32 @!p1 $0x0  }
0x14: {  	s2 =	sld [smem:$0x3F97];
	s0 =	simm.s32 @p1 $0x1  }
0x15: {  	[smem:$0x3FB4] =	sst s0;
	s0 =	simm.s32 @!p2 $0x0  }
0x16: {  	s3 =	sld [smem:$0x3FDB];
	s0 =	simm.s32 @p2 $0x1  }
0x17: {  	s4 =	simm.s32 $0x1BF5;
	[smem:$0x3FB6] =	sst s0  }
0x18: {  	s0 =	sld [smem:$0x3F99];
	_ =	swait.ge [sflag:s4], $0x0  }
0x19: {  	s7 =	sld [smem:$0x3F9A]  }
0x1a: {  	s8 =	sadd.s32 $0xFFFFE003, lr  }
0x1b: {  	s9 =	sadd.s32 $0xFFFFFEF7, lr;
	s5 =	simm.s32 $0xFFFFFFFF;
	p2 =	slt.u32 s8, $0xFFFFF086  }
0x1c: {  	p1 =	slt.u32 s9, $0xF7A;
	s5 =	simm.s32 @!p2 $0x0  }
0x1d: {  	s5 =	simm.s32 @p1 $0x1;
	p0 =	seq.s32 s7, s2  }
0x1e: {  	s7 =	smul.u32 @!p0 $0xF7A, s2;
	p2 =	seq.s32 @!p0 s5, $0x0  }
0x1f: {  	s9 =	smul.u32 $0xF7A, s1;
	s8 =	simm.s32 @!p0 $0x1BF5;
	p2 =	por !p2, p0  }
0x20: {  	[sflag:s8] =	ssyncset.s32 @!p0 $0xFFFFF086;
	s6 =	sadd.s32 @!p0 s3, s7;
	s7 =	simm.s32 @!p0 $0x108  }
0x21: {  	s3 =	sadd.s32 s3, s9;
	s6 =	sadd.s32 @!p0 $0x88, s6;
	s7 =	simm.s32 @p2 $0x1082  }
0x22: {  	[simem:s7], [sflag:s8] =	dma.local @!p0 [hbm:s6], $0xF7A  }
0x23: {  	s9 =	sor.u32 $0xD0000000, s2;
	s6 =	simm.s32 $0x108;
	_ =	swait.ge @!p0 [sflag:s8], $0x0  }
0x24: {  	s3 =	sadd.s32 $0x88, s3;
	s6 =	simm.s32 @!p1 $0x1082;
	[sflag:s4] =	ssyncset.s32 $0xFFFFF086  }
0x25: {  	[simem:s6], [sflag:s4] =	dma.local [hbm:s3], $0xF7A  }
0x26: {  	[smem:$0x3F9A] =	sst s1;
	(tag) =	ssettag s2;
	_ =	strace s9  }
0x27: {  	s1 =	sld [smem:$0x3FAA]  }
0x28: {  	s2 =	sld [smem:$0x3FAB]  }
0x29: {  	s4 =	sld [smem:$0x3FAD]  }
0x2a: {  	p0 =	seq.s32 s5, $0x0;
	s5 =	sld [smem:$0x3FAE]  }
0x2b: {  	s6 =	sld [smem:$0x3FAF]  }
0x2c: {  	s7 =	sld [smem:$0x3FB0]  }
0x2d: {  	s3 =	simm.s32 $0x108;
	s8 =	sld [smem:$0x3FB1]  }
0x2e: {  	s3 =	simm.s32 @!p0 $0x1082;
	s9 =	sld [smem:$0x3FB2]  }
0x2f: {  	lr =	sadd.s32 s0, s3;
	s0 =	sld [smem:$0x3FA9]  }
0x30: {  	s3 =	sld [smem:$0x3FAC]  }
0x31: {  	[smem:$0x3FB5] =	sst s10  }
0x32: {  	s10 =	sld [smem:$0x3FB3];
	_ =	sdelay $0x3  }
0x33: {  	p0 =	seq.s32 s10, $0x1;
	s10 =	sld [smem:$0x3FB5];
	_ =	sdelay $0x3  }
0x34: {  	[smem:$0x3FB5] =	sst s10  }
0x35: {  	s10 =	sld [smem:$0x3FB4];
	_ =	sdelay $0x3  }
0x36: {  	p1 =	seq.s32 s10, $0x1;
	s10 =	sld [smem:$0x3FB5];
	_ =	sdelay $0x3  }
0x37: {  	[smem:$0x3FB5] =	sst s10  }
0x38: {  	s10 =	sld [smem:$0x3FB6]  }
0x39: {  	_ = 	snop;
	(pc) =	sbr.ind lr, $3  }
0x3a: {  	_ = 	snop  }
0x3b: {  	_ = 	snop  }
0x3c: {  	p2 =	seq.s32 s10, $0x1;
	s10 =	sld [smem:$0x3FB5]  }
0x3d: {  	_ =	shalt  }
0x3e: {  	_ =	shalt  }
0x3f: {  	_ =	shalt  }
0x40: {  	_ =	shalt  }
0x41: {  	_ =	shalt  }
0x42: {  	_ =	shalt  }
0x43: {  	_ =	shalt  }
0x44: {  	_ =	shalt  }
0x45: {  	_ =	shalt  }
0x46: {  	_ =	shalt  }
0x47: {  	_ =	shalt  }
0x48: {  	_ =	shalt  }
0x49: {  	_ =	shalt  }
0x4a: {  	_ =	shalt  }
0x4b: {  	_ =	shalt  }
0x4c: {  	_ =	shalt  }
0x4d: {  	_ =	shalt  }
0x4e: {  	_ =	shalt  }
0x4f: {  	_ =	shalt  }
0x50: {  	_ =	shalt  }
0x51: {  	_ =	shalt  }
0x52: {  	_ =	shalt  }
0x53: {  	_ =	shalt  }
0x54: {  	_ =	shalt  }
0x55: {  	_ =	shalt  }
0x56: {  	_ =	shalt  }
0x57: {  	_ =	shalt  }
0x58: {  	_ =	shalt  }
0x59: {  	_ =	shalt  }
0x5a: {  	_ =	shalt  }
0x5b: {  	_ =	shalt  }
0x5c: {  	_ =	shalt  }
0x5d: {  	_ =	shalt  }
0x5e: {  	_ =	shalt  }
0x5f: {  	_ =	shalt  }
0x60: {  	_ =	shalt  }
0x61: {  	_ =	shalt  }
0x62: {  	_ =	shalt  }
0x63: {  	_ =	shalt  }
0x64: {  	_ =	shalt  }
0x65: {  	_ =	shalt  }
0x66: {  	_ =	shalt  }
0x67: {  	_ =	shalt  }
0x68: {  	_ =	shalt  }
0x69: {  	_ =	shalt  }
0x6a: {  	_ =	shalt  }
0x6b: {  	_ =	shalt  }
0x6c: {  	_ =	shalt  }
0x6d: {  	_ =	shalt  }
0x6e: {  	_ =	shalt  }
0x6f: {  	_ =	shalt  }
0x70: {  	_ =	shalt  }
0x71: {  	_ =	shalt  }
0x72: {  	_ =	shalt  }
0x73: {  	_ =	shalt  }
0x74: {  	_ =	shalt  }
0x75: {  	_ =	shalt  }
0x76: {  	_ =	shalt  }
0x77: {  	_ =	shalt  }
0x78: {  	_ =	shalt  }
0x79: {  	_ =	shalt  }
0x7a: {  	_ =	shalt  }
0x7b: {  	_ =	shalt  }
0x7c: {  	_ =	shalt  }
0x7d: {  	_ =	shalt  }
0x7e: {  	_ =	shalt  }
0x7f: {  	_ =	shalt  }
0x80: {  	_ =	shalt  }
0x81: {  	_ =	shalt  }
0x82: {  	_ =	shalt  }
0x83: {  	_ =	shalt  }
0x84: {  	_ =	shalt  }
0x85: {  	_ =	shalt  }
0x86: {  	_ =	shalt  }
0x87: {  	_ =	shalt  }
.Lfunc_end0:
.L_simem_size_0:
called_computation_lowered:
.L_overlay_start_0:
0x88: {  	s2 =	sld [smem:$0x3FD9]  }
0x89: {  	s3 =	sld [smem:$0x3FFE];
	_ =	sdelay $0x1  }
0x8a: {  	s1 =	srdreg.scid  }
0x8b: {  	s0 =	sand.u32 $0x1, s1  }
0x8c: {  	s17 =	sshll.u32 s0, $0xA;
	s2 =	sadd.s32 s3, s2  }
0x8d: {  	s2 =	sadd.s32 s2, s17  }
0x8e: {  	[smem:$0x3FC1] =	sst s2  }
0x8f: {  	_ = 	snop  }
0x90: {  	s2 =	sld [smem:$0x3FC7]  }
0x91: {  	s18 =	sld [smem:$0x3FD0];
	(tm) =	ssettm $0x1  }
0x92: {  	s4 =	sld [smem:$0x3FFB];
	_ =	sdelay $0x3  }
0x93: {  	_ =	strace s4  }
0x94: {  	s4 =	sld [smem:$0x3FFC];
	_ =	sdelay $0x3  }
0x95: {  	_ =	strace s4  }
0x96: {  	s4 =	sld [smem:$0x3FFD];
	_ =	sdelay $0x3  }
0x97: {  	_ =	strace s4  }
0x98: {  	_ =	strace $0x8FFFFFFF  }
0x99: {  	s19 =	sld [smem:$0x3FDB];
	_ =	sdelay $0x1  }
0x9a: {  	s5 =	simm.s32 $_scs_section_size  }
0x9b: {  	s6 =	simm.s32 $_size__tile_overlayer_lowered;
	s7 =	simm.s32 $_tile_overlayer_lowered  }
0x9c: {  	s22 =	simm.s32 $0x1BFF;
	s21 =	sshll.u32 s7, $0x1;
	s4 =	sadd.s32 s5, s19  }
0x9d: {  	s8 =	simm.s32 $0x0;
	s20 =	sshll.u32 s6, $0x1;
	s6 =	sadd.s32 s21, s4  }
0x9e: {  	[timem:s8], [sflag:s22] =	dma.local [hbm:s6], s20  }
0x9f: {  	_ =	swait.ge [sflag:s22], s20  }
0xa0: {  	s5 =	ssub.s32 $0x0, s20;
	[sflag:s22] =	ssyncset.done $0x0  }
0xa1: {  	[sflag:s22] =	ssyncadd.s32 s5;
	_ =	sdelay $0x1  }
0xa2: {  	s23 =	simm.s32 $0x1B8B  }
0xa3: {  	_ =	swait.ge [sflag:s23], $0x1  }
0xa4: {  	[sflag:s23] =	ssyncset.done $0x0  }
0xa5: {  	s25 =	simm.s32 $0x1B8E;
	s24 =	sld [smem:$0x3FFE];
	[sflag:s23] =	ssyncadd.s32 $0xFFFFFFFF  }
0xa6: {  	s26 =	simm.s32 $execute0_lowered;
	[smem:$0x3FD2] =	sst s25  }
0xa7: {  	s6 =	sshll.u32 s26, $0x1;
	_ =	strace $0x80000046;
	[dreg:$0x1] =	wrdreg $0xFFFFFFFF  }
0xa8: {  	s28 =	simm.s32 $_size_execute0_lowered;
	s4 =	sadd.s32 s4, s6;
	[dreg:$0x0] =	wrdreg $0x0  }
0xa9: {  	s6 =	sshll.u32 s28, $0x1;
	[dreg:$0x2] =	wrdreg s4  }
0xaa: {  	[dreg:$0x3] =	wrdreg s6  }
0xab: {  	[dreg:$0x4] =	wrdreg $0xC0  }
0xac: {  	_ =	task [dreg:s8], $0x5FFFF  }
0xad: {  	[dreg:$0x1] =	wrdreg $0xFFFFFFFF  }
0xae: {  	[dreg:$0x0] =	wrdreg $0x60  }
0xaf: {  	[dreg:$0x2] =	wrdreg s18  }
0xb0: {  	[dreg:$0x3] =	wrdreg s2  }
0xb1: {  	[dreg:$0x4] =	wrdreg s24  }
0xb2: {  	[dreg:$0x5] =	wrdreg $0x9  }
0xb3: {  	_ =	task.clear_ibuf [dreg:s8], $0x6FFFF;
	_ =	strace $0x90000046  }
0xb4: {  	s29 =	simm.s32 $0x9;
	_ =	strace $0x80000048  }
0xb5: {  	_ =	swait.ge [sflag:s29], $0x1  }
0xb6: {  	[sflag:s29] =	ssyncadd.s32 $0xFFFFFFFF  }
0xb7: {  	_ =	strace $0x90000048  }
0xb8: {  	_ =	sfence  }
0xb9: {  	s30 =	sld [smem:$0x0];
	_ =	sdelay $0x2  }
0xba: {  	s31 =	sshll.u32 s1, $0xD;
	s1 =	sshrl.u32 s1, $0x2  }
0xbb: {  	s3 =	sand.u32 $0x4000, s31;
	s1 =	sadd.s32 s1, s30  }
0xbc: {  	s0 =	sor.u32 s3, s0;
	s1 =	sshll.u32 s1, $0x11  }
0xbd: {  	s0 =	sor.u32 s1, s0  }
0xbe: {  	s0 =	sadd.s32 $0x8F2B, s0  }
0xbf: {  	[sflag:s0] =	ssyncadd.remote.s32 $0x1  }
0xc0: {  	_ =	sfence.sel $0xFFFF  }
0xc1: {  	[dreg:$0x0] =	wrdreg $0xFFFFFFFF;
	(pc) =	sbr.abs _section_cstart, $3  }
0xc2: {  	[dreg:$0x1] =	wrdreg $0xFFFFFFFF  }
0xc3: {  	_ =	task.clear_ibuf [dreg:s8], $0x2FFFF;
	_ =	strace $0x9FFFFFFF  }
0xc4: {  	(tm) =	ssettm $0x7FFFFFFF  }
0xc5: {  	_ =	shalt  }
tec
execute0_lowered:
.L_overlay_start_1:
0x0: {  	(tag) =	ssettag $0x1  }
0x1: {  	s3 =	rddreg [dreg:$0x0];
	s1 =	srdreg.scid  }
0x2: {  	s0 =	stileid.u32;
	s4 =	rddreg [dreg:$0x1]  }
0x3: {  	s6 =	rddreg [dreg:$0x2];
	s5 =	sand.u32 $0x1, s1;
	s31 =	sshll.u32 s0, $0x1  }
0x4: {  	s2 =	simm.s32 $0x0;
	s9 =	simm.s32 $0x4F00;
	s7 =	sor.u32 s5, s31  }
0x5: {  	s1 =	rddreg [dreg:$0x3];
	s5 =	ssub.s32 $0x2, s5;
	s7 =	smul.u32 $0x4E2, s7  }
0x6: {  	s10 =	simm.s32 $0x0;
	[smem:$0x7FF] =	sst s2;
	s8 =	sshrl.u32 s5, $0x1  }
0x7: {  	_ =	strace $0x80000047;
	s8 =	ssub.s32 s5, s8;
	s6 =	sadd.s32 s7, s6  }
0x8: {  	s3 =	sadd.s32 s3, s7;
	s4 =	sadd.s32 s4, s7;
	s7 =	simm.s32 $0x1  }
0x9: {  	v0 =	vimm.f32 $0.0e+00;
	s5 =	sadd.s32 $0xC800, s6;
	s6 =	smax.u32 s8, $0x1;
	s8 =	simm.s32 $0x2780  }
.LBB2_1:
0xa: {  	s11 =	simm.s32 $0x4F40  }
0xb: {  	[tilespmem:s11+$0xFFFFFFC0] =	vst v0  }
0xc: {  	[tilespmem:s11+$0x30] =	vst v0  }
0xd: {  	[tilespmem:s11+$0x20] =	vst v0  }
0xe: {  	[tilespmem:s11+$0x10] =	vst v0  }
0xf: {  	[tilespmem:s11+$0x0] =	vst v0  }
0x10: {  	[tilespmem:s11+$0xFFFFFFF0] =	vst v0  }
0x11: {  	s12 =	simm.s32 $0x0;
	[tilespmem:s11+$0xFFFFFFE0] =	vst v0  }
.LBB2_2:
0x12: {  	s12 =	sadd.s32 $0x80, s12;
	[tilespmem:s11+$0xFFFFFFD0] =	vst v0;
	s11 =	sadd.s32 $0x80, s11  }
0x13: {  	[tilespmem:s11+$0xFFFFFFC0] =	vst v0;
	p0 =	slt.u32 s12, $0x2680  }
0x14: {  	[tilespmem:s11+$0x30] =	vst v0  }
.Ltmp0:
0x15: {  	[tilespmem:s11+$0x20] =	vst v0;
	(pc) =	sbr.rel @p0 .LBB2_2-.Ltmp0, $4  }
0x16: {  	[tilespmem:s11+$0x10] =	vst v0  }
0x17: {  	[tilespmem:s11+$0x0] =	vst v0  }
0x18: {  	[tilespmem:s11+$0xFFFFFFF0] =	vst v0  }
0x19: {  	[tilespmem:s11+$0xFFFFFFE0] =	vst v0  }
0x1a: {  	[tilespmem:s11+$0xFFFFFFD0] =	vst v0  }
0x1b: {  	[tilespmem:$0x7600] =	vst v0  }
0x1c: {  	[tilespmem:s2], [sflag:$0x1] =	stream.linear.gather [hbm4b:s3+s2], $0x2710, $0x38;
	[tilespmem:$0x7680] =	vst v63  }
0x1d: {  	_ =	swait.ge [sflag:s7], $0x2710  }
0x1e: {  	[sflag:s7] =	ssyncset.done $0x0  }
0x1f: {  	[sflag:s7] =	ssyncadd.s32 $0xFFFFD8F0  }
0x20: {  	[tilespmem:s8], [sflag:$0x1] =	stream.linear.gather [hbm4b:s4+s2], $0x2710, $0x38;
	[tilespmem:$0x7680] =	vst v63  }
0x21: {  	_ =	swait.ge [sflag:s7], $0x2710  }
0x22: {  	[sflag:s7] =	ssyncset.done $0x0  }
0x23: {  	s12 =	simm.s32 $0x40;
	[sflag:s7] =	ssyncadd.s32 $0xFFFFD8F0  }
0x24: {  	v1 =	vld [tilespmem:s12+$0x30]  }
0x25: {  	v2 =	vld [tilespmem:s12+$0xFFFFFFD0]  }
0x26: {  	s11 =	simm.s32 $0x27C0;
	v3 =	vld [tilespmem:s12+$0xFFFFFFE0]  }
0x27: {  	v4 =	vld [tilespmem:s11+$0x30]  }
0x28: {  	v5 =	vld [tilespmem:s12+$0xFFFFFFF0]  }
0x29: {  	v6 =	vld [tilespmem:s12+$0x0]  }
0x2a: {  	v7 =	vld [tilespmem:s12+$0x10]  }
0x2b: {  	v8 =	vld [tilespmem:s12+$0x20]  }
0x2c: {  	v63 =	vld [tilespmem:s11+$0xFFFFFFC0]  }
0x2d: {  	v9 =	vld [tilespmem:s11+$0xFFFFFFD0]  }
0x2e: {  	v10 =	vld [tilespmem:s11+$0xFFFFFFE0]  }
0x2f: {  	v11 =	vld [tilespmem:s11+$0xFFFFFFF0]  }
0x30: {  	v12 =	vld [tilespmem:s11+$0x0]  }
0x31: {  	v13 =	vld [tilespmem:s11+$0x10]  }
0x32: {  	[tilespmem:v1+s9+$0x0] =	vst.idx.add.f32.msk $0xffff, v4  }
0x33: {  	v1 =	vld [tilespmem:s12+$0xFFFFFFC0]  }
0x34: {  	v14 =	vld [tilespmem:s11+$0x20]  }
0x35: {  	[tilespmem:v2+s9+$0x0] =	vst.idx.add.f32.msk $0xffff, v9  }
0x36: {  	[tilespmem:v3+s9+$0x0] =	vst.idx.add.f32.msk $0xffff, v10  }
0x37: {  	[tilespmem:v5+s9+$0x0] =	vst.idx.add.f32.msk $0xffff, v11  }
0x38: {  	[tilespmem:v6+s9+$0x0] =	vst.idx.add.f32.msk $0xffff, v12  }
0x39: {  	[tilespmem:v7+s9+$0x0] =	vst.idx.add.f32.msk $0xffff, v13  }
0x3a: {  	[tilespmem:v8+s9+$0x0] =	vst.idx.add.f32.msk $0xffff, v14  }
0x3b: {  	s13 =	simm.s32 $0xC0;
	s12 =	simm.s32 $0x0;
	[tilespmem:v1+s9+$0x0] =	vst.idx.add.f32.msk $0xffff, v63  }
.LBB2_4:
0x3c: {  	v1 =	vld [tilespmem:s13+$0x30];
	s12 =	sadd.s32 $0x80, s12  }
0x3d: {  	v2 =	vld [tilespmem:s13+$0xFFFFFFD0];
	p0 =	slt.u32 s12, $0x2680  }
0x3e: {  	s11 =	sadd.s32 $0x80, s11;
	v3 =	vld [tilespmem:s13+$0xFFFFFFE0]  }
0x3f: {  	v4 =	vld [tilespmem:s11+$0x30]  }
0x40: {  	v5 =	vld [tilespmem:s13+$0xFFFFFFF0]  }
0x41: {  	v6 =	vld [tilespmem:s13+$0x0]  }
0x42: {  	v7 =	vld [tilespmem:s13+$0x10]  }
0x43: {  	v8 =	vld [tilespmem:s13+$0x20]  }
0x44: {  	[tilespmem:v1+s9+$0x0] =	vst.idx.add.f32.msk $0xffff, v4  }
0x45: {  	v1 =	vld [tilespmem:s13+$0xFFFFFFC0]  }
0x46: {  	v4 =	vld [tilespmem:s11+$0xFFFFFFC0]  }
0x47: {  	v9 =	vld [tilespmem:s11+$0xFFFFFFD0]  }
0x48: {  	v10 =	vld [tilespmem:s11+$0xFFFFFFE0]  }
0x49: {  	v11 =	vld [tilespmem:s11+$0xFFFFFFF0]  }
0x4a: {  	v12 =	vld [tilespmem:s11+$0x0]  }
0x4b: {  	v13 =	vld [tilespmem:s11+$0x10]  }
0x4c: {  	v14 =	vld [tilespmem:s11+$0x20]  }
0x4d: {  	[tilespmem:v1+s9+$0x0] =	vst.idx.add.f32.msk $0xffff, v4  }
0x4e: {  	[tilespmem:v2+s9+$0x0] =	vst.idx.add.f32.msk $0xffff, v9  }
.Ltmp1:
0x4f: {  	[tilespmem:v3+s9+$0x0] =	vst.idx.add.f32.msk $0xffff, v10;
	(pc) =	sbr.rel @p0 .LBB2_4-.Ltmp1, $4  }
0x50: {  	[tilespmem:v5+s9+$0x0] =	vst.idx.add.f32.msk $0xffff, v11  }
0x51: {  	[tilespmem:v6+s9+$0x0] =	vst.idx.add.f32.msk $0xffff, v12  }
0x52: {  	[tilespmem:v7+s9+$0x0] =	vst.idx.add.f32.msk $0xffff, v13  }
0x53: {  	s13 =	sadd.s32 $0x80, s13;
	[tilespmem:v8+s9+$0x0] =	vst.idx.add.f32.msk $0xffff, v14  }
0x54: {  	v1 =	vld [tilespmem:$0x2700];
	_ =	sdelay $0x2  }
0x55: {  	v2 =	vld [tilespmem:$0x4E80];
	_ =	sdelay $0x2  }
0x56: {  	s10 =	sadd.s32 $0x1, s10  }
0x57: {  	p0 =	sne.s32 s10, s6  }
.Ltmp2:
0x58: {  	[tilespmem:v1+s9+$0x0] =	vst.idx.add.f32.msk $0xffff, v2;
	(pc) =	sbr.rel @p0 .LBB2_1-.Ltmp2, $4  }
0x59: {  	[hbm4b:s5+s2] =	stream.linear.scatter [tilespmem:s9], [sflag:$0x1], $0x2710, $0x38;
	[tilespmem:$0x7680] =	vst v63  }
0x5a: {  	_ =	swait.ge [sflag:s7], $0x2710  }
0x5b: {  	[sflag:s7] =	ssyncset.done $0x0  }
0x5c: {  	[sflag:s7] =	ssyncadd.s32 $0xFFFFD8F0  }
0x5d: {  	_ =	sfence.sel $0x180000  }
0x5e: {  	[bflag:$0x0] =	sbarrier.arrive $0xFFFF  }
0x5f: {  	p0 =	sne.s32 s0, $0x0;
	_ =	strace $0x90000047  }
0x60: {  	s0 =	sadd.s32 @!p0 $0x100000, s1;
	[bflag:$0x2] =	sbarrier.arrive $0xFFFF  }
0x61: {  	[sflag:s0] =	ssyncadd.tile.s32 @!p0 $0x1;
	_ =	shalt  }
.Lfunc_end2:
_tile_overlayer_lowered:
.L_overlay_start_2:
0x62: {  	(tag) =	ssettag $0x2  }
0x63: {  	s0 =	rddreg [dreg:$0x0];
	s2 =	stileid.u32  }
0x64: {  	s1 =	rddreg [dreg:$0x1];
	p0 =	sne.s32 s2, $0x0  }
0x65: {  	s3 =	rddreg [dreg:$0x2];
	[bflag:$0x3] =	sbarrier.arrive $0xFFFF;
	s2 =	simm.s32 @!p0 $0x1C01  }
0x66: {  	[timem:s3], [sflag:s2] =	dma.local @!p0 [hbm:s0], s1  }
0x67: {  	s0 =	simm.s32 @!p0 $0x1  }
0x68: {  	_ =	swait.ge @!p0 [sflag:s0], s1  }
0x69: {  	s1 =	ssub.s32 @!p0 $0x0, s1;
	[sflag:s0] =	ssyncset.done @!p0 $0x0  }
0x6a: {  	[sflag:s0] =	ssyncadd.s32 @!p0 s1  }
0x6b: {  	[bflag:$0x3] =	sbarrier.arrive $0xFFFF  }
0x6c: {  	_ =	shalt  }

// kernel: kernel.13.cloned.1.call-start
scs
__scs_entry_jumppad:
0x0: {  	(pc) =	sbr.rel $0x88, $3  }
0x1: {  	(tag) =	ssettag $0x0;
	lr =	simm.s32 $0x1  }
0x2: {  	[smem:$0x3F9A] =	sst lr;
	_ =	strace $0xD0000000  }
0x3: {  	_ = 	snop  }
0x4: {  	_ = 	snop  }
0x5: {  	_ = 	snop  }
0x6: {  	_ = 	snop  }
0x7: {  	_ = 	snop  }
__scs_overlays_trampoline_lowered:
0x8: {  	[smem:$0x3FA9] =	sst s0  }
0x9: {  	[smem:$0x3FAA] =	sst s1  }
0xa: {  	[smem:$0x3FAB] =	sst s2  }
0xb: {  	[smem:$0x3FAC] =	sst s3  }
0xc: {  	[smem:$0x3FAD] =	sst s4  }
0xd: {  	[smem:$0x3FAE] =	sst s5  }
0xe: {  	[smem:$0x3FAF] =	sst s6  }
0xf: {  	[smem:$0x3FB0] =	sst s7  }
0x10: {  	[smem:$0x3FB1] =	sst s8  }
0x11: {  	[smem:$0x3FB2] =	sst s9;
	s0 =	simm.s32 @!p0 $0x0  }
0x12: {  	s1 =	sld [smem:$0x3F98];
	s0 =	simm.s32 @p0 $0x1  }
0x13: {  	[smem:$0x3FB3] =	sst s0;
	s0 =	simm.s32 @!p1 $0x0  }
0x14: {  	s2 =	sld [smem:$0x3F97];
	s0 =	simm.s32 @p1 $0x1  }
0x15: {  	[smem:$0x3FB4] =	sst s0;
	s0 =	simm.s32 @!p2 $0x0  }
0x16: {  	s3 =	sld [smem:$0x3FDB];
	s0 =	simm.s32 @p2 $0x1  }
0x17: {  	s4 =	simm.s32 $0x1BF5;
	[smem:$0x3FB6] =	sst s0  }
0x18: {  	s0 =	sld [smem:$0x3F99];
	_ =	swait.ge [sflag:s4], $0x0  }
0x19: {  	s7 =	sld [smem:$0x3F9A]  }
0x1a: {  	s8 =	sadd.s32 $0xFFFFE003, lr  }
0x1b: {  	s9 =	sadd.s32 $0xFFFFFEF7, lr;
	s5 =	simm.s32 $0xFFFFFFFF;
	p2 =	slt.u32 s8, $0xFFFFF086  }
0x1c: {  	p1 =	slt.u32 s9, $0xF7A;
	s5 =	simm.s32 @!p2 $0x0  }
0x1d: {  	s5 =	simm.s32 @p1 $0x1;
	p0 =	seq.s32 s7, s2  }
0x1e: {  	s7 =	smul.u32 @!p0 $0xF7A, s2;
	p2 =	seq.s32 @!p0 s5, $0x0  }
0x1f: {  	s9 =	smul.u32 $0xF7A, s1;
	s8 =	simm.s32 @!p0 $0x1BF5;
	p2 =	por !p2, p0  }
0x20: {  	[sflag:s8] =	ssyncset.s32 @!p0 $0xFFFFF086;
	s6 =	sadd.s32 @!p0 s3, s7;
	s7 =	simm.s32 @!p0 $0x108  }
0x21: {  	s3 =	sadd.s32 s3, s9;
	s6 =	sadd.s32 @!p0 $0x88, s6;
	s7 =	simm.s32 @p2 $0x1082  }
0x22: {  	[simem:s7], [sflag:s8] =	dma.local @!p0 [hbm:s6], $0xF7A  }
0x23: {  	s9 =	sor.u32 $0xD0000000, s2;
	s6 =	simm.s32 $0x108;
	_ =	swait.ge @!p0 [sflag:s8], $0x0  }
0x24: {  	s3 =	sadd.s32 $0x88, s3;
	s6 =	simm.s32 @!p1 $0x1082;
	[sflag:s4] =	ssyncset.s32 $0xFFFFF086  }
0x25: {  	[simem:s6], [sflag:s4] =	dma.local [hbm:s3], $0xF7A  }
0x26: {  	[smem:$0x3F9A] =	sst s1;
	(tag) =	ssettag s2;
	_ =	strace s9  }
0x27: {  	s1 =	sld [smem:$0x3FAA]  }
0x28: {  	s2 =	sld [smem:$0x3FAB]  }
0x29: {  	s4 =	sld [smem:$0x3FAD]  }
0x2a: {  	p0 =	seq.s32 s5, $0x0;
	s5 =	sld [smem:$0x3FAE]  }
0x2b: {  	s6 =	sld [smem:$0x3FAF]  }
0x2c: {  	s7 =	sld [smem:$0x3FB0]  }
0x2d: {  	s3 =	simm.s32 $0x108;
	s8 =	sld [smem:$0x3FB1]  }
0x2e: {  	s3 =	simm.s32 @!p0 $0x1082;
	s9 =	sld [smem:$0x3FB2]  }
0x2f: {  	lr =	sadd.s32 s0, s3;
	s0 =	sld [smem:$0x3FA9]  }
0x30: {  	s3 =	sld [smem:$0x3FAC]  }
0x31: {  	[smem:$0x3FB5] =	sst s10  }
0x32: {  	s10 =	sld [smem:$0x3FB3];
	_ =	sdelay $0x3  }
0x33: {  	p0 =	seq.s32 s10, $0x1;
	s10 =	sld [smem:$0x3FB5];
	_ =	sdelay $0x3  }
0x34: {  	[smem:$0x3FB5] =	sst s10  }
0x35: {  	s10 =	sld [smem:$0x3FB4];
	_ =	sdelay $0x3  }
0x36: {  	p1 =	seq.s32 s10, $0x1;
	s10 =	sld [smem:$0x3FB5];
	_ =	sdelay $0x3  }
0x37: {  	[smem:$0x3FB5] =	sst s10  }
0x38: {  	s10 =	sld [smem:$0x3FB6]  }
0x39: {  	_ = 	snop;
	(pc) =	sbr.ind lr, $3  }
0x3a: {  	_ = 	snop  }
0x3b: {  	_ = 	snop  }
0x3c: {  	p2 =	seq.s32 s10, $0x1;
	s10 =	sld [smem:$0x3FB5]  }
0x3d: {  	_ =	shalt  }
0x3e: {  	_ =	shalt  }
0x3f: {  	_ =	shalt  }
0x40: {  	_ =	shalt  }
0x41: {  	_ =	shalt  }
0x42: {  	_ =	shalt  }
0x43: {  	_ =	shalt  }
0x44: {  	_ =	shalt  }
0x45: {  	_ =	shalt  }
0x46: {  	_ =	shalt  }
0x47: {  	_ =	shalt  }
0x48: {  	_ =	shalt  }
0x49: {  	_ =	shalt  }
0x4a: {  	_ =	shalt  }
0x4b: {  	_ =	shalt  }
0x4c: {  	_ =	shalt  }
0x4d: {  	_ =	shalt  }
0x4e: {  	_ =	shalt  }
0x4f: {  	_ =	shalt  }
0x50: {  	_ =	shalt  }
0x51: {  	_ =	shalt  }
0x52: {  	_ =	shalt  }
0x53: {  	_ =	shalt  }
0x54: {  	_ =	shalt  }
0x55: {  	_ =	shalt  }
0x56: {  	_ =	shalt  }
0x57: {  	_ =	shalt  }
0x58: {  	_ =	shalt  }
0x59: {  	_ =	shalt  }
0x5a: {  	_ =	shalt  }
0x5b: {  	_ =	shalt  }
0x5c: {  	_ =	shalt  }
0x5d: {  	_ =	shalt  }
0x5e: {  	_ =	shalt  }
0x5f: {  	_ =	shalt  }
0x60: {  	_ =	shalt  }
0x61: {  	_ =	shalt  }
0x62: {  	_ =	shalt  }
0x63: {  	_ =	shalt  }
0x64: {  	_ =	shalt  }
0x65: {  	_ =	shalt  }
0x66: {  	_ =	shalt  }
0x67: {  	_ =	shalt  }
0x68: {  	_ =	shalt  }
0x69: {  	_ =	shalt  }
0x6a: {  	_ =	shalt  }
0x6b: {  	_ =	shalt  }
0x6c: {  	_ =	shalt  }
0x6d: {  	_ =	shalt  }
0x6e: {  	_ =	shalt  }
0x6f: {  	_ =	shalt  }
0x70: {  	_ =	shalt  }
0x71: {  	_ =	shalt  }
0x72: {  	_ =	shalt  }
0x73: {  	_ =	shalt  }
0x74: {  	_ =	shalt  }
0x75: {  	_ =	shalt  }
0x76: {  	_ =	shalt  }
0x77: {  	_ =	shalt  }
0x78: {  	_ =	shalt  }
0x79: {  	_ =	shalt  }
0x7a: {  	_ =	shalt  }
0x7b: {  	_ =	shalt  }
0x7c: {  	_ =	shalt  }
0x7d: {  	_ =	shalt  }
0x7e: {  	_ =	shalt  }
0x7f: {  	_ =	shalt  }
0x80: {  	_ =	shalt  }
0x81: {  	_ =	shalt  }
0x82: {  	_ =	shalt  }
0x83: {  	_ =	shalt  }
0x84: {  	_ =	shalt  }
0x85: {  	_ =	shalt  }
0x86: {  	_ =	shalt  }
0x87: {  	_ =	shalt  }
.Lfunc_end0:
.L_simem_size_0:
called_computation.1_lowered:
.L_overlay_start_0:
0x88: {  	s2 =	sld [smem:$0x3FD9]  }
0x89: {  	s3 =	sld [smem:$0x3FFE];
	_ =	sdelay $0x1  }
0x8a: {  	s1 =	srdreg.scid  }
0x8b: {  	s0 =	sand.u32 $0x1, s1  }
0x8c: {  	s17 =	sshll.u32 s0, $0xA;
	s2 =	sadd.s32 s3, s2  }
0x8d: {  	s2 =	sadd.s32 s2, s17  }
0x8e: {  	[smem:$0x3FC1] =	sst s2  }
0x8f: {  	_ = 	snop  }
0x90: {  	s2 =	sld [smem:$0x3FC7]  }
0x91: {  	s18 =	sld [smem:$0x3FD0];
	(tm) =	ssettm $0x1  }
0x92: {  	s4 =	sld [smem:$0x3FFB];
	_ =	sdelay $0x3  }
0x93: {  	_ =	strace s4  }
0x94: {  	s4 =	sld [smem:$0x3FFC];
	_ =	sdelay $0x3  }
0x95: {  	_ =	strace s4  }
0x96: {  	s4 =	sld [smem:$0x3FFD];
	_ =	sdelay $0x3  }
0x97: {  	_ =	strace s4  }
0x98: {  	_ =	strace $0x8FFFFFFF  }
0x99: {  	s19 =	sld [smem:$0x3FDB];
	_ =	sdelay $0x1  }
0x9a: {  	s5 =	simm.s32 $_scs_section_size  }
0x9b: {  	s6 =	simm.s32 $_size__tile_overlayer_lowered;
	s7 =	simm.s32 $_tile_overlayer_lowered  }
0x9c: {  	s22 =	simm.s32 $0x1BFF;
	s21 =	sshll.u32 s7, $0x1;
	s4 =	sadd.s32 s5, s19  }
0x9d: {  	s8 =	simm.s32 $0x0;
	s20 =	sshll.u32 s6, $0x1;
	s6 =	sadd.s32 s21, s4  }
0x9e: {  	[timem:s8], [sflag:s22] =	dma.local [hbm:s6], s20  }
0x9f: {  	_ =	swait.ge [sflag:s22], s20  }
0xa0: {  	s5 =	ssub.s32 $0x0, s20;
	[sflag:s22] =	ssyncset.done $0x0  }
0xa1: {  	[sflag:s22] =	ssyncadd.s32 s5;
	_ =	sdelay $0x1  }
0xa2: {  	s23 =	simm.s32 $0x1B8B  }
0xa3: {  	_ =	swait.ge [sflag:s23], $0x1  }
0xa4: {  	[sflag:s23] =	ssyncset.done $0x0  }
0xa5: {  	s25 =	simm.s32 $0x1B8E;
	s24 =	sld [smem:$0x3FFE];
	[sflag:s23] =	ssyncadd.s32 $0xFFFFFFFF  }
0xa6: {  	s26 =	simm.s32 $execute0_lowered;
	[smem:$0x3FD2] =	sst s25  }
0xa7: {  	s6 =	sshll.u32 s26, $0x1;
	_ =	strace $0x80000049;
	[dreg:$0x1] =	wrdreg $0xFFFFFFFF  }
0xa8: {  	s28 =	simm.s32 $_size_execute0_lowered;
	s4 =	sadd.s32 s4, s6;
	[dreg:$0x0] =	wrdreg $0x0  }
0xa9: {  	s6 =	sshll.u32 s28, $0x1;
	[dreg:$0x2] =	wrdreg s4  }
0xaa: {  	[dreg:$0x3] =	wrdreg s6  }
0xab: {  	[dreg:$0x4] =	wrdreg $0xC0  }
0xac: {  	_ =	task [dreg:s8], $0x5FFFF  }
0xad: {  	[dreg:$0x1] =	wrdreg $0xFFFFFFFF  }
0xae: {  	[dreg:$0x0] =	wrdreg $0x60  }
0xaf: {  	[dreg:$0x2] =	wrdreg s24  }
0xb0: {  	[dreg:$0x3] =	wrdreg s18  }
0xb1: {  	[dreg:$0x4] =	wrdreg s2  }
0xb2: {  	[dreg:$0x5] =	wrdreg $0x9  }
0xb3: {  	_ =	task.clear_ibuf [dreg:s8], $0x6FFFF;
	_ =	strace $0x90000049  }
0xb4: {  	s29 =	simm.s32 $0x9;
	_ =	strace $0x8000004B  }
0xb5: {  	_ =	swait.ge [sflag:s29], $0x1  }
0xb6: {  	[sflag:s29] =	ssyncadd.s32 $0xFFFFFFFF  }
0xb7: {  	_ =	strace $0x9000004B  }
0xb8: {  	_ =	sfence  }
0xb9: {  	s30 =	sld [smem:$0x0];
	_ =	sdelay $0x2  }
0xba: {  	s31 =	sshll.u32 s1, $0xD;
	s1 =	sshrl.u32 s1, $0x2  }
0xbb: {  	s3 =	sand.u32 $0x4000, s31;
	s1 =	sadd.s32 s1, s30  }
0xbc: {  	s0 =	sor.u32 s3, s0;
	s1 =	sshll.u32 s1, $0x11  }
0xbd: {  	s0 =	sor.u32 s1, s0  }
0xbe: {  	s0 =	sadd.s32 $0x8F2B, s0  }
0xbf: {  	[sflag:s0] =	ssyncadd.remote.s32 $0x1  }
0xc0: {  	_ =	sfence.sel $0xFFFF  }
0xc1: {  	[dreg:$0x0] =	wrdreg $0xFFFFFFFF;
	(pc) =	sbr.abs _section_cstart, $3  }
0xc2: {  	[dreg:$0x1] =	wrdreg $0xFFFFFFFF  }
0xc3: {  	_ =	task.clear_ibuf [dreg:s8], $0x2FFFF;
	_ =	strace $0x9FFFFFFF  }
0xc4: {  	(tm) =	ssettm $0x7FFFFFFF  }
0xc5: {  	_ =	shalt  }
tec
execute0_lowered:
.L_overlay_start_1:
0x0: {  	(tag) =	ssettag $0x1  }
0x1: {  	s3 =	rddreg [dreg:$0x0];
	s1 =	srdreg.scid  }
0x2: {  	s0 =	stileid.u32;
	s5 =	rddreg [dreg:$0x1]  }
0x3: {  	s6 =	rddreg [dreg:$0x2];
	s2 =	simm.s32 $0x0;
	s10 =	simm.s32 $0x7680  }
0x4: {  	s11 =	simm.s32 $0x1;
	s12 =	simm.s32 $0x2780;
	s13 =	simm.s32 $0x4F00  }
0x5: {  	s14 =	simm.s32 $0x9E00;
	s4 =	sand.u32 $0x1, s1;
	s31 =	sshll.u32 s0, $0x1  }
0x6: {  	s15 =	simm.s32 $0xC580;
	s16 =	simm.s32 $0x0;
	s7 =	sor.u32 s4, s31  }
0x7: {  	[smem:$0x7FF] =	sst s2;
	s4 =	ssub.s32 $0x2, s4;
	s7 =	smul.u32 $0x4E2, s7  }
0x8: {  	s1 =	rddreg [dreg:$0x3];
	_ =	strace $0x8000004A;
	s9 =	sshrl.u32 s4, $0x1  }
0x9: {  	s9 =	ssub.s32 s4, s9;
	s8 =	sadd.s32 s7, s3;
	s3 =	sadd.s32 $0xC800, s3  }
0xa: {  	s5 =	sadd.s32 s5, s7;
	s6 =	sadd.s32 s6, s7;
	s9 =	smax.u32 s9, $0x1  }
0xb: {  	s4 =	sadd.s32 $0x2A00, s8;
	s7 =	sadd.s32 $0xCE00, s8;
	s8 =	sadd.s32 $0x16C00, s8  }
.LBB2_1:
0xc: {  	[tilespmem:s10], [sflag:$0x1] =	stream.linear.gather [hbm4b:s3+s2], $0x2780, $0x38;
	[tilespmem:$0xED00] =	vst v63  }
0xd: {  	_ =	swait.ge [sflag:s11], $0x2780  }
0xe: {  	[sflag:s11] =	ssyncset.done $0x0  }
0xf: {  	[sflag:s11] =	ssyncadd.s32 $0xFFFFD880  }
0x10: {  	[tilespmem:s2], [sflag:$0x1] =	stream.linear.gather [hbm4b:s4+s2], $0x2710, $0x38;
	[tilespmem:$0xED00] =	vst v63  }
0x11: {  	_ =	swait.ge [sflag:s11], $0x2710  }
0x12: {  	[sflag:s11] =	ssyncset.done $0x0  }
0x13: {  	[sflag:s11] =	ssyncadd.s32 $0xFFFFD8F0  }
0x14: {  	[tilespmem:s12], [sflag:$0x1] =	stream.linear.gather [hbm4b:s5+s2], $0x2710, $0x38;
	[tilespmem:$0xED00] =	vst v63  }
0x15: {  	_ =	swait.ge [sflag:s11], $0x2710  }
0x16: {  	[sflag:s11] =	ssyncset.done $0x0  }
0x17: {  	[sflag:s11] =	ssyncadd.s32 $0xFFFFD8F0  }
0x18: {  	[tilespmem:s13], [sflag:$0x1] =	stream.linear.gather [hbm4b:s6+s2], $0x2710, $0x38;
	[tilespmem:$0xED00] =	vst v63  }
0x19: {  	_ =	swait.ge [sflag:s11], $0x2710  }
0x1a: {  	[sflag:s11] =	ssyncset.done $0x0  }
0x1b: {  	s19 =	simm.s32 $0x40;
	[sflag:s11] =	ssyncadd.s32 $0xFFFFD8F0  }
0x1c: {  	v0 =	vld [tilespmem:s19+$0x30]  }
0x1d: {  	s17 =	simm.s32 $0x27C0;
	v1 =	vld [tilespmem:s19+$0xFFFFFFD0]  }
0x1e: {  	v2 =	vld [tilespmem:s17+$0x30]  }
0x1f: {  	v3 =	vld [tilespmem:s19+$0xFFFFFFE0]  }
0x20: {  	v4 =	vld [tilespmem:s19+$0xFFFFFFF0]  }
0x21: {  	v6 =	vld [tilespmem:s19+$0x0]  }
0x22: {  	v8 =	vld [tilespmem:s19+$0x10]  }
0x23: {  	s18 =	simm.s32 $0x4F40;
	v9 =	vld [tilespmem:s19+$0x20]  }
0x24: {  	v7 =	vld [tilespmem:s18+$0x30]  }
0x25: {  	v11 =	vld [tilespmem:s19+$0xFFFFFFC0]  }
0x26: {  	v12 =	vld [tilespmem:s17+$0xFFFFFFC0]  }
0x27: {  	v13 =	vld [tilespmem:s17+$0xFFFFFFD0]  }
0x28: {  	v14 =	vld [tilespmem:s17+$0xFFFFFFE0]  }
0x29: {  	v15 =	vld [tilespmem:s17+$0xFFFFFFF0]  }
0x2a: {  	v17 =	vld [tilespmem:s17+$0x0]  }
0x2b: {  	v19 =	vld [tilespmem:s17+$0x10]  }
0x2c: {  	v20 =	vld [tilespmem:s17+$0x20]  }
0x2d: {  	v26 =	vld [tilespmem:s18+$0xFFFFFFC0]  }
0x2e: {  	v27 =	vld [tilespmem:s18+$0xFFFFFFD0]  }
0x2f: {  	v28 =	vld [tilespmem:s18+$0xFFFFFFE0]  }
0x30: {  	v29 =	vld [tilespmem:s18+$0xFFFFFFF0]  }
0x31: {  	v30 =	vld [tilespmem:s18+$0x0]  }
0x32: {  	v31 =	vld [tilespmem:s18+$0x10]  }
0x33: {  	v32 =	vld [tilespmem:s18+$0x20]  }
0x34: {  	v5 =	vld.idx.msk [tilespmem:v0+s10+$0x0], $0xffff  }
0x35: {  	v10 =	vld.idx.msk [tilespmem:v2+s10+$0x0], $0xffff  }
0x36: {  	v16 =	vld.idx.msk [tilespmem:v11+s10+$0x0], $0xffff  }
0x37: {  	v18 =	vld.idx.msk [tilespmem:v1+s10+$0x0], $0xffff  }
0x38: {  	v21 =	vld.idx.msk [tilespmem:v3+s10+$0x0], $0xffff  }
0x39: {  	v22 =	vld.idx.msk [tilespmem:v4+s10+$0x0], $0xffff  }
0x3a: {  	v23 =	vld.idx.msk [tilespmem:v6+s10+$0x0], $0xffff  }
0x3b: {  	v24 =	vld.idx.msk [tilespmem:v8+s10+$0x0], $0xffff;
	v0 =	vshll.u32 v0, $0x10;
	v1 =	vshll.u32 v1, $0x10  }
0x3c: {  	v25 =	vld.idx.msk [tilespmem:v9+s10+$0x0], $0xffff;
	v9 =	vshll.u32 v9, $0x10;
	v0 =	vor.u32 v2, v0;
	v5 =	vmul.f32 v5, v7  }
0x3d: {  	v33 =	vld.idx.msk [tilespmem:v12+s10+$0x0], $0xffff;
	v2 =	vshll.u32 v3, $0x10;
	v3 =	vor.u32 v13, v1;
	v1 =	vshll.u32 v4, $0x10  }
0x3e: {  	v26 =	vmul.f32 v16, v26;
	v16 =	vld.idx.msk [tilespmem:v14+s10+$0x0], $0xffff;
	v10 =	vmul.f32 v10, v5;
	v5 =	vshll.u32 v11, $0x10  }
0x3f: {  	s19 =	simm.s32 $0x9E40;
	v4 =	vor.u32 v15, v1;
	v7 =	vmul.f32 v18, v27;
	v5 =	vor.u32 v12, v5;
	v12 =	vld.idx.msk [tilespmem:v13+s10+$0x0], $0xffff  }
0x40: {  	s20 =	simm.s32 $0xC5C0;
	v18 =	vmul.f32 v21, v28;
	v11 =	vmul.f32 v22, v29;
	v13 =	vld.idx.msk [tilespmem:v15+s10+$0x0], $0xffff;
	[tilespmem:s19+$0x30] =	vst v10;
	v10 =	vshll.u32 v6, $0x10  }
0x41: {  	v15 =	vld.idx.msk [tilespmem:v19+s10+$0x0], $0xffff;
	v6 =	vor.u32 v14, v2;
	[tilespmem:s20+$0x30] =	vst v0;
	v0 =	vshll.u32 v8, $0x10;
	v2 =	vor.u32 v17, v10  }
0x42: {  	v14 =	vld.idx.msk [tilespmem:v17+s10+$0x0], $0xffff;
	v10 =	vmul.f32 v23, v30;
	v8 =	vmul.f32 v24, v31;
	v1 =	vor.u32 v19, v0  }
0x43: {  	s21 =	simm.s32 $0x0;
	s22 =	simm.s32 $0xC0;
	v17 =	vld.idx.msk [tilespmem:v20+s10+$0x0], $0xffff;
	v0 =	vor.u32 v20, v9;
	v9 =	vmul.f32 v25, v32;
	v19 =	vmul.f32 v33, v26  }
.LBB2_2:
0x44: {  	v20 =	vld [tilespmem:s22+$0x30];
	v7 =	vmul.f32 v12, v7  }
0x45: {  	s21 =	sadd.s32 $0x80, s21;
	v16 =	vmul.f32 v16, v18;
	s17 =	sadd.s32 $0x80, s17;
	v12 =	vld [tilespmem:s22+$0xFFFFFFD0];
	[tilespmem:s19+$0xFFFFFFC0] =	vst v19  }
0x46: {  	p0 =	slt.u32 s21, $0x2680;
	v18 =	vld [tilespmem:s17+$0x30];
	[tilespmem:s20+$0xFFFFFFC0] =	vst v5;
	v5 =	vmul.f32 v13, v11  }
0x47: {  	v11 =	vld [tilespmem:s22+$0xFFFFFFE0];
	[tilespmem:s19+$0xFFFFFFD0] =	vst v7;
	v7 =	vmul.f32 v14, v10  }
0x48: {  	v10 =	vld [tilespmem:s22+$0xFFFFFFF0];
	[tilespmem:s20+$0xFFFFFFD0] =	vst v3;
	v3 =	vmul.f32 v15, v8  }
0x49: {  	v9 =	vmul.f32 v17, v9;
	v8 =	vld [tilespmem:s22+$0x0];
	[tilespmem:s19+$0xFFFFFFE0] =	vst v16  }
0x4a: {  	v13 =	vshll.u32 v12, $0x10;
	v14 =	vld [tilespmem:s22+$0x10];
	[tilespmem:s20+$0xFFFFFFE0] =	vst v6  }
0x4b: {  	v15 =	vld [tilespmem:s22+$0x20];
	[tilespmem:s19+$0xFFFFFFF0] =	vst v5  }
0x4c: {  	s18 =	sadd.s32 $0x80, s18;
	v6 =	vshll.u32 v11, $0x10;
	v5 =	vld.idx.msk [tilespmem:v20+s10+$0x0], $0xffff;
	[tilespmem:s20+$0xFFFFFFF0] =	vst v4  }
0x4d: {  	v4 =	vshll.u32 v10, $0x10;
	v16 =	vld [tilespmem:s18+$0x30];
	[tilespmem:s19+$0x0] =	vst v7  }
0x4e: {  	v7 =	vshll.u32 v8, $0x10;
	v17 =	vld.idx.msk [tilespmem:v18+s10+$0x0], $0xffff;
	[tilespmem:s20+$0x0] =	vst v2  }
0x4f: {  	v2 =	vld [tilespmem:s22+$0xFFFFFFC0];
	v19 =	vshll.u32 v14, $0x10;
	[tilespmem:s19+$0x10] =	vst v3  }
0x50: {  	v21 =	vld [tilespmem:s17+$0xFFFFFFC0];
	v22 =	vshll.u32 v15, $0x10;
	[tilespmem:s20+$0x10] =	vst v1  }
0x51: {  	v23 =	vld [tilespmem:s17+$0xFFFFFFD0];
	[tilespmem:s19+$0x20] =	vst v9  }
0x52: {  	v9 =	vld [tilespmem:s17+$0xFFFFFFE0];
	v1 =	vmul.f32 v5, v16;
	[tilespmem:s20+$0x20] =	vst v0  }
0x53: {  	v24 =	vld [tilespmem:s17+$0xFFFFFFF0]  }
0x54: {  	v0 =	vshll.u32 v2, $0x10;
	v25 =	vld [tilespmem:s17+$0x0];
	v1 =	vmul.f32 v17, v1  }
0x55: {  	s19 =	sadd.s32 $0x80, s19;
	v5 =	vor.u32 v21, v0;
	v17 =	vld [tilespmem:s17+$0x10];
	v0 =	vshll.u32 v20, $0x10  }
0x56: {  	s20 =	sadd.s32 $0x80, s20;
	v3 =	vor.u32 v23, v13;
	v20 =	vld [tilespmem:s17+$0x20];
	[tilespmem:s19+$0x30] =	vst v1;
	v0 =	vor.u32 v18, v0  }
0x57: {  	v13 =	vld.idx.msk [tilespmem:v2+s10+$0x0], $0xffff;
	v6 =	vor.u32 v9, v6;
	[tilespmem:s20+$0x30] =	vst v0  }
0x58: {  	v12 =	vld.idx.msk [tilespmem:v12+s10+$0x0], $0xffff;
	v4 =	vor.u32 v24, v4  }
0x59: {  	v11 =	vld.idx.msk [tilespmem:v11+s10+$0x0], $0xffff;
	v2 =	vor.u32 v25, v7  }
0x5a: {  	v10 =	vld.idx.msk [tilespmem:v10+s10+$0x0], $0xffff;
	v1 =	vor.u32 v17, v19  }
0x5b: {  	v8 =	vld.idx.msk [tilespmem:v8+s10+$0x0], $0xffff;
	v0 =	vor.u32 v20, v22  }
0x5c: {  	v14 =	vld.idx.msk [tilespmem:v14+s10+$0x0], $0xffff  }
0x5d: {  	v15 =	vld.idx.msk [tilespmem:v15+s10+$0x0], $0xffff  }
0x5e: {  	v7 =	vld [tilespmem:s18+$0xFFFFFFC0]  }
0x5f: {  	v16 =	vld [tilespmem:s18+$0xFFFFFFD0]  }
0x60: {  	v18 =	vld [tilespmem:s18+$0xFFFFFFE0]  }
0x61: {  	v19 =	vld [tilespmem:s18+$0xFFFFFFF0]  }
0x62: {  	v22 =	vld [tilespmem:s18+$0x0]  }
0x63: {  	v26 =	vmul.f32 v13, v7;
	v27 =	vld [tilespmem:s18+$0x10]  }
0x64: {  	v7 =	vmul.f32 v12, v16;
	v28 =	vld [tilespmem:s18+$0x20]  }
0x65: {  	v21 =	vld.idx.msk [tilespmem:v21+s10+$0x0], $0xffff;
	v18 =	vmul.f32 v11, v18  }
0x66: {  	v12 =	vld.idx.msk [tilespmem:v23+s10+$0x0], $0xffff;
	v11 =	vmul.f32 v10, v19  }
.Ltmp0:
0x67: {  	v16 =	vld.idx.msk [tilespmem:v9+s10+$0x0], $0xffff;
	v10 =	vmul.f32 v8, v22;
	(pc) =	sbr.rel @p0 .LBB2_2-.Ltmp0, $4  }
0x68: {  	v13 =	vld.idx.msk [tilespmem:v24+s10+$0x0], $0xffff;
	v8 =	vmul.f32 v14, v27  }
0x69: {  	v14 =	vld.idx.msk [tilespmem:v25+s10+$0x0], $0xffff;
	v9 =	vmul.f32 v15, v28  }
0x6a: {  	v15 =	vld.idx.msk [tilespmem:v17+s10+$0x0], $0xffff  }
0x6b: {  	s22 =	sadd.s32 $0x80, s22;
	v19 =	vmul.f32 v21, v26;
	v17 =	vld.idx.msk [tilespmem:v20+s10+$0x0], $0xffff  }
0x6c: {  	_ = 	snop  }
0x6d: {  	v7 =	vmul.f32 v12, v7;
	[tilespmem:s19+$0xFFFFFFC0] =	vst v19  }
0x6e: {  	v59 =	vmul.f32 v16, v18;
	[tilespmem:s20+$0xFFFFFFC0] =	vst v5  }
0x6f: {  	[tilespmem:s19+$0xFFFFFFD0] =	vst v7  }
0x70: {  	[tilespmem:s19+$0xFFFFFFE0] =	vst v59  }
0x71: {  	v60 =	vmul.f32 v13, v11;
	[tilespmem:s20+$0xFFFFFFD0] =	vst v3  }
0x72: {  	[tilespmem:s20+$0xFFFFFFE0] =	vst v6  }
0x73: {  	v61 =	vmul.f32 v14, v10;
	[tilespmem:s19+$0xFFFFFFF0] =	vst v60  }
0x74: {  	[tilespmem:s20+$0xFFFFFFF0] =	vst v4  }
0x75: {  	v62 =	vmul.f32 v15, v8;
	[tilespmem:s19+$0x0] =	vst v61  }
0x76: {  	[tilespmem:s20+$0x0] =	vst v2  }
0x77: {  	v63 =	vmul.f32 v17, v9;
	[tilespmem:s19+$0x10] =	vst v62  }
0x78: {  	[tilespmem:s20+$0x10] =	vst v1  }
0x79: {  	[tilespmem:s19+$0x20] =	vst v63  }
0x7a: {  	[tilespmem:s20+$0x20] =	vst v0  }
0x7b: {  	v0 =	vld [tilespmem:$0x2700];
	_ =	sdelay $0x1  }
0x7c: {  	v1 =	vld [tilespmem:$0x4E80];
	_ =	sdelay $0x4  }
0x7d: {  	v2 =	vld [tilespmem:$0x7600]  }
0x7e: {  	v3 =	vld.idx.msk [tilespmem:v0+s10+$0x0], $0xffff;
	_ =	sdelay $0x1  }
0x7f: {  	v4 =	vld.idx.msk [tilespmem:v1+s10+$0x0], $0xffff;
	_ =	sdelay $0x2  }
0x80: {  	v2 =	vmul.f32 v3, v2  }
0x81: {  	v0 =	vshll.u32 v0, $0x10  }
0x82: {  	v0 =	vor.u32 v1, v0;
	v2 =	vmul.f32 v4, v2  }
0x83: {  	[tilespmem:$0xEC80] =	vst v0  }
0x84: {  	[tilespmem:$0xC500] =	vst v2  }
0x85: {  	[hbm4b:s7+s2] =	stream.linear.scatter [tilespmem:s14], [sflag:$0x1], $0x2710, $0x38;
	[tilespmem:$0xED00] =	vst v63  }
0x86: {  	s16 =	sadd.s32 $0x1, s16;
	_ =	swait.ge [sflag:s11], $0x2710  }
0x87: {  	p0 =	sne.s32 s16, s9;
	[sflag:s11] =	ssyncset.done $0x0  }
.Ltmp1:
0x88: {  	[sflag:s11] =	ssyncadd.s32 $0xFFFFD8F0;
	(pc) =	sbr.rel @p0 .LBB2_1-.Ltmp1, $4  }
0x89: {  	[hbm4b:s8+s2] =	stream.linear.scatter [tilespmem:s15], [sflag:$0x1], $0x2710, $0x38;
	[tilespmem:$0xED00] =	vst v63  }
0x8a: {  	_ =	swait.ge [sflag:s11], $0x2710  }
0x8b: {  	[sflag:s11] =	ssyncset.done $0x0  }
0x8c: {  	[sflag:s11] =	ssyncadd.s32 $0xFFFFD8F0  }
0x8d: {  	_ =	sfence.sel $0x180000  }
0x8e: {  	[bflag:$0x0] =	sbarrier.arrive $0xFFFF  }
0x8f: {  	p0 =	sne.s32 s0, $0x0;
	_ =	strace $0x9000004A  }
0x90: {  	s0 =	sadd.s32 @!p0 $0x100000, s1;
	[bflag:$0x2] =	sbarrier.arrive $0xFFFF  }
0x91: {  	[sflag:s0] =	ssyncadd.tile.s32 @!p0 $0x1;
	_ =	shalt  }
.Lfunc_end2:
_tile_overlayer_lowered:
.L_overlay_start_2:
0x92: {  	(tag) =	ssettag $0x2  }
0x93: {  	s0 =	rddreg [dreg:$0x0];
	s2 =	stileid.u32  }
0x94: {  	s1 =	rddreg [dreg:$0x1];
	p0 =	sne.s32 s2, $0x0  }
0x95: {  	s3 =	rddreg [dreg:$0x2];
	[bflag:$0x3] =	sbarrier.arrive $0xFFFF;
	s2 =	simm.s32 @!p0 $0x1C01  }
0x96: {  	[timem:s3], [sflag:s2] =	dma.local @!p0 [hbm:s0], s1  }
0x97: {  	s0 =	simm.s32 @!p0 $0x1  }
0x98: {  	_ =	swait.ge @!p0 [sflag:s0], s1  }
0x99: {  	s1 =	ssub.s32 @!p0 $0x0, s1;
	[sflag:s0] =	ssyncset.done @!p0 $0x0  }
0x9a: {  	[sflag:s0] =	ssyncadd.s32 @!p0 s1  }
0x9b: {  	[bflag:$0x3] =	sbarrier.arrive $0xFFFF  }
0x9c: {  	_ =	shalt  }

// kernel: kernel.16.cloned.1.call-start
scs
__scs_entry_jumppad:
0x0: {  	(pc) =	sbr.rel $0x88, $3  }
0x1: {  	(tag) =	ssettag $0x0;
	lr =	simm.s32 $0x1  }
0x2: {  	[smem:$0x3F9A] =	sst lr;
	_ =	strace $0xD0000000  }
0x3: {  	_ = 	snop  }
0x4: {  	_ = 	snop  }
0x5: {  	_ = 	snop  }
0x6: {  	_ = 	snop  }
0x7: {  	_ = 	snop  }
__scs_overlays_trampoline_lowered:
0x8: {  	[smem:$0x3FA9] =	sst s0  }
0x9: {  	[smem:$0x3FAA] =	sst s1  }
0xa: {  	[smem:$0x3FAB] =	sst s2  }
0xb: {  	[smem:$0x3FAC] =	sst s3  }
0xc: {  	[smem:$0x3FAD] =	sst s4  }
0xd: {  	[smem:$0x3FAE] =	sst s5  }
0xe: {  	[smem:$0x3FAF] =	sst s6  }
0xf: {  	[smem:$0x3FB0] =	sst s7  }
0x10: {  	[smem:$0x3FB1] =	sst s8  }
0x11: {  	[smem:$0x3FB2] =	sst s9;
	s0 =	simm.s32 @!p0 $0x0  }
0x12: {  	s1 =	sld [smem:$0x3F98];
	s0 =	simm.s32 @p0 $0x1  }
0x13: {  	[smem:$0x3FB3] =	sst s0;
	s0 =	simm.s32 @!p1 $0x0  }
0x14: {  	s2 =	sld [smem:$0x3F97];
	s0 =	simm.s32 @p1 $0x1  }
0x15: {  	[smem:$0x3FB4] =	sst s0;
	s0 =	simm.s32 @!p2 $0x0  }
0x16: {  	s3 =	sld [smem:$0x3FDB];
	s0 =	simm.s32 @p2 $0x1  }
0x17: {  	s4 =	simm.s32 $0x1BF5;
	[smem:$0x3FB6] =	sst s0  }
0x18: {  	s0 =	sld [smem:$0x3F99];
	_ =	swait.ge [sflag:s4], $0x0  }
0x19: {  	s7 =	sld [smem:$0x3F9A]  }
0x1a: {  	s8 =	sadd.s32 $0xFFFFE003, lr  }
0x1b: {  	s9 =	sadd.s32 $0xFFFFFEF7, lr;
	s5 =	simm.s32 $0xFFFFFFFF;
	p2 =	slt.u32 s8, $0xFFFFF086  }
0x1c: {  	p1 =	slt.u32 s9, $0xF7A;
	s5 =	simm.s32 @!p2 $0x0  }
0x1d: {  	s5 =	simm.s32 @p1 $0x1;
	p0 =	seq.s32 s7, s2  }
0x1e: {  	s7 =	smul.u32 @!p0 $0xF7A, s2;
	p2 =	seq.s32 @!p0 s5, $0x0  }
0x1f: {  	s9 =	smul.u32 $0xF7A, s1;
	s8 =	simm.s32 @!p0 $0x1BF5;
	p2 =	por !p2, p0  }
0x20: {  	[sflag:s8] =	ssyncset.s32 @!p0 $0xFFFFF086;
	s6 =	sadd.s32 @!p0 s3, s7;
	s7 =	simm.s32 @!p0 $0x108  }
0x21: {  	s3 =	sadd.s32 s3, s9;
	s6 =	sadd.s32 @!p0 $0x88, s6;
	s7 =	simm.s32 @p2 $0x1082  }
0x22: {  	[simem:s7], [sflag:s8] =	dma.local @!p0 [hbm:s6], $0xF7A  }
0x23: {  	s9 =	sor.u32 $0xD0000000, s2;
	s6 =	simm.s32 $0x108;
	_ =	swait.ge @!p0 [sflag:s8], $0x0  }
0x24: {  	s3 =	sadd.s32 $0x88, s3;
	s6 =	simm.s32 @!p1 $0x1082;
	[sflag:s4] =	ssyncset.s32 $0xFFFFF086  }
0x25: {  	[simem:s6], [sflag:s4] =	dma.local [hbm:s3], $0xF7A  }
0x26: {  	[smem:$0x3F9A] =	sst s1;
	(tag) =	ssettag s2;
	_ =	strace s9  }
0x27: {  	s1 =	sld [smem:$0x3FAA]  }
0x28: {  	s2 =	sld [smem:$0x3FAB]  }
0x29: {  	s4 =	sld [smem:$0x3FAD]  }
0x2a: {  	p0 =	seq.s32 s5, $0x0;
	s5 =	sld [smem:$0x3FAE]  }
0x2b: {  	s6 =	sld [smem:$0x3FAF]  }
0x2c: {  	s7 =	sld [smem:$0x3FB0]  }
0x2d: {  	s3 =	simm.s32 $0x108;
	s8 =	sld [smem:$0x3FB1]  }
0x2e: {  	s3 =	simm.s32 @!p0 $0x1082;
	s9 =	sld [smem:$0x3FB2]  }
0x2f: {  	lr =	sadd.s32 s0, s3;
	s0 =	sld [smem:$0x3FA9]  }
0x30: {  	s3 =	sld [smem:$0x3FAC]  }
0x31: {  	[smem:$0x3FB5] =	sst s10  }
0x32: {  	s10 =	sld [smem:$0x3FB3];
	_ =	sdelay $0x3  }
0x33: {  	p0 =	seq.s32 s10, $0x1;
	s10 =	sld [smem:$0x3FB5];
	_ =	sdelay $0x3  }
0x34: {  	[smem:$0x3FB5] =	sst s10  }
0x35: {  	s10 =	sld [smem:$0x3FB4];
	_ =	sdelay $0x3  }
0x36: {  	p1 =	seq.s32 s10, $0x1;
	s10 =	sld [smem:$0x3FB5];
	_ =	sdelay $0x3  }
0x37: {  	[smem:$0x3FB5] =	sst s10  }
0x38: {  	s10 =	sld [smem:$0x3FB6]  }
0x39: {  	_ = 	snop;
	(pc) =	sbr.ind lr, $3  }
0x3a: {  	_ = 	snop  }
0x3b: {  	_ = 	snop  }
0x3c: {  	p2 =	seq.s32 s10, $0x1;
	s10 =	sld [smem:$0x3FB5]  }
0x3d: {  	_ =	shalt  }
0x3e: {  	_ =	shalt  }
0x3f: {  	_ =	shalt  }
0x40: {  	_ =	shalt  }
0x41: {  	_ =	shalt  }
0x42: {  	_ =	shalt  }
0x43: {  	_ =	shalt  }
0x44: {  	_ =	shalt  }
0x45: {  	_ =	shalt  }
0x46: {  	_ =	shalt  }
0x47: {  	_ =	shalt  }
0x48: {  	_ =	shalt  }
0x49: {  	_ =	shalt  }
0x4a: {  	_ =	shalt  }
0x4b: {  	_ =	shalt  }
0x4c: {  	_ =	shalt  }
0x4d: {  	_ =	shalt  }
0x4e: {  	_ =	shalt  }
0x4f: {  	_ =	shalt  }
0x50: {  	_ =	shalt  }
0x51: {  	_ =	shalt  }
0x52: {  	_ =	shalt  }
0x53: {  	_ =	shalt  }
0x54: {  	_ =	shalt  }
0x55: {  	_ =	shalt  }
0x56: {  	_ =	shalt  }
0x57: {  	_ =	shalt  }
0x58: {  	_ =	shalt  }
0x59: {  	_ =	shalt  }
0x5a: {  	_ =	shalt  }
0x5b: {  	_ =	shalt  }
0x5c: {  	_ =	shalt  }
0x5d: {  	_ =	shalt  }
0x5e: {  	_ =	shalt  }
0x5f: {  	_ =	shalt  }
0x60: {  	_ =	shalt  }
0x61: {  	_ =	shalt  }
0x62: {  	_ =	shalt  }
0x63: {  	_ =	shalt  }
0x64: {  	_ =	shalt  }
0x65: {  	_ =	shalt  }
0x66: {  	_ =	shalt  }
0x67: {  	_ =	shalt  }
0x68: {  	_ =	shalt  }
0x69: {  	_ =	shalt  }
0x6a: {  	_ =	shalt  }
0x6b: {  	_ =	shalt  }
0x6c: {  	_ =	shalt  }
0x6d: {  	_ =	shalt  }
0x6e: {  	_ =	shalt  }
0x6f: {  	_ =	shalt  }
0x70: {  	_ =	shalt  }
0x71: {  	_ =	shalt  }
0x72: {  	_ =	shalt  }
0x73: {  	_ =	shalt  }
0x74: {  	_ =	shalt  }
0x75: {  	_ =	shalt  }
0x76: {  	_ =	shalt  }
0x77: {  	_ =	shalt  }
0x78: {  	_ =	shalt  }
0x79: {  	_ =	shalt  }
0x7a: {  	_ =	shalt  }
0x7b: {  	_ =	shalt  }
0x7c: {  	_ =	shalt  }
0x7d: {  	_ =	shalt  }
0x7e: {  	_ =	shalt  }
0x7f: {  	_ =	shalt  }
0x80: {  	_ =	shalt  }
0x81: {  	_ =	shalt  }
0x82: {  	_ =	shalt  }
0x83: {  	_ =	shalt  }
0x84: {  	_ =	shalt  }
0x85: {  	_ =	shalt  }
0x86: {  	_ =	shalt  }
0x87: {  	_ =	shalt  }
.Lfunc_end0:
.L_simem_size_0:
called_computation.2_lowered:
.L_overlay_start_0:
0x88: {  	s2 =	sld [smem:$0x3FD9]  }
0x89: {  	s3 =	sld [smem:$0x3FFE];
	_ =	sdelay $0x1  }
0x8a: {  	s1 =	srdreg.scid  }
0x8b: {  	s0 =	sand.u32 $0x1, s1  }
0x8c: {  	s16 =	sshll.u32 s0, $0xA;
	s2 =	sadd.s32 s3, s2  }
0x8d: {  	s2 =	sadd.s32 s2, s16  }
0x8e: {  	[smem:$0x3FC1] =	sst s2  }
0x8f: {  	_ = 	snop  }
0x90: {  	(tm) =	ssettm $0x1  }
0x91: {  	s17 =	sld [smem:$0x3FFB];
	_ =	sdelay $0x3  }
0x92: {  	_ =	strace s17  }
0x93: {  	s2 =	sld [smem:$0x3FFC];
	_ =	sdelay $0x3  }
0x94: {  	_ =	strace s2  }
0x95: {  	s2 =	sld [smem:$0x3FFD];
	_ =	sdelay $0x3  }
0x96: {  	_ =	strace s2  }
0x97: {  	_ =	strace $0x8FFFFFFF  }
0x98: {  	s18 =	sld [smem:$0x3FDB];
	_ =	sdelay $0x1  }
0x99: {  	s19 =	simm.s32 $_scs_section_size  }
0x9a: {  	s4 =	simm.s32 $_size__tile_overlayer_lowered;
	s5 =	simm.s32 $_tile_overlayer_lowered  }
0x9b: {  	s22 =	simm.s32 $0x1BFF;
	s21 =	sshll.u32 s5, $0x1;
	s2 =	sadd.s32 s19, s18  }
0x9c: {  	s6 =	simm.s32 $0x0;
	s20 =	sshll.u32 s4, $0x1;
	s4 =	sadd.s32 s21, s2  }
0x9d: {  	[timem:s6], [sflag:s22] =	dma.local [hbm:s4], s20  }
0x9e: {  	_ =	swait.ge [sflag:s22], s20  }
0x9f: {  	s3 =	ssub.s32 $0x0, s20;
	[sflag:s22] =	ssyncset.done $0x0  }
0xa0: {  	[sflag:s22] =	ssyncadd.s32 s3;
	_ =	sdelay $0x1  }
0xa1: {  	s23 =	simm.s32 $0x1B8B  }
0xa2: {  	_ =	swait.ge [sflag:s23], $0x1  }
0xa3: {  	[sflag:s23] =	ssyncset.done $0x0  }
0xa4: {  	s25 =	simm.s32 $0x1B8E;
	s24 =	sld [smem:$0x3FFE];
	[sflag:s23] =	ssyncadd.s32 $0xFFFFFFFF  }
0xa5: {  	s26 =	simm.s32 $execute0_lowered;
	[smem:$0x3FD2] =	sst s25  }
0xa6: {  	s4 =	sshll.u32 s26, $0x1;
	_ =	strace $0x8000004C;
	[dreg:$0x1] =	wrdreg $0xFFFFFFFF  }
0xa7: {  	s28 =	simm.s32 $_size_execute0_lowered;
	s2 =	sadd.s32 s2, s4;
	[dreg:$0x0] =	wrdreg $0x0  }
0xa8: {  	s4 =	sshll.u32 s28, $0x1;
	[dreg:$0x2] =	wrdreg s2  }
0xa9: {  	[dreg:$0x3] =	wrdreg s4  }
0xaa: {  	[dreg:$0x4] =	wrdreg $0xC0  }
0xab: {  	_ =	task [dreg:s6], $0x5FFFF  }
0xac: {  	[dreg:$0x1] =	wrdreg $0xFFFFFFFF  }
0xad: {  	[dreg:$0x0] =	wrdreg $0x60  }
0xae: {  	[dreg:$0x2] =	wrdreg s24  }
0xaf: {  	[dreg:$0x3] =	wrdreg $0x9  }
0xb0: {  	_ =	task.clear_ibuf [dreg:s6], $0x4FFFF;
	_ =	strace $0x9000004C  }
0xb1: {  	s29 =	simm.s32 $0x9;
	_ =	strace $0x8000004E  }
0xb2: {  	_ =	swait.ge [sflag:s29], $0x1  }
0xb3: {  	[sflag:s29] =	ssyncadd.s32 $0xFFFFFFFF  }
0xb4: {  	_ =	strace $0x9000004E  }
0xb5: {  	_ =	sfence  }
0xb6: {  	s30 =	sld [smem:$0x0];
	_ =	sdelay $0x2  }
0xb7: {  	s31 =	sshll.u32 s1, $0xD;
	s1 =	sshrl.u32 s1, $0x2  }
0xb8: {  	s3 =	sand.u32 $0x4000, s31;
	s1 =	sadd.s32 s1, s30  }
0xb9: {  	s0 =	sor.u32 s3, s0;
	s1 =	sshll.u32 s1, $0x11  }
0xba: {  	s0 =	sor.u32 s1, s0  }
0xbb: {  	s0 =	sadd.s32 $0x8F2B, s0  }
0xbc: {  	[sflag:s0] =	ssyncadd.remote.s32 $0x1  }
0xbd: {  	_ =	sfence.sel $0xFFFF  }
0xbe: {  	[dreg:$0x0] =	wrdreg $0xFFFFFFFF;
	(pc) =	sbr.abs _section_cstart, $3  }
0xbf: {  	[dreg:$0x1] =	wrdreg $0xFFFFFFFF  }
0xc0: {  	_ =	task.clear_ibuf [dreg:s6], $0x2FFFF;
	_ =	strace $0x9FFFFFFF  }
0xc1: {  	(tm) =	ssettm $0x7FFFFFFF  }
tec
execute0_lowered:
.L_overlay_start_1:
0x0: {  	(tag) =	ssettag $0x1  }
0x1: {  	s3 =	stileid.u32  }
0x2: {  	s0 =	srdreg.scid;
	s5 =	rddreg [dreg:$0x0]  }
0x3: {  	s2 =	simm.s32 $0x0;
	s13 =	simm.s32 $0xEB00;
	s14 =	simm.s32 $0x10A80  }
0x4: {  	s15 =	simm.s32 $0x5;
	s16 =	simm.s32 $0x12A00;
	s17 =	simm.s32 $0x14980  }
0x5: {  	s18 =	simm.s32 $0x1;
	s19 =	simm.s32 $0x2;
	s20 =	simm.s32 $0x4E80  }
0x6: {  	s21 =	simm.s32 $0x9CA0;
	s22 =	simm.s32 $0x2710;
	s23 =	simm.s32 $0x7590  }
0x7: {  	s24 =	simm.s32 $0xC3B0;
	s25 =	simm.s32 $0x3;
	s26 =	simm.s32 $0x4  }
0x8: {  	s28 =	simm.s32 $0x0;
	s1 =	sshll.u32 s3, $0x1;
	s0 =	sand.u32 $0x1, s0  }
0x9: {  	s6 =	sshrl.u32 s3, $0x3;
	[smem:$0x7FF] =	sst s2;
	s1 =	sand.u32 $0xE, s1  }
0xa: {  	s3 =	sadd.s32 $0x16C00, s5;
	s9 =	smul.u32 $0x27100, s6;
	s1 =	sor.u32 s0, s1  }
0xb: {  	s4 =	sadd.s32 $0xCE00, s5;
	s0 =	ssub.s32 $0x2, s0;
	s1 =	smul.u32 $0x4E20, s1  }
0xc: {  	s7 =	smul.u32 $0x9C400, s6;
	_ =	strace $0x8000004D;
	s31 =	sshrl.u32 s0, $0x1  }
0xd: {  	s6 =	sshrl.u32 s9, $0x3;
	s0 =	ssub.s32 s0, s31;
	s8 =	sshrl.u32 s1, $0x3  }
0xe: {  	s1 =	sadd.s32 s7, s1;
	s12 =	smax.u32 s0, $0x1;
	s30 =	sadd.s32 s8, s5  }
0xf: {  	s1 =	sshrl.u32 s1, $0x3;
	s8 =	sadd.s32 $0x1F40, s9;
	s9 =	sadd.s32 $0x3E80, s9  }
0x10: {  	s1 =	sadd.s32 s1, s5;
	s5 =	sadd.s32 s3, s6;
	s6 =	sadd.s32 s4, s6  }
0x11: {  	v0 =	vimm.f32 $0.0e+00;
	s7 =	sadd.s32 $0x20A00, s30;
	s10 =	sadd.s32 $0x2A800, s1;
	s11 =	sadd.s32 $0x34440, s1  }
.LBB2_1:
0x12: {  	[tilespmem:s13], [sflag:$0x1] =	stream.linear.gather [hbm4b:s5+s2], $0x1F40, $0x38;
	[tilespmem:$0x16900] =	vst v63  }
0x13: {  	_ = 	snop  }
0x14: {  	[tilespmem:s14], [sflag:$0x2] =	stream.linear.gather [hbm4b:s6+s2], $0x1F40, $0x38;
	[tilespmem:$0x16900] =	vst v63  }
0x15: {  	_ = 	snop  }
0x16: {  	[tilespmem:s2], [sflag:$0x5] =	stream.linear.gather [hbm4b:s7+s2], $0x4E20, $0x38;
	[tilespmem:$0x16900] =	vst v63  }
0x17: {  	_ =	swait.ge [sflag:s15], $0x4E20  }
0x18: {  	[sflag:s15] =	ssyncset.done $0x0  }
0x19: {  	s1 =	simm.s32 $0x4EC0;
	[sflag:s15] =	ssyncadd.s32 $0xFFFFB1E0  }
0x1a: {  	[tilespmem:s1+$0xFFFFFFC0] =	vst v0  }
0x1b: {  	[tilespmem:s1+$0x30] =	vst v0  }
0x1c: {  	[tilespmem:s1+$0x20] =	vst v0  }
0x1d: {  	[tilespmem:s1+$0x10] =	vst v0  }
0x1e: {  	[tilespmem:s1+$0x0] =	vst v0  }
0x1f: {  	[tilespmem:s1+$0xFFFFFFF0] =	vst v0  }
0x20: {  	s29 =	simm.s32 $0x0;
	s0 =	simm.s32 $0xEA80;
	[tilespmem:s1+$0xFFFFFFE0] =	vst v0  }
.LBB2_2:
0x21: {  	s29 =	sadd.s32 $0x80, s29;
	[tilespmem:s1+$0xFFFFFFD0] =	vst v0;
	s1 =	sadd.s32 $0x80, s1;
	s30 =	simm.s32 $0x9BF0  }
0x22: {  	[tilespmem:s1+$0xFFFFFFC0] =	vst v0;
	p0 =	slt.u32 s29, $0x9B80  }
0x23: {  	[tilespmem:s1+$0x30] =	vst v0  }
.Ltmp0:
0x24: {  	[tilespmem:s1+$0x20] =	vst v0;
	(pc) =	sbr.rel @p0 .LBB2_2-.Ltmp0, $4  }
0x25: {  	[tilespmem:s1+$0x10] =	vst v0  }
0x26: {  	[tilespmem:s1+$0x0] =	vst v0  }
0x27: {  	[tilespmem:s1+$0xFFFFFFF0] =	vst v0  }
0x28: {  	[tilespmem:s1+$0xFFFFFFE0] =	vst v0  }
0x29: {  	[tilespmem:s1+$0xFFFFFFD0] =	vst v0  }
.LBB2_4:
0x2a: {  	s30 =	sadd.s32 $0x10, s30  }
0x2b: {  	p0 =	slt.u32 s30, $0x9C30  }
.Ltmp1:
0x2c: {  	_ = 	snop;
	(pc) =	sbr.rel @p0 .LBB2_4-.Ltmp1, $2  }
0x2d: {  	_ =	sdelay $0x2  }
0x2e: {  	[tilespmem:s0+$0x0] =	vst v0;
	s0 =	sadd.s32 $0x10, s0;
	s29 =	simm.s32 $0x0  }
.LBB2_5:
0x2f: {  	s30 =	smul.u32 $0x3E80, s29;
	_ =	sdelay $0x1  }
0x30: {  	s0 =	sadd.s32 s30, s8  }
0x31: {  	s0 =	sshrl.u32 s0, $0x3  }
0x32: {  	s1 =	sadd.s32 s3, s0  }
0x33: {  	[tilespmem:s16], [sflag:$0x3] =	stream.linear.gather [hbm4b:s1+s2], $0x1F40, $0x38;
	[tilespmem:$0x16900] =	vst v63  }
0x34: {  	s0 =	sadd.s32 s4, s0  }
0x35: {  	[tilespmem:s17], [sflag:$0x4] =	stream.linear.gather [hbm4b:s0+s2], $0x1F40, $0x38;
	[tilespmem:$0x16900] =	vst v63  }
0x36: {  	_ =	swait.ge [sflag:s18], $0x1F40  }
0x37: {  	[sflag:s18] =	ssyncset.done $0x0  }
0x38: {  	[sflag:s18] =	ssyncadd.s32 $0xFFFFE0C0  }
0x39: {  	_ =	swait.ge [sflag:s19], $0x1F40  }
0x3a: {  	[sflag:s19] =	ssyncset.done $0x0  }
0x3b: {  	s1 =	simm.s32 $0xEB20;
	[sflag:s19] =	ssyncadd.s32 $0xFFFFE0C0  }
0x3c: {  	v1 =	vld [tilespmem:s1+$0x10]  }
0x3d: {  	v3 =	vld [tilespmem:s1+$0xFFFFFFE0];
	_ =	sdelay $0x3  }
0x3e: {  	v2 =	vld [tilespmem:s1+$0xFFFFFFF0];
	v5 =	vshra.s32 v1, $0x10  }
0x3f: {  	v7 =	vshra.s32 v3, $0x10  }
0x40: {  	s31 =	simm.s32 $0x10AE0;
	v4 =	vld [tilespmem:s1+$0x0]  }
0x41: {  	s1 =	simm.s32 $0x10AA0;
	v60 =	vld [tilespmem:s31+$0x10]  }
0x42: {  	v10 =	vld [tilespmem:s1+$0x10]  }
0x43: {  	v6 =	vshra.s32 v2, $0x10;
	v9 =	vld.idx.msk [tilespmem:v5+s2+$0x0], $0xffff  }
0x44: {  	v12 =	vld.idx.msk [tilespmem:v7+s2+$0x0], $0xffff  }
0x45: {  	v14 =	vld [tilespmem:s1+$0xFFFFFFE0];
	v8 =	vshra.s32 v4, $0x10  }
0x46: {  	v16 =	vld [tilespmem:s1+$0xFFFFFFF0];
	v13 =	vand.u32 $0xFFFF, v1  }
0x47: {  	v17 =	vld [tilespmem:s1+$0x0];
	v3 =	vand.u32 $0xFFFF, v3  }
0x48: {  	s1 =	simm.s32 $0xEB60;
	v11 =	vld.idx.msk [tilespmem:v6+s2+$0x0], $0xffff;
	v1 =	vshll.u32 v9, $0x10  }
0x49: {  	v55 =	vld [tilespmem:s1+$0x0];
	v18 =	vshll.u32 v12, $0x10;
	v1 =	vmul.f32 v1, v10  }
0x4a: {  	v15 =	vld.idx.msk [tilespmem:v8+s2+$0x0], $0xffff;
	v9 =	vand.u32 $0xFFFF0000, v9;
	v18 =	vmul.f32 v18, v14  }
0x4b: {  	v2 =	vand.u32 $0xFFFF, v2;
	v9 =	vmul.f32 v9, v10;
	[tilespmem:v13+s20+$0x0] =	vst.idx.add.f32.msk $0xffff, v1  }
0x4c: {  	v12 =	vand.u32 $0xFFFF0000, v12;
	[tilespmem:v3+s20+$0x0] =	vst.idx.add.f32.msk $0xffff, v18  }
0x4d: {  	v1 =	vand.u32 $0xFFFF, v4;
	v4 =	vshll.u32 v11, $0x10;
	[tilespmem:v13+s21+$0x0] =	vst.idx.add.f32.msk $0xffff, v9;
	v9 =	vmul.f32 v12, v14  }
0x4e: {  	v11 =	vand.u32 $0xFFFF0000, v11;
	v4 =	vmul.f32 v4, v16;
	v5 =	vld.idx.msk [tilespmem:v5+s22+$0x0], $0xffff  }
0x4f: {  	v54 =	vshll.u32 v15, $0x10;
	v11 =	vmul.f32 v11, v16;
	[tilespmem:v3+s21+$0x0] =	vst.idx.add.f32.msk $0xffff, v9  }
0x50: {  	v12 =	vmul.f32 v54, v17;
	v9 =	vand.u32 $0xFFFF0000, v15;
	[tilespmem:v2+s20+$0x0] =	vst.idx.add.f32.msk $0xffff, v4  }
0x51: {  	v4 =	vmul.f32 v9, v17;
	[tilespmem:v2+s21+$0x0] =	vst.idx.add.f32.msk $0xffff, v11  }
0x52: {  	[tilespmem:v1+s20+$0x0] =	vst.idx.add.f32.msk $0xffff, v12  }
0x53: {  	[tilespmem:v1+s21+$0x0] =	vst.idx.add.f32.msk $0xffff, v4;
	v4 =	vshll.u32 v5, $0x10  }
0x54: {  	v6 =	vld.idx.msk [tilespmem:v6+s22+$0x0], $0xffff;
	v4 =	vmul.f32 v4, v10  }
0x55: {  	v11 =	vld [tilespmem:s1+$0xFFFFFFE0]  }
0x56: {  	v5 =	vand.u32 $0xFFFF0000, v5;
	[tilespmem:v13+s23+$0x0] =	vst.idx.add.f32.msk $0xffff, v4  }
0x57: {  	v4 =	vmul.f32 v5, v10;
	v5 =	vld [tilespmem:s1+$0x10]  }
0x58: {  	v7 =	vld.idx.msk [tilespmem:v7+s22+$0x0], $0xffff  }
0x59: {  	v8 =	vld.idx.msk [tilespmem:v8+s22+$0x0], $0xffff;
	v9 =	vshll.u32 v6, $0x10  }
0x5a: {  	v58 =	vshra.s32 v11, $0x10;
	v10 =	vld [tilespmem:s1+$0xFFFFFFF0];
	v9 =	vmul.f32 v9, v16  }
0x5b: {  	v6 =	vand.u32 $0xFFFF0000, v6;
	[tilespmem:v13+s24+$0x0] =	vst.idx.add.f32.msk $0xffff, v4  }
0x5c: {  	v6 =	vmul.f32 v6, v16;
	[tilespmem:v2+s23+$0x0] =	vst.idx.add.f32.msk $0xffff, v9;
	v56 =	vshra.s32 v5, $0x10  }
0x5d: {  	v4 =	vshll.u32 v7, $0x10;
	v9 =	vld [tilespmem:s31+$0xFFFFFFE0]  }
0x5e: {  	v4 =	vmul.f32 v4, v14;
	[tilespmem:v2+s24+$0x0] =	vst.idx.add.f32.msk $0xffff, v6  }
0x5f: {  	v7 =	vand.u32 $0xFFFF0000, v7;
	v19 =	vld.idx.msk [tilespmem:v58+s2+$0x0], $0xffff;
	v57 =	vshra.s32 v10, $0x10  }
0x60: {  	v7 =	vmul.f32 v7, v14;
	[tilespmem:v3+s23+$0x0] =	vst.idx.add.f32.msk $0xffff, v4  }
0x61: {  	v2 =	vld.idx.msk [tilespmem:v56+s2+$0x0], $0xffff  }
0x62: {  	v4 =	vshra.s32 v55, $0x10;
	[tilespmem:v3+s24+$0x0] =	vst.idx.add.f32.msk $0xffff, v7;
	v3 =	vshll.u32 v8, $0x10  }
0x63: {  	v21 =	vand.u32 $0xFFFF, v5;
	v5 =	vand.u32 $0xFFFF, v11;
	v7 =	vld [tilespmem:s31+$0xFFFFFFF0];
	v3 =	vmul.f32 v3, v17  }
0x64: {  	v59 =	vld.idx.msk [tilespmem:v57+s2+$0x0], $0xffff  }
0x65: {  	[tilespmem:v1+s23+$0x0] =	vst.idx.add.f32.msk $0xffff, v3;
	v3 =	vand.u32 $0xFFFF, v10;
	v10 =	vshll.u32 v19, $0x10  }
0x66: {  	v6 =	vld [tilespmem:s31+$0x0];
	v10 =	vmul.f32 v10, v9;
	v22 =	vshll.u32 v2, $0x10  }
0x67: {  	v20 =	vld.idx.msk [tilespmem:v4+s2+$0x0], $0xffff;
	v2 =	vand.u32 $0xFFFF0000, v2;
	v11 =	vmul.f32 v22, v60  }
0x68: {  	[tilespmem:v5+s20+$0x0] =	vst.idx.add.f32.msk $0xffff, v10;
	v2 =	vmul.f32 v2, v60  }
0x69: {  	v61 =	vshll.u32 v59, $0x10;
	[tilespmem:v21+s20+$0x0] =	vst.idx.add.f32.msk $0xffff, v11  }
0x6a: {  	v12 =	vmul.f32 v61, v7;
	v11 =	vand.u32 $0xFFFF0000, v19;
	[tilespmem:v21+s21+$0x0] =	vst.idx.add.f32.msk $0xffff, v2;
	v2 =	vand.u32 $0xFFFF, v55  }
0x6b: {  	v16 =	vand.u32 $0xFFFF0000, v59;
	v11 =	vmul.f32 v11, v9;
	v13 =	vld.idx.msk [tilespmem:v56+s22+$0x0], $0xffff  }
0x6c: {  	v10 =	vshll.u32 v20, $0x10;
	v16 =	vmul.f32 v16, v7;
	[tilespmem:v3+s20+$0x0] =	vst.idx.add.f32.msk $0xffff, v12  }
0x6d: {  	v10 =	vmul.f32 v10, v6;
	[tilespmem:v5+s21+$0x0] =	vst.idx.add.f32.msk $0xffff, v11;
	v11 =	vand.u32 $0xFFFF0000, v20  }
0x6e: {  	[tilespmem:v3+s21+$0x0] =	vst.idx.add.f32.msk $0xffff, v16;
	v11 =	vmul.f32 v11, v6  }
0x6f: {  	[tilespmem:v2+s20+$0x0] =	vst.idx.add.f32.msk $0xffff, v10  }
0x70: {  	[tilespmem:v2+s21+$0x0] =	vst.idx.add.f32.msk $0xffff, v11;
	v10 =	vshll.u32 v13, $0x10  }
0x71: {  	v11 =	vld.idx.msk [tilespmem:v58+s22+$0x0], $0xffff;
	v62 =	vand.u32 $0xFFFF0000, v13;
	v63 =	vmul.f32 v10, v60  }
0x72: {  	v10 =	vld.idx.msk [tilespmem:v57+s22+$0x0], $0xffff;
	v12 =	vmul.f32 v62, v60  }
0x73: {  	v8 =	vand.u32 $0xFFFF0000, v8;
	[tilespmem:v21+s23+$0x0] =	vst.idx.add.f32.msk $0xffff, v63  }
0x74: {  	s0 =	simm.s32 $0xEBA0;
	s1 =	simm.s32 $0x40;
	v8 =	vmul.f32 v8, v17;
	[tilespmem:v21+s24+$0x0] =	vst.idx.add.f32.msk $0xffff, v12  }
.LBB2_6:
0x75: {  	v12 =	vld [tilespmem:s0+$0x10]  }
0x76: {  	v13 =	vld [tilespmem:s0+$0xFFFFFFF0]  }
0x77: {  	s1 =	sadd.s32 $0x40, s1;
	v15 =	vshll.u32 v11, $0x10;
	v11 =	vand.u32 $0xFFFF0000, v11;
	v14 =	vld [tilespmem:s0+$0x0]  }
0x78: {  	p0 =	slt.u32 s1, $0x1F00;
	v15 =	vmul.f32 v15, v9;
	v17 =	vshll.u32 v10, $0x10;
	v10 =	vand.u32 $0xFFFF0000, v10;
	v16 =	vld [tilespmem:s0+$0xFFFFFFE0]  }
0x79: {  	v9 =	vmul.f32 v11, v9;
	v11 =	vmul.f32 v17, v7;
	v17 =	vld.idx.msk [tilespmem:v4+s22+$0x0], $0xffff  }
0x7a: {  	v7 =	vmul.f32 v10, v7;
	v18 =	vshra.s32 v12, $0x10;
	[tilespmem:v5+s23+$0x0] =	vst.idx.add.f32.msk $0xffff, v15  }
0x7b: {  	v10 =	vshra.s32 v13, $0x10;
	v13 =	vand.u32 $0xFFFF, v13;
	[tilespmem:v5+s24+$0x0] =	vst.idx.add.f32.msk $0xffff, v9  }
0x7c: {  	v4 =	vshra.s32 v14, $0x10;
	v9 =	vand.u32 $0xFFFF, v14;
	[tilespmem:v3+s23+$0x0] =	vst.idx.add.f32.msk $0xffff, v11  }
0x7d: {  	v11 =	vshra.s32 v16, $0x10;
	v5 =	vand.u32 $0xFFFF, v16;
	[tilespmem:v3+s24+$0x0] =	vst.idx.add.f32.msk $0xffff, v7;
	v3 =	vmov v13  }
0x7e: {  	[tilespmem:v1+s24+$0x0] =	vst.idx.add.f32.msk $0xffff, v8;
	v1 =	vmov v2;
	v2 =	vmov v9  }
0x7f: {  	v7 =	vshll.u32 v17, $0x10;
	v8 =	vand.u32 $0xFFFF0000, v17;
	v13 =	vld.idx.msk [tilespmem:v18+s2+$0x0], $0xffff  }
0x80: {  	s31 =	sadd.s32 $0x40, s31;
	v15 =	vmul.f32 v7, v6;
	v8 =	vmul.f32 v8, v6;
	v14 =	vld.idx.msk [tilespmem:v10+s2+$0x0], $0xffff  }
0x81: {  	v16 =	vld [tilespmem:s31+$0x10]  }
0x82: {  	v17 =	vld.idx.msk [tilespmem:v11+s2+$0x0], $0xffff  }
0x83: {  	v12 =	vand.u32 $0xFFFF, v12;
	v19 =	vld.idx.msk [tilespmem:v4+s2+$0x0], $0xffff  }
0x84: {  	v9 =	vld [tilespmem:s31+$0xFFFFFFE0]  }
0x85: {  	v20 =	vshll.u32 v13, $0x10;
	v7 =	vld [tilespmem:s31+$0xFFFFFFF0]  }
0x86: {  	v13 =	vand.u32 $0xFFFF0000, v13;
	v21 =	vshll.u32 v14, $0x10;
	v6 =	vld [tilespmem:s31+$0x0];
	v20 =	vmul.f32 v20, v16  }
0x87: {  	v14 =	vand.u32 $0xFFFF0000, v14;
	v13 =	vmul.f32 v13, v16;
	[tilespmem:v1+s23+$0x0] =	vst.idx.add.f32.msk $0xffff, v15  }
0x88: {  	v15 =	vshll.u32 v17, $0x10;
	v17 =	vand.u32 $0xFFFF0000, v17;
	[tilespmem:v12+s20+$0x0] =	vst.idx.add.f32.msk $0xffff, v20  }
0x89: {  	v20 =	vshll.u32 v19, $0x10;
	v19 =	vand.u32 $0xFFFF0000, v19;
	v15 =	vmul.f32 v15, v9;
	[tilespmem:v12+s21+$0x0] =	vst.idx.add.f32.msk $0xffff, v13  }
0x8a: {  	v13 =	vmul.f32 v17, v9;
	v17 =	vmul.f32 v21, v7;
	v18 =	vld.idx.msk [tilespmem:v18+s22+$0x0], $0xffff  }
0x8b: {  	v14 =	vmul.f32 v14, v7;
	[tilespmem:v5+s20+$0x0] =	vst.idx.add.f32.msk $0xffff, v15;
	v15 =	vmul.f32 v20, v6  }
0x8c: {  	[tilespmem:v5+s21+$0x0] =	vst.idx.add.f32.msk $0xffff, v13;
	v13 =	vmul.f32 v19, v6  }
0x8d: {  	[tilespmem:v3+s20+$0x0] =	vst.idx.add.f32.msk $0xffff, v17  }
0x8e: {  	[tilespmem:v3+s21+$0x0] =	vst.idx.add.f32.msk $0xffff, v14  }
0x8f: {  	[tilespmem:v2+s20+$0x0] =	vst.idx.add.f32.msk $0xffff, v15  }
.Ltmp2:
0x90: {  	[tilespmem:v2+s21+$0x0] =	vst.idx.add.f32.msk $0xffff, v13;
	v13 =	vshll.u32 v18, $0x10;
	(pc) =	sbr.rel @p0 .LBB2_6-.Ltmp2, $4  }
0x91: {  	v14 =	vand.u32 $0xFFFF0000, v18;
	v11 =	vld.idx.msk [tilespmem:v11+s22+$0x0], $0xffff;
	v13 =	vmul.f32 v13, v16  }
0x92: {  	v14 =	vmul.f32 v14, v16;
	v10 =	vld.idx.msk [tilespmem:v10+s22+$0x0], $0xffff  }
0x93: {  	[tilespmem:v12+s23+$0x0] =	vst.idx.add.f32.msk $0xffff, v13  }
0x94: {  	s0 =	sadd.s32 $0x40, s0;
	[tilespmem:v12+s24+$0x0] =	vst.idx.add.f32.msk $0xffff, v14  }
0x95: {  	_ =	sdelay $0x3  }
0x96: {  	v4 =	vld.idx.msk [tilespmem:v4+s22+$0x0], $0xffff;
	v12 =	vshll.u32 v11, $0x10  }
0x97: {  	v11 =	vand.u32 $0xFFFF0000, v11;
	v12 =	vmul.f32 v12, v9  }
0x98: {  	v13 =	vshll.u32 v10, $0x10;
	v9 =	vmul.f32 v11, v9  }
0x99: {  	v10 =	vand.u32 $0xFFFF0000, v10;
	v11 =	vmul.f32 v13, v7;
	[tilespmem:v5+s23+$0x0] =	vst.idx.add.f32.msk $0xffff, v12  }
0x9a: {  	v7 =	vmul.f32 v10, v7;
	[tilespmem:v5+s24+$0x0] =	vst.idx.add.f32.msk $0xffff, v9  }
0x9b: {  	s0 =	sadd.s32 s30, s9;
	[tilespmem:v3+s23+$0x0] =	vst.idx.add.f32.msk $0xffff, v11;
	v5 =	vshll.u32 v4, $0x10  }
0x9c: {  	p0 =	slt.s32 s0, $0x4C2C0;
	[tilespmem:v3+s24+$0x0] =	vst.idx.add.f32.msk $0xffff, v7;
	v3 =	vand.u32 $0xFFFF0000, v4;
	v4 =	vmul.f32 v5, v6  }
0x9d: {  	[tilespmem:v1+s24+$0x0] =	vst.idx.add.f32.msk $0xffff, v8;
	s0 =	simm.s32 @!p0 $0x4C2C0;
	v1 =	vmul.f32 v3, v6  }
0x9e: {  	s0 =	sshrl.u32 s0, $0x3;
	[tilespmem:v2+s23+$0x0] =	vst.idx.add.f32.msk $0xffff, v4  }
0x9f: {  	s1 =	sadd.s32 s3, s0;
	[tilespmem:v2+s24+$0x0] =	vst.idx.add.f32.msk $0xffff, v1  }
0xa0: {  	[tilespmem:s13], [sflag:$0x1] =	stream.linear.gather [hbm4b:s1+s2], $0x1F40, $0x38;
	[tilespmem:$0x16900] =	vst v63  }
0xa1: {  	s0 =	sadd.s32 s4, s0  }
0xa2: {  	[tilespmem:s14], [sflag:$0x2] =	stream.linear.gather [hbm4b:s0+s2], $0x1F40, $0x38;
	[tilespmem:$0x16900] =	vst v63  }
0xa3: {  	_ =	swait.ge [sflag:s25], $0x1F40  }
0xa4: {  	[sflag:s25] =	ssyncset.done $0x0  }
0xa5: {  	[sflag:s25] =	ssyncadd.s32 $0xFFFFE0C0  }
0xa6: {  	_ =	swait.ge [sflag:s26], $0x1F40  }
0xa7: {  	[sflag:s26] =	ssyncset.done $0x0  }
0xa8: {  	s31 =	simm.s32 $0x12A20;
	[sflag:s26] =	ssyncadd.s32 $0xFFFFE0C0  }
0xa9: {  	v1 =	vld [tilespmem:s31+$0x10]  }
0xaa: {  	v3 =	vld [tilespmem:s31+$0xFFFFFFE0];
	_ =	sdelay $0x3  }
0xab: {  	v2 =	vld [tilespmem:s31+$0xFFFFFFF0];
	v5 =	vshra.s32 v1, $0x10  }
0xac: {  	v7 =	vshra.s32 v3, $0x10  }
0xad: {  	v4 =	vld [tilespmem:s31+$0x0]  }
0xae: {  	s1 =	simm.s32 $0x149A0  }
0xaf: {  	v10 =	vld [tilespmem:s1+$0x10]  }
0xb0: {  	v6 =	vshra.s32 v2, $0x10;
	v9 =	vld.idx.msk [tilespmem:v5+s2+$0x0], $0xffff  }
0xb1: {  	v53 =	vld.idx.msk [tilespmem:v7+s2+$0x0], $0xffff  }
0xb2: {  	v14 =	vld [tilespmem:s1+$0xFFFFFFE0];
	v8 =	vshra.s32 v4, $0x10  }
0xb3: {  	v16 =	vld [tilespmem:s1+$0xFFFFFFF0];
	v54 =	vand.u32 $0xFFFF, v1  }
0xb4: {  	v17 =	vld [tilespmem:s1+$0x0];
	v3 =	vand.u32 $0xFFFF, v3  }
0xb5: {  	s30 =	simm.s32 $0x149E0;
	v11 =	vld.idx.msk [tilespmem:v6+s2+$0x0], $0xffff;
	v1 =	vshll.u32 v9, $0x10  }
0xb6: {  	v62 =	vld [tilespmem:s30+$0x10];
	v18 =	vshll.u32 v53, $0x10;
	v1 =	vmul.f32 v1, v10  }
0xb7: {  	v15 =	vld.idx.msk [tilespmem:v8+s2+$0x0], $0xffff;
	v9 =	vand.u32 $0xFFFF0000, v9;
	v18 =	vmul.f32 v18, v14  }
0xb8: {  	v2 =	vand.u32 $0xFFFF, v2;
	v9 =	vmul.f32 v9, v10;
	[tilespmem:v54+s20+$0x0] =	vst.idx.add.f32.msk $0xffff, v1  }
0xb9: {  	v12 =	vand.u32 $0xFFFF0000, v53;
	[tilespmem:v3+s20+$0x0] =	vst.idx.add.f32.msk $0xffff, v18  }
0xba: {  	v1 =	vand.u32 $0xFFFF, v4;
	v4 =	vshll.u32 v11, $0x10;
	[tilespmem:v54+s21+$0x0] =	vst.idx.add.f32.msk $0xffff, v9;
	v9 =	vmul.f32 v12, v14  }
0xbb: {  	v11 =	vand.u32 $0xFFFF0000, v11;
	v4 =	vmul.f32 v4, v16;
	v5 =	vld.idx.msk [tilespmem:v5+s22+$0x0], $0xffff  }
0xbc: {  	v55 =	vshll.u32 v15, $0x10;
	v11 =	vmul.f32 v11, v16;
	[tilespmem:v3+s21+$0x0] =	vst.idx.add.f32.msk $0xffff, v9  }
0xbd: {  	v12 =	vmul.f32 v55, v17;
	v9 =	vand.u32 $0xFFFF0000, v15;
	[tilespmem:v2+s20+$0x0] =	vst.idx.add.f32.msk $0xffff, v4  }
0xbe: {  	v4 =	vmul.f32 v9, v17;
	[tilespmem:v2+s21+$0x0] =	vst.idx.add.f32.msk $0xffff, v11  }
0xbf: {  	[tilespmem:v1+s20+$0x0] =	vst.idx.add.f32.msk $0xffff, v12  }
0xc0: {  	s31 =	simm.s32 $0x12A60;
	[tilespmem:v1+s21+$0x0] =	vst.idx.add.f32.msk $0xffff, v4;
	v4 =	vshll.u32 v5, $0x10  }
0xc1: {  	v9 =	vld [tilespmem:s31+$0xFFFFFFF0];
	v4 =	vmul.f32 v4, v10  }
0xc2: {  	v6 =	vld.idx.msk [tilespmem:v6+s22+$0x0], $0xffff  }
0xc3: {  	v5 =	vand.u32 $0xFFFF0000, v5;
	[tilespmem:v54+s23+$0x0] =	vst.idx.add.f32.msk $0xffff, v4  }
0xc4: {  	v4 =	vmul.f32 v5, v10;
	v5 =	vld [tilespmem:s31+$0x10]  }
0xc5: {  	v10 =	vld [tilespmem:s31+$0xFFFFFFE0]  }
0xc6: {  	v7 =	vld.idx.msk [tilespmem:v7+s22+$0x0], $0xffff  }
0xc7: {  	v11 =	vld [tilespmem:s31+$0x0];
	v56 =	vshll.u32 v6, $0x10  }
0xc8: {  	v57 =	vld.idx.msk [tilespmem:v8+s22+$0x0], $0xffff;
	v59 =	vshra.s32 v9, $0x10;
	v8 =	vmul.f32 v56, v16  }
0xc9: {  	v6 =	vand.u32 $0xFFFF0000, v6;
	[tilespmem:v54+s24+$0x0] =	vst.idx.add.f32.msk $0xffff, v4;
	v58 =	vshra.s32 v5, $0x10  }
0xca: {  	v6 =	vmul.f32 v6, v16;
	[tilespmem:v2+s23+$0x0] =	vst.idx.add.f32.msk $0xffff, v8;
	v60 =	vshra.s32 v10, $0x10  }
0xcb: {  	v8 =	vld [tilespmem:s30+$0xFFFFFFE0]  }
0xcc: {  	[tilespmem:v2+s24+$0x0] =	vst.idx.add.f32.msk $0xffff, v6  }
0xcd: {  	v4 =	vshll.u32 v7, $0x10;
	v61 =	vld.idx.msk [tilespmem:v59+s2+$0x0], $0xffff  }
0xce: {  	v7 =	vand.u32 $0xFFFF0000, v7;
	v4 =	vmul.f32 v4, v14;
	v2 =	vld.idx.msk [tilespmem:v58+s2+$0x0], $0xffff  }
0xcf: {  	v7 =	vmul.f32 v7, v14;
	v19 =	vld.idx.msk [tilespmem:v60+s2+$0x0], $0xffff  }
0xd0: {  	[tilespmem:v3+s23+$0x0] =	vst.idx.add.f32.msk $0xffff, v4;
	v4 =	vshra.s32 v11, $0x10  }
0xd1: {  	v21 =	vand.u32 $0xFFFF, v5;
	[tilespmem:v3+s24+$0x0] =	vst.idx.add.f32.msk $0xffff, v7;
	v3 =	vshll.u32 v57, $0x10  }
0xd2: {  	v6 =	vld [tilespmem:s30+$0x0];
	v5 =	vand.u32 $0xFFFF, v10;
	v3 =	vmul.f32 v3, v17  }
0xd3: {  	v7 =	vld [tilespmem:s30+$0xFFFFFFF0];
	v22 =	vshll.u32 v2, $0x10  }
0xd4: {  	[tilespmem:v1+s23+$0x0] =	vst.idx.add.f32.msk $0xffff, v3;
	v3 =	vand.u32 $0xFFFF, v9;
	v9 =	vshll.u32 v19, $0x10;
	v10 =	vmul.f32 v22, v62  }
0xd5: {  	v20 =	vld.idx.msk [tilespmem:v4+s2+$0x0], $0xffff;
	v2 =	vand.u32 $0xFFFF0000, v2;
	v9 =	vmul.f32 v9, v8  }
0xd6: {  	v2 =	vmul.f32 v2, v62;
	[tilespmem:v21+s20+$0x0] =	vst.idx.add.f32.msk $0xffff, v10  }
0xd7: {  	v10 =	vand.u32 $0xFFFF0000, v19;
	[tilespmem:v5+s20+$0x0] =	vst.idx.add.f32.msk $0xffff, v9  }
0xd8: {  	[tilespmem:v21+s21+$0x0] =	vst.idx.add.f32.msk $0xffff, v2;
	v2 =	vand.u32 $0xFFFF, v11;
	v11 =	vshll.u32 v61, $0x10;
	v10 =	vmul.f32 v10, v8  }
0xd9: {  	v14 =	vld.idx.msk [tilespmem:v58+s22+$0x0], $0xffff;
	v11 =	vmul.f32 v11, v7  }
0xda: {  	v16 =	vand.u32 $0xFFFF0000, v61;
	[tilespmem:v5+s21+$0x0] =	vst.idx.add.f32.msk $0xffff, v10  }
0xdb: {  	v16 =	vmul.f32 v16, v7;
	v9 =	vshll.u32 v20, $0x10;
	[tilespmem:v3+s20+$0x0] =	vst.idx.add.f32.msk $0xffff, v11  }
0xdc: {  	v9 =	vmul.f32 v9, v6;
	v10 =	vand.u32 $0xFFFF0000, v20;
	v11 =	vld.idx.msk [tilespmem:v60+s22+$0x0], $0xffff  }
0xdd: {  	v10 =	vmul.f32 v10, v6;
	[tilespmem:v3+s21+$0x0] =	vst.idx.add.f32.msk $0xffff, v16  }
0xde: {  	[tilespmem:v2+s20+$0x0] =	vst.idx.add.f32.msk $0xffff, v9;
	v9 =	vshll.u32 v14, $0x10  }
0xdf: {  	[tilespmem:v2+s21+$0x0] =	vst.idx.add.f32.msk $0xffff, v10;
	v14 =	vand.u32 $0xFFFF0000, v14;
	v9 =	vmul.f32 v9, v62  }
0xe0: {  	v10 =	vld.idx.msk [tilespmem:v59+s22+$0x0], $0xffff;
	v63 =	vmul.f32 v14, v62  }
0xe1: {  	v13 =	vand.u32 $0xFFFF0000, v57;
	[tilespmem:v21+s23+$0x0] =	vst.idx.add.f32.msk $0xffff, v9  }
0xe2: {  	s0 =	simm.s32 $0x12AA0;
	s1 =	simm.s32 $0x40;
	v9 =	vmul.f32 v13, v17;
	[tilespmem:v21+s24+$0x0] =	vst.idx.add.f32.msk $0xffff, v63  }
.LBB2_8:
0xe3: {  	v12 =	vld [tilespmem:s0+$0x10]  }
0xe4: {  	v13 =	vld [tilespmem:s0+$0xFFFFFFF0]  }
0xe5: {  	s1 =	sadd.s32 $0x40, s1;
	v15 =	vshll.u32 v11, $0x10;
	v11 =	vand.u32 $0xFFFF0000, v11;
	v14 =	vld [tilespmem:s0+$0x0]  }
0xe6: {  	p0 =	slt.u32 s1, $0x1F00;
	v15 =	vmul.f32 v15, v8;
	v17 =	vshll.u32 v10, $0x10;
	v10 =	vand.u32 $0xFFFF0000, v10;
	v16 =	vld [tilespmem:s0+$0xFFFFFFE0]  }
0xe7: {  	v8 =	vmul.f32 v11, v8;
	v11 =	vmul.f32 v17, v7;
	v17 =	vld.idx.msk [tilespmem:v4+s22+$0x0], $0xffff  }
0xe8: {  	v7 =	vmul.f32 v10, v7;
	v18 =	vshra.s32 v12, $0x10;
	[tilespmem:v5+s23+$0x0] =	vst.idx.add.f32.msk $0xffff, v15  }
0xe9: {  	v10 =	vshra.s32 v13, $0x10;
	v13 =	vand.u32 $0xFFFF, v13;
	[tilespmem:v5+s24+$0x0] =	vst.idx.add.f32.msk $0xffff, v8  }
0xea: {  	v4 =	vshra.s32 v14, $0x10;
	v8 =	vand.u32 $0xFFFF, v14;
	[tilespmem:v3+s23+$0x0] =	vst.idx.add.f32.msk $0xffff, v11  }
0xeb: {  	v11 =	vshra.s32 v16, $0x10;
	v5 =	vand.u32 $0xFFFF, v16;
	[tilespmem:v3+s24+$0x0] =	vst.idx.add.f32.msk $0xffff, v7;
	v3 =	vmov v13  }
0xec: {  	[tilespmem:v1+s24+$0x0] =	vst.idx.add.f32.msk $0xffff, v9;
	v1 =	vmov v2;
	v2 =	vmov v8  }
0xed: {  	v7 =	vshll.u32 v17, $0x10;
	v8 =	vand.u32 $0xFFFF0000, v17;
	v13 =	vld.idx.msk [tilespmem:v18+s2+$0x0], $0xffff  }
0xee: {  	s30 =	sadd.s32 $0x40, s30;
	v15 =	vmul.f32 v7, v6;
	v9 =	vmul.f32 v8, v6;
	v14 =	vld.idx.msk [tilespmem:v10+s2+$0x0], $0xffff  }
0xef: {  	v16 =	vld [tilespmem:s30+$0x10]  }
0xf0: {  	v17 =	vld.idx.msk [tilespmem:v11+s2+$0x0], $0xffff  }
0xf1: {  	v12 =	vand.u32 $0xFFFF, v12;
	v19 =	vld.idx.msk [tilespmem:v4+s2+$0x0], $0xffff  }
0xf2: {  	v8 =	vld [tilespmem:s30+$0xFFFFFFE0]  }
0xf3: {  	v20 =	vshll.u32 v13, $0x10;
	v7 =	vld [tilespmem:s30+$0xFFFFFFF0]  }
0xf4: {  	v13 =	vand.u32 $0xFFFF0000, v13;
	v21 =	vshll.u32 v14, $0x10;
	v6 =	vld [tilespmem:s30+$0x0];
	v20 =	vmul.f32 v20, v16  }
0xf5: {  	v14 =	vand.u32 $0xFFFF0000, v14;
	v13 =	vmul.f32 v13, v16;
	[tilespmem:v1+s23+$0x0] =	vst.idx.add.f32.msk $0xffff, v15  }
0xf6: {  	v15 =	vshll.u32 v17, $0x10;
	v17 =	vand.u32 $0xFFFF0000, v17;
	[tilespmem:v12+s20+$0x0] =	vst.idx.add.f32.msk $0xffff, v20  }
0xf7: {  	v20 =	vshll.u32 v19, $0x10;
	v19 =	vand.u32 $0xFFFF0000, v19;
	v15 =	vmul.f32 v15, v8;
	[tilespmem:v12+s21+$0x0] =	vst.idx.add.f32.msk $0xffff, v13  }
0xf8: {  	v13 =	vmul.f32 v17, v8;
	v17 =	vmul.f32 v21, v7;
	v18 =	vld.idx.msk [tilespmem:v18+s22+$0x0], $0xffff  }
0xf9: {  	v14 =	vmul.f32 v14, v7;
	[tilespmem:v5+s20+$0x0] =	vst.idx.add.f32.msk $0xffff, v15;
	v15 =	vmul.f32 v20, v6  }
0xfa: {  	[tilespmem:v5+s21+$0x0] =	vst.idx.add.f32.msk $0xffff, v13;
	v13 =	vmul.f32 v19, v6  }
0xfb: {  	[tilespmem:v3+s20+$0x0] =	vst.idx.add.f32.msk $0xffff, v17  }
0xfc: {  	[tilespmem:v3+s21+$0x0] =	vst.idx.add.f32.msk $0xffff, v14  }
0xfd: {  	[tilespmem:v2+s20+$0x0] =	vst.idx.add.f32.msk $0xffff, v15  }
.Ltmp3:
0xfe: {  	[tilespmem:v2+s21+$0x0] =	vst.idx.add.f32.msk $0xffff, v13;
	v13 =	vshll.u32 v18, $0x10;
	(pc) =	sbr.rel @p0 .LBB2_8-.Ltmp3, $4  }
0xff: {  	v14 =	vand.u32 $0xFFFF0000, v18;
	v11 =	vld.idx.msk [tilespmem:v11+s22+$0x0], $0xffff;
	v13 =	vmul.f32 v13, v16  }
0x100: {  	v14 =	vmul.f32 v14, v16;
	v10 =	vld.idx.msk [tilespmem:v10+s22+$0x0], $0xffff  }
0x101: {  	[tilespmem:v12+s23+$0x0] =	vst.idx.add.f32.msk $0xffff, v13  }
0x102: {  	s0 =	sadd.s32 $0x40, s0;
	[tilespmem:v12+s24+$0x0] =	vst.idx.add.f32.msk $0xffff, v14  }
0x103: {  	_ =	sdelay $0x3  }
0x104: {  	v4 =	vld.idx.msk [tilespmem:v4+s22+$0x0], $0xffff  }
0x105: {  	v12 =	vshll.u32 v11, $0x10  }
0x106: {  	v12 =	vmul.f32 v12, v8;
	v13 =	vshll.u32 v10, $0x10  }
0x107: {  	[tilespmem:v1+s24+$0x0] =	vst.idx.add.f32.msk $0xffff, v9;
	s29 =	sadd.s32 $0x1, s29;
	v59 =	vand.u32 $0xFFFF0000, v10;
	v60 =	vmul.f32 v13, v7  }
0x108: {  	v57 =	vand.u32 $0xFFFF0000, v11;
	p0 =	sne.s32 s29, $0xA;
	v61 =	vmul.f32 v59, v7;
	[tilespmem:v5+s23+$0x0] =	vst.idx.add.f32.msk $0xffff, v12  }
.Ltmp4:
0x109: {  	v58 =	vmul.f32 v57, v8;
	[tilespmem:v3+s23+$0x0] =	vst.idx.add.f32.msk $0xffff, v60;
	v62 =	vshll.u32 v4, $0x10;
	(pc) =	sbr.rel @p0 .LBB2_5-.Ltmp4, $4  }
0x10a: {  	[tilespmem:v3+s24+$0x0] =	vst.idx.add.f32.msk $0xffff, v61;
	v3 =	vand.u32 $0xFFFF0000, v4;
	v63 =	vmul.f32 v62, v6  }
0x10b: {  	[tilespmem:v5+s24+$0x0] =	vst.idx.add.f32.msk $0xffff, v58;
	v1 =	vmul.f32 v3, v6  }
0x10c: {  	[tilespmem:v2+s23+$0x0] =	vst.idx.add.f32.msk $0xffff, v63  }
0x10d: {  	[tilespmem:v2+s24+$0x0] =	vst.idx.add.f32.msk $0xffff, v1  }
0x10e: {  	_ =	swait.ge [sflag:s18], $0x1F40  }
0x10f: {  	[sflag:s18] =	ssyncset.done $0x0  }
0x110: {  	[sflag:s18] =	ssyncadd.s32 $0xFFFFE0C0  }
0x111: {  	_ =	swait.ge [sflag:s19], $0x1F40  }
0x112: {  	[sflag:s19] =	ssyncset.done $0x0  }
0x113: {  	[sflag:s19] =	ssyncadd.s32 $0xFFFFE0C0  }
0x114: {  	[hbm4b:s10+s2] =	stream.linear.scatter [tilespmem:s20], [sflag:$0x5], $0x4E20, $0x38;
	[tilespmem:$0x16900] =	vst v63  }
0x115: {  	s28 =	sadd.s32 $0x1, s28;
	_ =	swait.ge [sflag:s15], $0x4E20  }
0x116: {  	p0 =	sne.s32 s28, s12;
	[sflag:s15] =	ssyncset.done $0x0  }
.Ltmp5:
0x117: {  	[sflag:s15] =	ssyncadd.s32 $0xFFFFB1E0;
	(pc) =	sbr.rel @p0 .LBB2_1-.Ltmp5, $4  }
0x118: {  	[hbm4b:s11+s2] =	stream.linear.scatter [tilespmem:s21], [sflag:$0x5], $0x4E20, $0x38;
	[tilespmem:$0x16900] =	vst v63  }
0x119: {  	_ =	swait.ge [sflag:s15], $0x4E20  }
0x11a: {  	[sflag:s15] =	ssyncset.done $0x0  }
0x11b: {  	[sflag:s15] =	ssyncadd.s32 $0xFFFFB1E0  }
0x11c: {  	_ =	sfence.sel $0x180000  }
0x11d: {  	[bflag:$0x0] =	sbarrier.arrive $0xFFFF  }
0x11e: {  	_ =	strace $0x9000004D  }
0x11f: {  	s0 =	stileid.u32;
	[bflag:$0x2] =	sbarrier.arrive $0xFFFF  }
0x120: {  	p0 =	sne.s32 s0, $0x0;
	s0 =	rddreg [dreg:$0x1]  }
0x121: {  	s0 =	sadd.s32 @!p0 $0x100000, s0  }
0x122: {  	[sflag:s0] =	ssyncadd.tile.s32 @!p0 $0x1;
	_ =	shalt  }
.Lfunc_end2:
_tile_overlayer_lowered:
.L_overlay_start_2:
0x123: {  	(tag) =	ssettag $0x2  }
0x124: {  	s0 =	rddreg [dreg:$0x0];
	s2 =	stileid.u32  }
0x125: {  	s1 =	rddreg [dreg:$0x1];
	p0 =	sne.s32 s2, $0x0  }
0x126: {  	s3 =	rddreg [dreg:$0x2];
	[bflag:$0x3] =	sbarrier.arrive $0xFFFF;
	s2 =	simm.s32 @!p0 $0x1C05  }
0x127: {  	[timem:s3], [sflag:s2] =	dma.local @!p0 [hbm:s0], s1  }
0x128: {  	s0 =	simm.s32 @!p0 $0x5  }
0x129: {  	_ =	swait.ge @!p0 [sflag:s0], s1  }
0x12a: {  	s1 =	ssub.s32 @!p0 $0x0, s1;
	[sflag:s0] =	ssyncset.done @!p0 $0x0  }
0x12b: {  	[sflag:s0] =	ssyncadd.s32 @!p0 s1  }
0x12c: {  	[bflag:$0x3] =	sbarrier.arrive $0xFFFF  }
0x12d: {  	_ =	shalt  }

// kernel: kernel.19.cloned.1.call-start
scs
__scs_entry_jumppad:
0x0: {  	(pc) =	sbr.rel $0x88, $3  }
0x1: {  	(tag) =	ssettag $0x0;
	lr =	simm.s32 $0x1  }
0x2: {  	[smem:$0x3F9A] =	sst lr;
	_ =	strace $0xD0000000  }
0x3: {  	_ = 	snop  }
0x4: {  	_ = 	snop  }
0x5: {  	_ = 	snop  }
0x6: {  	_ = 	snop  }
0x7: {  	_ = 	snop  }
__scs_overlays_trampoline_lowered:
0x8: {  	[smem:$0x3FA9] =	sst s0  }
0x9: {  	[smem:$0x3FAA] =	sst s1  }
0xa: {  	[smem:$0x3FAB] =	sst s2  }
0xb: {  	[smem:$0x3FAC] =	sst s3  }
0xc: {  	[smem:$0x3FAD] =	sst s4  }
0xd: {  	[smem:$0x3FAE] =	sst s5  }
0xe: {  	[smem:$0x3FAF] =	sst s6  }
0xf: {  	[smem:$0x3FB0] =	sst s7  }
0x10: {  	[smem:$0x3FB1] =	sst s8  }
0x11: {  	[smem:$0x3FB2] =	sst s9;
	s0 =	simm.s32 @!p0 $0x0  }
0x12: {  	s1 =	sld [smem:$0x3F98];
	s0 =	simm.s32 @p0 $0x1  }
0x13: {  	[smem:$0x3FB3] =	sst s0;
	s0 =	simm.s32 @!p1 $0x0  }
0x14: {  	s2 =	sld [smem:$0x3F97];
	s0 =	simm.s32 @p1 $0x1  }
0x15: {  	[smem:$0x3FB4] =	sst s0;
	s0 =	simm.s32 @!p2 $0x0  }
0x16: {  	s3 =	sld [smem:$0x3FDB];
	s0 =	simm.s32 @p2 $0x1  }
0x17: {  	s4 =	simm.s32 $0x1BF5;
	[smem:$0x3FB6] =	sst s0  }
0x18: {  	s0 =	sld [smem:$0x3F99];
	_ =	swait.ge [sflag:s4], $0x0  }
0x19: {  	s7 =	sld [smem:$0x3F9A]  }
0x1a: {  	s8 =	sadd.s32 $0xFFFFE003, lr  }
0x1b: {  	s9 =	sadd.s32 $0xFFFFFEF7, lr;
	s5 =	simm.s32 $0xFFFFFFFF;
	p2 =	slt.u32 s8, $0xFFFFF086  }
0x1c: {  	p1 =	slt.u32 s9, $0xF7A;
	s5 =	simm.s32 @!p2 $0x0  }
0x1d: {  	s5 =	simm.s32 @p1 $0x1;
	p0 =	seq.s32 s7, s2  }
0x1e: {  	s7 =	smul.u32 @!p0 $0xF7A, s2;
	p2 =	seq.s32 @!p0 s5, $0x0  }
0x1f: {  	s9 =	smul.u32 $0xF7A, s1;
	s8 =	simm.s32 @!p0 $0x1BF5;
	p2 =	por !p2, p0  }
0x20: {  	[sflag:s8] =	ssyncset.s32 @!p0 $0xFFFFF086;
	s6 =	sadd.s32 @!p0 s3, s7;
	s7 =	simm.s32 @!p0 $0x108  }
0x21: {  	s3 =	sadd.s32 s3, s9;
	s6 =	sadd.s32 @!p0 $0x88, s6;
	s7 =	simm.s32 @p2 $0x1082  }
0x22: {  	[simem:s7], [sflag:s8] =	dma.local @!p0 [hbm:s6], $0xF7A  }
0x23: {  	s9 =	sor.u32 $0xD0000000, s2;
	s6 =	simm.s32 $0x108;
	_ =	swait.ge @!p0 [sflag:s8], $0x0  }
0x24: {  	s3 =	sadd.s32 $0x88, s3;
	s6 =	simm.s32 @!p1 $0x1082;
	[sflag:s4] =	ssyncset.s32 $0xFFFFF086  }
0x25: {  	[simem:s6], [sflag:s4] =	dma.local [hbm:s3], $0xF7A  }
0x26: {  	[smem:$0x3F9A] =	sst s1;
	(tag) =	ssettag s2;
	_ =	strace s9  }
0x27: {  	s1 =	sld [smem:$0x3FAA]  }
0x28: {  	s2 =	sld [smem:$0x3FAB]  }
0x29: {  	s4 =	sld [smem:$0x3FAD]  }
0x2a: {  	p0 =	seq.s32 s5, $0x0;
	s5 =	sld [smem:$0x3FAE]  }
0x2b: {  	s6 =	sld [smem:$0x3FAF]  }
0x2c: {  	s7 =	sld [smem:$0x3FB0]  }
0x2d: {  	s3 =	simm.s32 $0x108;
	s8 =	sld [smem:$0x3FB1]  }
0x2e: {  	s3 =	simm.s32 @!p0 $0x1082;
	s9 =	sld [smem:$0x3FB2]  }
0x2f: {  	lr =	sadd.s32 s0, s3;
	s0 =	sld [smem:$0x3FA9]  }
0x30: {  	s3 =	sld [smem:$0x3FAC]  }
0x31: {  	[smem:$0x3FB5] =	sst s10  }
0x32: {  	s10 =	sld [smem:$0x3FB3];
	_ =	sdelay $0x3  }
0x33: {  	p0 =	seq.s32 s10, $0x1;
	s10 =	sld [smem:$0x3FB5];
	_ =	sdelay $0x3  }
0x34: {  	[smem:$0x3FB5] =	sst s10  }
0x35: {  	s10 =	sld [smem:$0x3FB4];
	_ =	sdelay $0x3  }
0x36: {  	p1 =	seq.s32 s10, $0x1;
	s10 =	sld [smem:$0x3FB5];
	_ =	sdelay $0x3  }
0x37: {  	[smem:$0x3FB5] =	sst s10  }
0x38: {  	s10 =	sld [smem:$0x3FB6]  }
0x39: {  	_ = 	snop;
	(pc) =	sbr.ind lr, $3  }
0x3a: {  	_ = 	snop  }
0x3b: {  	_ = 	snop  }
0x3c: {  	p2 =	seq.s32 s10, $0x1;
	s10 =	sld [smem:$0x3FB5]  }
0x3d: {  	_ =	shalt  }
0x3e: {  	_ =	shalt  }
0x3f: {  	_ =	shalt  }
0x40: {  	_ =	shalt  }
0x41: {  	_ =	shalt  }
0x42: {  	_ =	shalt  }
0x43: {  	_ =	shalt  }
0x44: {  	_ =	shalt  }
0x45: {  	_ =	shalt  }
0x46: {  	_ =	shalt  }
0x47: {  	_ =	shalt  }
0x48: {  	_ =	shalt  }
0x49: {  	_ =	shalt  }
0x4a: {  	_ =	shalt  }
0x4b: {  	_ =	shalt  }
0x4c: {  	_ =	shalt  }
0x4d: {  	_ =	shalt  }
0x4e: {  	_ =	shalt  }
0x4f: {  	_ =	shalt  }
0x50: {  	_ =	shalt  }
0x51: {  	_ =	shalt  }
0x52: {  	_ =	shalt  }
0x53: {  	_ =	shalt  }
0x54: {  	_ =	shalt  }
0x55: {  	_ =	shalt  }
0x56: {  	_ =	shalt  }
0x57: {  	_ =	shalt  }
0x58: {  	_ =	shalt  }
0x59: {  	_ =	shalt  }
0x5a: {  	_ =	shalt  }
0x5b: {  	_ =	shalt  }
0x5c: {  	_ =	shalt  }
0x5d: {  	_ =	shalt  }
0x5e: {  	_ =	shalt  }
0x5f: {  	_ =	shalt  }
0x60: {  	_ =	shalt  }
0x61: {  	_ =	shalt  }
0x62: {  	_ =	shalt  }
0x63: {  	_ =	shalt  }
0x64: {  	_ =	shalt  }
0x65: {  	_ =	shalt  }
0x66: {  	_ =	shalt  }
0x67: {  	_ =	shalt  }
0x68: {  	_ =	shalt  }
0x69: {  	_ =	shalt  }
0x6a: {  	_ =	shalt  }
0x6b: {  	_ =	shalt  }
0x6c: {  	_ =	shalt  }
0x6d: {  	_ =	shalt  }
0x6e: {  	_ =	shalt  }
0x6f: {  	_ =	shalt  }
0x70: {  	_ =	shalt  }
0x71: {  	_ =	shalt  }
0x72: {  	_ =	shalt  }
0x73: {  	_ =	shalt  }
0x74: {  	_ =	shalt  }
0x75: {  	_ =	shalt  }
0x76: {  	_ =	shalt  }
0x77: {  	_ =	shalt  }
0x78: {  	_ =	shalt  }
0x79: {  	_ =	shalt  }
0x7a: {  	_ =	shalt  }
0x7b: {  	_ =	shalt  }
0x7c: {  	_ =	shalt  }
0x7d: {  	_ =	shalt  }
0x7e: {  	_ =	shalt  }
0x7f: {  	_ =	shalt  }
0x80: {  	_ =	shalt  }
0x81: {  	_ =	shalt  }
0x82: {  	_ =	shalt  }
0x83: {  	_ =	shalt  }
0x84: {  	_ =	shalt  }
0x85: {  	_ =	shalt  }
0x86: {  	_ =	shalt  }
0x87: {  	_ =	shalt  }
.Lfunc_end0:
.L_simem_size_0:
called_computation.3_lowered:
.L_overlay_start_0:
0x88: {  	s2 =	sld [smem:$0x3FD9]  }
0x89: {  	s3 =	sld [smem:$0x3FFE];
	_ =	sdelay $0x1  }
0x8a: {  	s1 =	srdreg.scid  }
0x8b: {  	s0 =	sand.u32 $0x1, s1  }
0x8c: {  	s17 =	sshll.u32 s0, $0xA;
	s2 =	sadd.s32 s3, s2  }
0x8d: {  	s2 =	sadd.s32 s2, s17  }
0x8e: {  	[smem:$0x3FC1] =	sst s2  }
0x8f: {  	_ = 	snop  }
0x90: {  	s2 =	sld [smem:$0x3FD0];
	(tm) =	ssettm $0x1  }
0x91: {  	s18 =	sld [smem:$0x3FFB];
	_ =	sdelay $0x3  }
0x92: {  	_ =	strace s18  }
0x93: {  	s3 =	sld [smem:$0x3FFC];
	_ =	sdelay $0x3  }
0x94: {  	_ =	strace s3  }
0x95: {  	s3 =	sld [smem:$0x3FFD];
	_ =	sdelay $0x3  }
0x96: {  	_ =	strace s3  }
0x97: {  	_ =	strace $0x8FFFFFFF  }
0x98: {  	s19 =	sld [smem:$0x3FDB];
	_ =	sdelay $0x1  }
0x99: {  	s4 =	simm.s32 $_scs_section_size  }
0x9a: {  	s5 =	simm.s32 $_size__tile_overlayer_lowered;
	s6 =	simm.s32 $_tile_overlayer_lowered  }
0x9b: {  	s22 =	simm.s32 $0x1BFF;
	s21 =	sshll.u32 s6, $0x1;
	s3 =	sadd.s32 s4, s19  }
0x9c: {  	s7 =	simm.s32 $0x0;
	s20 =	sshll.u32 s5, $0x1;
	s5 =	sadd.s32 s21, s3  }
0x9d: {  	[timem:s7], [sflag:s22] =	dma.local [hbm:s5], s20  }
0x9e: {  	_ =	swait.ge [sflag:s22], s20  }
0x9f: {  	s4 =	ssub.s32 $0x0, s20;
	[sflag:s22] =	ssyncset.done $0x0  }
0xa0: {  	[sflag:s22] =	ssyncadd.s32 s4;
	_ =	sdelay $0x1  }
0xa1: {  	s23 =	simm.s32 $0x1B8B  }
0xa2: {  	_ =	swait.ge [sflag:s23], $0x1  }
0xa3: {  	[sflag:s23] =	ssyncset.done $0x0  }
0xa4: {  	s25 =	simm.s32 $0x1B8E;
	s24 =	sld [smem:$0x3FFE];
	[sflag:s23] =	ssyncadd.s32 $0xFFFFFFFF  }
0xa5: {  	s26 =	simm.s32 $execute0_lowered;
	[smem:$0x3FD2] =	sst s25  }
0xa6: {  	s5 =	sshll.u32 s26, $0x1;
	_ =	strace $0x8000004F;
	[dreg:$0x1] =	wrdreg $0xFFFFFFFF  }
0xa7: {  	s28 =	simm.s32 $_size_execute0_lowered;
	s3 =	sadd.s32 s3, s5;
	[dreg:$0x0] =	wrdreg $0x0  }
0xa8: {  	s5 =	sshll.u32 s28, $0x1;
	[dreg:$0x2] =	wrdreg s3  }
0xa9: {  	[dreg:$0x3] =	wrdreg s5  }
0xaa: {  	[dreg:$0x4] =	wrdreg $0xC0  }
0xab: {  	_ =	task [dreg:s7], $0x5FFFF  }
0xac: {  	[dreg:$0x1] =	wrdreg $0xFFFFFFFF  }
0xad: {  	[dreg:$0x0] =	wrdreg $0x60  }
0xae: {  	[dreg:$0x2] =	wrdreg s24  }
0xaf: {  	[dreg:$0x3] =	wrdreg s2  }
0xb0: {  	[dreg:$0x4] =	wrdreg $0x9  }
0xb1: {  	_ =	task.clear_ibuf [dreg:s7], $0x5FFFF;
	_ =	strace $0x9000004F  }
0xb2: {  	s29 =	simm.s32 $0x9;
	_ =	strace $0x80000051  }
0xb3: {  	_ =	swait.ge [sflag:s29], $0x1  }
0xb4: {  	[sflag:s29] =	ssyncadd.s32 $0xFFFFFFFF  }
0xb5: {  	_ =	strace $0x90000051  }
0xb6: {  	_ =	sfence  }
0xb7: {  	s30 =	sld [smem:$0x0];
	_ =	sdelay $0x2  }
0xb8: {  	s31 =	sshll.u32 s1, $0xD;
	s1 =	sshrl.u32 s1, $0x2  }
0xb9: {  	s3 =	sand.u32 $0x4000, s31;
	s1 =	sadd.s32 s1, s30  }
0xba: {  	s0 =	sor.u32 s3, s0;
	s1 =	sshll.u32 s1, $0x11  }
0xbb: {  	s0 =	sor.u32 s1, s0  }
0xbc: {  	s0 =	sadd.s32 $0x8F2B, s0  }
0xbd: {  	[sflag:s0] =	ssyncadd.remote.s32 $0x1  }
0xbe: {  	_ =	sfence.sel $0xFFFF  }
0xbf: {  	[dreg:$0x0] =	wrdreg $0xFFFFFFFF;
	(pc) =	sbr.abs _section_cstart, $3  }
0xc0: {  	[dreg:$0x1] =	wrdreg $0xFFFFFFFF  }
0xc1: {  	_ =	task.clear_ibuf [dreg:s7], $0x2FFFF;
	_ =	strace $0x9FFFFFFF  }
0xc2: {  	(tm) =	ssettm $0x7FFFFFFF  }
0xc3: {  	_ =	shalt  }
tec
execute0_lowered:
.L_overlay_start_1:
0x0: {  	(tag) =	ssettag $0x1  }
0x1: {  	s0 =	rddreg [dreg:$0x0]  }
0x2: {  	s1 =	rddreg [dreg:$0x1]  }
0x3: {  	s4 =	stileid.u32;
	s2 =	srdreg.scid;
	s12 =	simm.s32 $0x13900  }
0x4: {  	s13 =	simm.s32 $0x15880;
	s14 =	simm.s32 $0x5;
	s15 =	simm.s32 $0x17800  }
0x5: {  	s16 =	simm.s32 $0x19780;
	s17 =	simm.s32 $0x1;
	s18 =	simm.s32 $0x2  }
0x6: {  	s19 =	simm.s32 $0x7580;
	s20 =	simm.s32 $0x9C90;
	s21 =	simm.s32 $0x2710  }
0x7: {  	s22 =	simm.s32 $0xC3A0;
	s23 =	simm.s32 $0xEAB0;
	s28 =	simm.s32 $0x4  }
0x8: {  	s29 =	simm.s32 $0x0;
	s3 =	sshll.u32 s4, $0x1;
	s5 =	sand.u32 $0x1, s2  }
0x9: {  	s6 =	sshrl.u32 s4, $0x2;
	s2 =	simm.s32 $0x0;
	s4 =	sadd.s32 $0xCE00, s0  }
0xa: {  	s3 =	sand.u32 $0x6, s3;
	s8 =	smul.u32 $0x61A80, s6;
	[smem:$0x7FF] =	sst s2  }
0xb: {  	s24 =	smul.u32 $0x13880, s6;
	s7 =	sor.u32 s5, s3;
	_ =	strace $0x80000050  }
0xc: {  	s3 =	sadd.s32 $0x16C00, s0;
	s5 =	ssub.s32 $0x2, s5;
	s9 =	smul.u32 $0xC350, s7  }
0xd: {  	s26 =	sshrl.u32 s5, $0x1;
	s7 =	smul.u32 $0xEA6, s7;
	s30 =	sshrl.u32 s24, $0x3  }
0xe: {  	s5 =	ssub.s32 s5, s26;
	s31 =	sadd.s32 s3, s30;
	s6 =	sadd.s32 s4, s30  }
0xf: {  	s26 =	simm.s32 $0x3;
	s8 =	sadd.s32 s8, s9;
	[dreg:$0x3] =	wrdreg s31  }
0x10: {  	s7 =	sadd.s32 s1, s7;
	s9 =	sadd.s32 $0x3E80, s24;
	s25 =	sshrl.u32 s8, $0x3  }
0x11: {  	s11 =	smax.u32 s5, $0x1;
	s8 =	sadd.s32 $0x1F40, s24;
	s0 =	sadd.s32 s25, s0  }
0x12: {  	v0 =	vimm.f32 $0.0e+00;
	s24 =	simm.s32 $0x4E20;
	s25 =	simm.s32 $0x111C0;
	s10 =	sadd.s32 $0x20A00, s0  }
.LBB2_1:
0x13: {  	s0 =	rddreg [dreg:$0x3]  }
0x14: {  	[tilespmem:s12], [sflag:$0x1] =	stream.linear.gather [hbm4b:s0+s2], $0x1F40, $0x38;
	[tilespmem:$0x1B700] =	vst v63  }
0x15: {  	_ = 	snop  }
0x16: {  	[tilespmem:s13], [sflag:$0x2] =	stream.linear.gather [hbm4b:s6+s2], $0x1F40, $0x38;
	[tilespmem:$0x1B700] =	vst v63  }
0x17: {  	_ = 	snop  }
0x18: {  	[tilespmem:s2], [sflag:$0x5] =	stream.linear.gather [hbm4b:s7+s2], $0x7530, $0x38;
	[tilespmem:$0x1B700] =	vst v63  }
0x19: {  	_ =	swait.ge [sflag:s14], $0x7530  }
0x1a: {  	[sflag:s14] =	ssyncset.done $0x0  }
0x1b: {  	s1 =	simm.s32 $0x75C0;
	[sflag:s14] =	ssyncadd.s32 $0xFFFF8AD0  }
0x1c: {  	[tilespmem:s1+$0xFFFFFFC0] =	vst v0  }
0x1d: {  	[tilespmem:s1+$0x30] =	vst v0  }
0x1e: {  	[tilespmem:s1+$0x20] =	vst v0  }
0x1f: {  	[tilespmem:s1+$0x10] =	vst v0  }
0x20: {  	[tilespmem:s1+$0x0] =	vst v0  }
0x21: {  	[tilespmem:s1+$0xFFFFFFF0] =	vst v0  }
0x22: {  	s30 =	simm.s32 $0x0;
	s0 =	simm.s32 $0x13880;
	[tilespmem:s1+$0xFFFFFFE0] =	vst v0  }
.LBB2_2:
0x23: {  	s30 =	sadd.s32 $0x80, s30;
	[tilespmem:s1+$0xFFFFFFD0] =	vst v0;
	s1 =	sadd.s32 $0x80, s1;
	s5 =	simm.s32 $0xC2F0  }
0x24: {  	[tilespmem:s1+$0xFFFFFFC0] =	vst v0;
	p0 =	slt.u32 s30, $0xC280  }
0x25: {  	[tilespmem:s1+$0x30] =	vst v0  }
.Ltmp0:
0x26: {  	[tilespmem:s1+$0x20] =	vst v0;
	(pc) =	sbr.rel @p0 .LBB2_2-.Ltmp0, $4  }
0x27: {  	[tilespmem:s1+$0x10] =	vst v0  }
0x28: {  	[tilespmem:s1+$0x0] =	vst v0  }
0x29: {  	[tilespmem:s1+$0xFFFFFFF0] =	vst v0  }
0x2a: {  	[tilespmem:s1+$0xFFFFFFE0] =	vst v0  }
0x2b: {  	[tilespmem:s1+$0xFFFFFFD0] =	vst v0  }
.LBB2_4:
0x2c: {  	s5 =	sadd.s32 $0x10, s5  }
0x2d: {  	p0 =	slt.u32 s5, $0xC340  }
.Ltmp1:
0x2e: {  	_ = 	snop;
	(pc) =	sbr.rel @p0 .LBB2_4-.Ltmp1, $2  }
0x2f: {  	_ =	sdelay $0x2  }
0x30: {  	[tilespmem:s0+$0x0] =	vst v0;
	s0 =	sadd.s32 $0x10, s0;
	s30 =	simm.s32 $0x0  }
.LBB2_5:
0x31: {  	s31 =	smul.u32 $0x3E80, s30;
	_ =	sdelay $0x1  }
0x32: {  	s0 =	sadd.s32 s31, s8  }
0x33: {  	s0 =	sshrl.u32 s0, $0x3  }
0x34: {  	s1 =	sadd.s32 s3, s0  }
0x35: {  	[tilespmem:s15], [sflag:$0x3] =	stream.linear.gather [hbm4b:s1+s2], $0x1F40, $0x38;
	[tilespmem:$0x1B700] =	vst v63  }
0x36: {  	s0 =	sadd.s32 s4, s0  }
0x37: {  	[tilespmem:s16], [sflag:$0x4] =	stream.linear.gather [hbm4b:s0+s2], $0x1F40, $0x38;
	[tilespmem:$0x1B700] =	vst v63  }
0x38: {  	_ =	swait.ge [sflag:s17], $0x1F40  }
0x39: {  	[sflag:s17] =	ssyncset.done $0x0  }
0x3a: {  	[sflag:s17] =	ssyncadd.s32 $0xFFFFE0C0  }
0x3b: {  	_ =	swait.ge [sflag:s18], $0x1F40  }
0x3c: {  	[sflag:s18] =	ssyncset.done $0x0  }
0x3d: {  	s5 =	simm.s32 $0x13920;
	[sflag:s18] =	ssyncadd.s32 $0xFFFFE0C0  }
0x3e: {  	v3 =	vld [tilespmem:s5+$0x10];
	_ =	sdelay $0x3  }
0x3f: {  	v7 =	vld [tilespmem:s5+$0xFFFFFFE0]  }
0x40: {  	v4 =	vld [tilespmem:s5+$0xFFFFFFF0];
	v11 =	vshra.s32 v3, $0x10  }
0x41: {  	v8 =	vld [tilespmem:s5+$0x0];
	_ =	sdelay $0x2  }
0x42: {  	v2 =	vshra.s32 v7, $0x10  }
0x43: {  	s0 =	simm.s32 $0x158A0;
	v1 =	vshra.s32 v4, $0x10;
	v9 =	vld.idx.msk [tilespmem:v11+s2+$0x0], $0xffff  }
0x44: {  	v12 =	vld [tilespmem:s0+$0x10];
	v6 =	vshra.s32 v8, $0x10;
	_ =	sdelay $0x1  }
0x45: {  	v5 =	vld [tilespmem:s0+$0xFFFFFFE0];
	v10 =	vand.u32 $0xFFFF, v3  }
0x46: {  	v14 =	vld.idx.msk [tilespmem:v2+s2+$0x0], $0xffff  }
0x47: {  	v13 =	vld.idx.msk [tilespmem:v1+s2+$0x0], $0xffff;
	v3 =	vshll.u32 v9, $0x10  }
0x48: {  	v61 =	vld.idx.msk [tilespmem:v6+s2+$0x0], $0xffff;
	v15 =	vmul.f32 v3, v12;
	v3 =	vand.u32 $0xFFFF0000, v9  }
0x49: {  	v9 =	vld [tilespmem:s0+$0xFFFFFFF0];
	v16 =	vmul.f32 v3, v12;
	v3 =	vand.u32 $0xFFFF, v7  }
0x4a: {  	[tilespmem:v10+s19+$0x0] =	vst.idx.add.f32.msk $0xffff, v15  }
0x4b: {  	v4 =	vand.u32 $0xFFFF, v4;
	v7 =	vshll.u32 v14, $0x10;
	[tilespmem:v10+s20+$0x0] =	vst.idx.add.f32.msk $0xffff, v16  }
0x4c: {  	v14 =	vand.u32 $0xFFFF0000, v14;
	v17 =	vmul.f32 v7, v5;
	v15 =	vld.idx.msk [tilespmem:v11+s21+$0x0], $0xffff  }
0x4d: {  	v18 =	vshll.u32 v13, $0x10;
	v7 =	vld [tilespmem:s0+$0x0];
	v14 =	vmul.f32 v14, v5  }
0x4e: {  	v13 =	vand.u32 $0xFFFF0000, v13;
	v18 =	vmul.f32 v18, v9;
	[tilespmem:v3+s19+$0x0] =	vst.idx.add.f32.msk $0xffff, v17  }
0x4f: {  	v13 =	vmul.f32 v13, v9;
	[tilespmem:v3+s20+$0x0] =	vst.idx.add.f32.msk $0xffff, v14  }
0x50: {  	[tilespmem:v4+s19+$0x0] =	vst.idx.add.f32.msk $0xffff, v18  }
0x51: {  	[tilespmem:v4+s20+$0x0] =	vst.idx.add.f32.msk $0xffff, v13;
	v14 =	vshll.u32 v15, $0x10  }
0x52: {  	v8 =	vand.u32 $0xFFFF, v8;
	v63 =	vld.idx.msk [tilespmem:v1+s21+$0x0], $0xffff;
	v13 =	vmul.f32 v14, v12;
	v14 =	vand.u32 $0xFFFF0000, v15  }
0x53: {  	v15 =	vld.idx.msk [tilespmem:v2+s21+$0x0], $0xffff;
	v14 =	vmul.f32 v14, v12  }
0x54: {  	[tilespmem:v10+s22+$0x0] =	vst.idx.add.f32.msk $0xffff, v13;
	v13 =	vshll.u32 v61, $0x10  }
0x55: {  	[tilespmem:v10+s23+$0x0] =	vst.idx.add.f32.msk $0xffff, v14;
	v14 =	vand.u32 $0xFFFF0000, v61;
	v13 =	vmul.f32 v13, v7  }
0x56: {  	v62 =	vld.idx.msk [tilespmem:v11+s24+$0x0], $0xffff;
	v11 =	vmul.f32 v14, v7  }
0x57: {  	[tilespmem:v8+s19+$0x0] =	vst.idx.add.f32.msk $0xffff, v13  }
0x58: {  	[tilespmem:v8+s20+$0x0] =	vst.idx.add.f32.msk $0xffff, v11  }
0x59: {  	v13 =	vshll.u32 v15, $0x10;
	v11 =	vld.idx.msk [tilespmem:v6+s21+$0x0], $0xffff  }
0x5a: {  	v14 =	vand.u32 $0xFFFF0000, v15;
	v13 =	vmul.f32 v13, v5  }
0x5b: {  	v14 =	vmul.f32 v14, v5  }
0x5c: {  	[tilespmem:v3+s22+$0x0] =	vst.idx.add.f32.msk $0xffff, v13;
	v15 =	vshll.u32 v62, $0x10  }
0x5d: {  	s1 =	simm.s32 $0x0;
	s5 =	simm.s32 $0x13960;
	v13 =	vand.u32 $0xFFFF0000, v63;
	[tilespmem:v3+s23+$0x0] =	vst.idx.add.f32.msk $0xffff, v14;
	v14 =	vshll.u32 v63, $0x10;
	v12 =	vmul.f32 v15, v12  }
.LBB2_6:
0x5e: {  	v15 =	vld [tilespmem:s5+$0x10];
	v14 =	vmul.f32 v14, v9;
	v16 =	vshll.u32 v11, $0x10;
	v11 =	vand.u32 $0xFFFF0000, v11  }
0x5f: {  	v13 =	vmul.f32 v13, v9;
	v16 =	vmul.f32 v16, v7;
	[tilespmem:v10+s25+$0x0] =	vst.idx.add.f32.msk $0xffff, v12  }
0x60: {  	s1 =	sadd.s32 $0x40, s1;
	v11 =	vmul.f32 v11, v7;
	v10 =	vld [tilespmem:s5+$0xFFFFFFF0]  }
0x61: {  	p0 =	slt.u32 s1, $0x1F00;
	v12 =	vld [tilespmem:s5+$0x0]  }
0x62: {  	v17 =	vld [tilespmem:s5+$0xFFFFFFE0]  }
0x63: {  	v18 =	vshra.s32 v15, $0x10;
	[tilespmem:v4+s22+$0x0] =	vst.idx.add.f32.msk $0xffff, v14  }
0x64: {  	[tilespmem:v4+s23+$0x0] =	vst.idx.add.f32.msk $0xffff, v13  }
0x65: {  	v13 =	vshra.s32 v10, $0x10;
	v14 =	vand.u32 $0xFFFF, v10;
	[tilespmem:v8+s22+$0x0] =	vst.idx.add.f32.msk $0xffff, v16  }
0x66: {  	v16 =	vshra.s32 v12, $0x10;
	v12 =	vand.u32 $0xFFFF, v12;
	[tilespmem:v8+s23+$0x0] =	vst.idx.add.f32.msk $0xffff, v11  }
0x67: {  	v19 =	vand.u32 $0xFFFF, v17;
	v11 =	vld.idx.msk [tilespmem:v2+s24+$0x0], $0xffff;
	v2 =	vshra.s32 v17, $0x10  }
0x68: {  	v17 =	vld.idx.msk [tilespmem:v18+s2+$0x0], $0xffff  }
0x69: {  	s0 =	sadd.s32 $0x40, s0;
	v20 =	vld.idx.msk [tilespmem:v1+s24+$0x0], $0xffff;
	v1 =	vmov v13  }
0x6a: {  	v21 =	vld [tilespmem:s0+$0x10]  }
0x6b: {  	v13 =	vld.idx.msk [tilespmem:v13+s2+$0x0], $0xffff  }
0x6c: {  	v10 =	vand.u32 $0xFFFF, v15;
	v22 =	vld.idx.msk [tilespmem:v2+s2+$0x0], $0xffff  }
0x6d: {  	v11 =	vshll.u32 v11, $0x10;
	v15 =	vld.idx.msk [tilespmem:v16+s2+$0x0], $0xffff  }
0x6e: {  	v23 =	vshll.u32 v17, $0x10;
	v24 =	vmul.f32 v11, v5;
	v5 =	vld [tilespmem:s0+$0xFFFFFFE0]  }
0x6f: {  	v17 =	vand.u32 $0xFFFF0000, v17;
	v20 =	vshll.u32 v20, $0x10;
	v11 =	vld [tilespmem:s0+$0xFFFFFFF0];
	v23 =	vmul.f32 v23, v21  }
0x70: {  	v17 =	vmul.f32 v17, v21;
	v20 =	vmul.f32 v20, v9;
	v25 =	vld [tilespmem:s0+$0x0]  }
0x71: {  	v9 =	vshll.u32 v13, $0x10;
	v13 =	vand.u32 $0xFFFF0000, v13;
	[tilespmem:v10+s19+$0x0] =	vst.idx.add.f32.msk $0xffff, v23  }
0x72: {  	v23 =	vshll.u32 v22, $0x10;
	v22 =	vand.u32 $0xFFFF0000, v22;
	[tilespmem:v10+s20+$0x0] =	vst.idx.add.f32.msk $0xffff, v17  }
0x73: {  	v17 =	vmul.f32 v23, v5;
	v23 =	vshll.u32 v15, $0x10;
	v15 =	vand.u32 $0xFFFF0000, v15;
	v26 =	vld.idx.msk [tilespmem:v18+s21+$0x0], $0xffff  }
0x74: {  	v22 =	vmul.f32 v22, v5;
	v27 =	vmul.f32 v9, v11;
	v28 =	vld.idx.msk [tilespmem:v6+s24+$0x0], $0xffff;
	v6 =	vmovc v16;
	v9 =	vmov v11  }
0x75: {  	[tilespmem:v19+s19+$0x0] =	vst.idx.add.f32.msk $0xffff, v17;
	v11 =	vmul.f32 v13, v9;
	v13 =	vmul.f32 v23, v25  }
0x76: {  	v15 =	vmul.f32 v15, v25;
	[tilespmem:v19+s20+$0x0] =	vst.idx.add.f32.msk $0xffff, v22  }
0x77: {  	[tilespmem:v14+s19+$0x0] =	vst.idx.add.f32.msk $0xffff, v27  }
0x78: {  	[tilespmem:v14+s20+$0x0] =	vst.idx.add.f32.msk $0xffff, v11  }
0x79: {  	v11 =	vshll.u32 v26, $0x10;
	[tilespmem:v12+s19+$0x0] =	vst.idx.add.f32.msk $0xffff, v13  }
0x7a: {  	v11 =	vmul.f32 v11, v21;
	v13 =	vand.u32 $0xFFFF0000, v26;
	[tilespmem:v12+s20+$0x0] =	vst.idx.add.f32.msk $0xffff, v15;
	v15 =	vshll.u32 v28, $0x10  }
0x7b: {  	v13 =	vmul.f32 v13, v21;
	v16 =	vld.idx.msk [tilespmem:v2+s21+$0x0], $0xffff;
	v15 =	vmul.f32 v15, v7;
	v7 =	vmov v25  }
0x7c: {  	[tilespmem:v10+s22+$0x0] =	vst.idx.add.f32.msk $0xffff, v11  }
0x7d: {  	[tilespmem:v10+s23+$0x0] =	vst.idx.add.f32.msk $0xffff, v13  }
0x7e: {  	v13 =	vld.idx.msk [tilespmem:v18+s24+$0x0], $0xffff  }
0x7f: {  	v17 =	vld.idx.msk [tilespmem:v1+s21+$0x0], $0xffff  }
0x80: {  	v11 =	vld.idx.msk [tilespmem:v6+s21+$0x0], $0xffff  }
.Ltmp2:
0x81: {  	v18 =	vshll.u32 v16, $0x10;
	v16 =	vand.u32 $0xFFFF0000, v16;
	[tilespmem:v3+s25+$0x0] =	vst.idx.add.f32.msk $0xffff, v24;
	v3 =	vmov v19;
	(pc) =	sbr.rel @p0 .LBB2_6-.Ltmp2, $4  }
0x82: {  	v18 =	vmul.f32 v18, v5;
	v16 =	vmul.f32 v16, v5;
	[tilespmem:v4+s25+$0x0] =	vst.idx.add.f32.msk $0xffff, v20;
	v4 =	vmov v14  }
0x83: {  	[tilespmem:v8+s25+$0x0] =	vst.idx.add.f32.msk $0xffff, v15;
	v8 =	vmov v12  }
0x84: {  	v12 =	vshll.u32 v13, $0x10;
	[tilespmem:v19+s22+$0x0] =	vst.idx.add.f32.msk $0xffff, v18  }
0x85: {  	s5 =	sadd.s32 $0x40, s5;
	v14 =	vshll.u32 v17, $0x10;
	v13 =	vand.u32 $0xFFFF0000, v17;
	v12 =	vmul.f32 v12, v21;
	[tilespmem:v19+s23+$0x0] =	vst.idx.add.f32.msk $0xffff, v16  }
0x86: {  	_ =	sdelay $0x2  }
0x87: {  	v14 =	vmul.f32 v14, v9  }
0x88: {  	v15 =	vshll.u32 v11, $0x10;
	v13 =	vmul.f32 v13, v9;
	v2 =	vld.idx.msk [tilespmem:v2+s24+$0x0], $0xffff  }
0x89: {  	v11 =	vand.u32 $0xFFFF0000, v11;
	v15 =	vmul.f32 v15, v7;
	[tilespmem:v4+s22+$0x0] =	vst.idx.add.f32.msk $0xffff, v14  }
0x8a: {  	v11 =	vmul.f32 v11, v7;
	[tilespmem:v4+s23+$0x0] =	vst.idx.add.f32.msk $0xffff, v13  }
0x8b: {  	[tilespmem:v8+s22+$0x0] =	vst.idx.add.f32.msk $0xffff, v15  }
0x8c: {  	[tilespmem:v8+s23+$0x0] =	vst.idx.add.f32.msk $0xffff, v11  }
0x8d: {  	v1 =	vld.idx.msk [tilespmem:v1+s24+$0x0], $0xffff  }
0x8e: {  	v6 =	vld.idx.msk [tilespmem:v6+s24+$0x0], $0xffff;
	_ =	sdelay $0x2  }
0x8f: {  	v2 =	vshll.u32 v2, $0x10  }
0x90: {  	s0 =	sadd.s32 s31, s9;
	v2 =	vmul.f32 v2, v5;
	v1 =	vshll.u32 v1, $0x10  }
0x91: {  	[tilespmem:v10+s25+$0x0] =	vst.idx.add.f32.msk $0xffff, v12;
	p0 =	slt.s32 s0, $0x4C2C0;
	v1 =	vmul.f32 v1, v9;
	v5 =	vshll.u32 v6, $0x10  }
0x92: {  	s0 =	simm.s32 @!p0 $0x4C2C0;
	[tilespmem:v3+s25+$0x0] =	vst.idx.add.f32.msk $0xffff, v2;
	v5 =	vmul.f32 v5, v7  }
0x93: {  	s0 =	sshrl.u32 s0, $0x3;
	[tilespmem:v4+s25+$0x0] =	vst.idx.add.f32.msk $0xffff, v1  }
0x94: {  	s1 =	sadd.s32 s3, s0;
	[tilespmem:v8+s25+$0x0] =	vst.idx.add.f32.msk $0xffff, v5  }
0x95: {  	[tilespmem:s12], [sflag:$0x1] =	stream.linear.gather [hbm4b:s1+s2], $0x1F40, $0x38;
	[tilespmem:$0x1B700] =	vst v63  }
0x96: {  	s0 =	sadd.s32 s4, s0  }
0x97: {  	[tilespmem:s13], [sflag:$0x2] =	stream.linear.gather [hbm4b:s0+s2], $0x1F40, $0x38;
	[tilespmem:$0x1B700] =	vst v63  }
0x98: {  	_ =	swait.ge [sflag:s26], $0x1F40  }
0x99: {  	[sflag:s26] =	ssyncset.done $0x0  }
0x9a: {  	[sflag:s26] =	ssyncadd.s32 $0xFFFFE0C0  }
0x9b: {  	_ =	swait.ge [sflag:s28], $0x1F40  }
0x9c: {  	[sflag:s28] =	ssyncset.done $0x0  }
0x9d: {  	s31 =	simm.s32 $0x17820;
	[sflag:s28] =	ssyncadd.s32 $0xFFFFE0C0  }
0x9e: {  	v3 =	vld [tilespmem:s31+$0x10];
	_ =	sdelay $0x3  }
0x9f: {  	v7 =	vld [tilespmem:s31+$0xFFFFFFE0]  }
0xa0: {  	v4 =	vld [tilespmem:s31+$0xFFFFFFF0];
	v11 =	vshra.s32 v3, $0x10  }
0xa1: {  	v8 =	vld [tilespmem:s31+$0x0];
	_ =	sdelay $0x2  }
0xa2: {  	v2 =	vshra.s32 v7, $0x10  }
0xa3: {  	s0 =	simm.s32 $0x197A0;
	v1 =	vshra.s32 v4, $0x10;
	v9 =	vld.idx.msk [tilespmem:v11+s2+$0x0], $0xffff  }
0xa4: {  	v12 =	vld [tilespmem:s0+$0x10];
	v6 =	vshra.s32 v8, $0x10;
	_ =	sdelay $0x1  }
0xa5: {  	v5 =	vld [tilespmem:s0+$0xFFFFFFE0];
	v10 =	vand.u32 $0xFFFF, v3  }
0xa6: {  	v14 =	vld.idx.msk [tilespmem:v2+s2+$0x0], $0xffff  }
0xa7: {  	v13 =	vld.idx.msk [tilespmem:v1+s2+$0x0], $0xffff;
	v3 =	vshll.u32 v9, $0x10  }
0xa8: {  	v61 =	vld.idx.msk [tilespmem:v6+s2+$0x0], $0xffff;
	v15 =	vmul.f32 v3, v12;
	v3 =	vand.u32 $0xFFFF0000, v9  }
0xa9: {  	v9 =	vld [tilespmem:s0+$0xFFFFFFF0];
	v16 =	vmul.f32 v3, v12;
	v3 =	vand.u32 $0xFFFF, v7  }
0xaa: {  	[tilespmem:v10+s19+$0x0] =	vst.idx.add.f32.msk $0xffff, v15  }
0xab: {  	v4 =	vand.u32 $0xFFFF, v4;
	v7 =	vshll.u32 v14, $0x10;
	[tilespmem:v10+s20+$0x0] =	vst.idx.add.f32.msk $0xffff, v16  }
0xac: {  	v14 =	vand.u32 $0xFFFF0000, v14;
	v17 =	vmul.f32 v7, v5;
	v15 =	vld.idx.msk [tilespmem:v11+s21+$0x0], $0xffff  }
0xad: {  	v18 =	vshll.u32 v13, $0x10;
	v7 =	vld [tilespmem:s0+$0x0];
	v14 =	vmul.f32 v14, v5  }
0xae: {  	v13 =	vand.u32 $0xFFFF0000, v13;
	v18 =	vmul.f32 v18, v9;
	[tilespmem:v3+s19+$0x0] =	vst.idx.add.f32.msk $0xffff, v17  }
0xaf: {  	v13 =	vmul.f32 v13, v9;
	[tilespmem:v3+s20+$0x0] =	vst.idx.add.f32.msk $0xffff, v14  }
0xb0: {  	[tilespmem:v4+s19+$0x0] =	vst.idx.add.f32.msk $0xffff, v18  }
0xb1: {  	[tilespmem:v4+s20+$0x0] =	vst.idx.add.f32.msk $0xffff, v13;
	v14 =	vshll.u32 v15, $0x10  }
0xb2: {  	v8 =	vand.u32 $0xFFFF, v8;
	v63 =	vld.idx.msk [tilespmem:v1+s21+$0x0], $0xffff;
	v13 =	vmul.f32 v14, v12;
	v14 =	vand.u32 $0xFFFF0000, v15  }
0xb3: {  	v15 =	vld.idx.msk [tilespmem:v2+s21+$0x0], $0xffff;
	v14 =	vmul.f32 v14, v12  }
0xb4: {  	[tilespmem:v10+s22+$0x0] =	vst.idx.add.f32.msk $0xffff, v13;
	v13 =	vshll.u32 v61, $0x10  }
0xb5: {  	[tilespmem:v10+s23+$0x0] =	vst.idx.add.f32.msk $0xffff, v14;
	v14 =	vand.u32 $0xFFFF0000, v61;
	v13 =	vmul.f32 v13, v7  }
0xb6: {  	v62 =	vld.idx.msk [tilespmem:v11+s24+$0x0], $0xffff;
	v11 =	vmul.f32 v14, v7  }
0xb7: {  	[tilespmem:v8+s19+$0x0] =	vst.idx.add.f32.msk $0xffff, v13  }
0xb8: {  	[tilespmem:v8+s20+$0x0] =	vst.idx.add.f32.msk $0xffff, v11  }
0xb9: {  	v13 =	vshll.u32 v15, $0x10;
	v11 =	vld.idx.msk [tilespmem:v6+s21+$0x0], $0xffff  }
0xba: {  	v14 =	vand.u32 $0xFFFF0000, v15;
	v13 =	vmul.f32 v13, v5  }
0xbb: {  	v14 =	vmul.f32 v14, v5  }
0xbc: {  	[tilespmem:v3+s22+$0x0] =	vst.idx.add.f32.msk $0xffff, v13;
	v15 =	vshll.u32 v62, $0x10  }
0xbd: {  	s5 =	simm.s32 $0x17860;
	s1 =	simm.s32 $0x0;
	v13 =	vand.u32 $0xFFFF0000, v63;
	[tilespmem:v3+s23+$0x0] =	vst.idx.add.f32.msk $0xffff, v14;
	v14 =	vshll.u32 v63, $0x10;
	v12 =	vmul.f32 v15, v12  }
.LBB2_8:
0xbe: {  	v15 =	vld [tilespmem:s5+$0x10];
	v14 =	vmul.f32 v14, v9;
	v16 =	vshll.u32 v11, $0x10;
	v11 =	vand.u32 $0xFFFF0000, v11  }
0xbf: {  	v13 =	vmul.f32 v13, v9;
	v16 =	vmul.f32 v16, v7;
	[tilespmem:v10+s25+$0x0] =	vst.idx.add.f32.msk $0xffff, v12  }
0xc0: {  	s1 =	sadd.s32 $0x40, s1;
	v11 =	vmul.f32 v11, v7;
	v10 =	vld [tilespmem:s5+$0xFFFFFFF0]  }
0xc1: {  	p0 =	slt.u32 s1, $0x1F00;
	v12 =	vld [tilespmem:s5+$0x0]  }
0xc2: {  	v17 =	vld [tilespmem:s5+$0xFFFFFFE0]  }
0xc3: {  	v18 =	vshra.s32 v15, $0x10;
	[tilespmem:v4+s22+$0x0] =	vst.idx.add.f32.msk $0xffff, v14  }
0xc4: {  	[tilespmem:v4+s23+$0x0] =	vst.idx.add.f32.msk $0xffff, v13  }
0xc5: {  	v13 =	vshra.s32 v10, $0x10;
	v14 =	vand.u32 $0xFFFF, v10;
	[tilespmem:v8+s22+$0x0] =	vst.idx.add.f32.msk $0xffff, v16  }
0xc6: {  	v16 =	vshra.s32 v12, $0x10;
	v12 =	vand.u32 $0xFFFF, v12;
	[tilespmem:v8+s23+$0x0] =	vst.idx.add.f32.msk $0xffff, v11  }
0xc7: {  	v19 =	vand.u32 $0xFFFF, v17;
	v11 =	vld.idx.msk [tilespmem:v2+s24+$0x0], $0xffff;
	v2 =	vshra.s32 v17, $0x10  }
0xc8: {  	v17 =	vld.idx.msk [tilespmem:v18+s2+$0x0], $0xffff  }
0xc9: {  	s0 =	sadd.s32 $0x40, s0;
	v20 =	vld.idx.msk [tilespmem:v1+s24+$0x0], $0xffff;
	v1 =	vmov v13  }
0xca: {  	v21 =	vld [tilespmem:s0+$0x10]  }
0xcb: {  	v13 =	vld.idx.msk [tilespmem:v13+s2+$0x0], $0xffff  }
0xcc: {  	v10 =	vand.u32 $0xFFFF, v15;
	v22 =	vld.idx.msk [tilespmem:v2+s2+$0x0], $0xffff  }
0xcd: {  	v11 =	vshll.u32 v11, $0x10;
	v15 =	vld.idx.msk [tilespmem:v16+s2+$0x0], $0xffff  }
0xce: {  	v23 =	vshll.u32 v17, $0x10;
	v24 =	vmul.f32 v11, v5;
	v5 =	vld [tilespmem:s0+$0xFFFFFFE0]  }
0xcf: {  	v17 =	vand.u32 $0xFFFF0000, v17;
	v20 =	vshll.u32 v20, $0x10;
	v11 =	vld [tilespmem:s0+$0xFFFFFFF0];
	v23 =	vmul.f32 v23, v21  }
0xd0: {  	v17 =	vmul.f32 v17, v21;
	v20 =	vmul.f32 v20, v9;
	v25 =	vld [tilespmem:s0+$0x0]  }
0xd1: {  	v9 =	vshll.u32 v13, $0x10;
	v13 =	vand.u32 $0xFFFF0000, v13;
	[tilespmem:v10+s19+$0x0] =	vst.idx.add.f32.msk $0xffff, v23  }
0xd2: {  	v23 =	vshll.u32 v22, $0x10;
	v22 =	vand.u32 $0xFFFF0000, v22;
	[tilespmem:v10+s20+$0x0] =	vst.idx.add.f32.msk $0xffff, v17  }
0xd3: {  	v17 =	vmul.f32 v23, v5;
	v23 =	vshll.u32 v15, $0x10;
	v15 =	vand.u32 $0xFFFF0000, v15;
	v26 =	vld.idx.msk [tilespmem:v18+s21+$0x0], $0xffff  }
0xd4: {  	v22 =	vmul.f32 v22, v5;
	v27 =	vmul.f32 v9, v11;
	v28 =	vld.idx.msk [tilespmem:v6+s24+$0x0], $0xffff;
	v6 =	vmovc v16;
	v9 =	vmov v11  }
0xd5: {  	[tilespmem:v19+s19+$0x0] =	vst.idx.add.f32.msk $0xffff, v17;
	v11 =	vmul.f32 v13, v9;
	v13 =	vmul.f32 v23, v25  }
0xd6: {  	v15 =	vmul.f32 v15, v25;
	[tilespmem:v19+s20+$0x0] =	vst.idx.add.f32.msk $0xffff, v22  }
0xd7: {  	[tilespmem:v14+s19+$0x0] =	vst.idx.add.f32.msk $0xffff, v27  }
0xd8: {  	[tilespmem:v14+s20+$0x0] =	vst.idx.add.f32.msk $0xffff, v11  }
0xd9: {  	v11 =	vshll.u32 v26, $0x10;
	[tilespmem:v12+s19+$0x0] =	vst.idx.add.f32.msk $0xffff, v13  }
0xda: {  	v11 =	vmul.f32 v11, v21;
	v13 =	vand.u32 $0xFFFF0000, v26;
	[tilespmem:v12+s20+$0x0] =	vst.idx.add.f32.msk $0xffff, v15;
	v15 =	vshll.u32 v28, $0x10  }
0xdb: {  	v13 =	vmul.f32 v13, v21;
	v16 =	vld.idx.msk [tilespmem:v2+s21+$0x0], $0xffff;
	v15 =	vmul.f32 v15, v7;
	v7 =	vmov v25  }
0xdc: {  	[tilespmem:v10+s22+$0x0] =	vst.idx.add.f32.msk $0xffff, v11  }
0xdd: {  	[tilespmem:v10+s23+$0x0] =	vst.idx.add.f32.msk $0xffff, v13  }
0xde: {  	v13 =	vld.idx.msk [tilespmem:v18+s24+$0x0], $0xffff  }
0xdf: {  	v17 =	vld.idx.msk [tilespmem:v1+s21+$0x0], $0xffff  }
0xe0: {  	v11 =	vld.idx.msk [tilespmem:v6+s21+$0x0], $0xffff  }
.Ltmp3:
0xe1: {  	v18 =	vshll.u32 v16, $0x10;
	v16 =	vand.u32 $0xFFFF0000, v16;
	[tilespmem:v3+s25+$0x0] =	vst.idx.add.f32.msk $0xffff, v24;
	v3 =	vmov v19;
	(pc) =	sbr.rel @p0 .LBB2_8-.Ltmp3, $4  }
0xe2: {  	v18 =	vmul.f32 v18, v5;
	v16 =	vmul.f32 v16, v5;
	[tilespmem:v4+s25+$0x0] =	vst.idx.add.f32.msk $0xffff, v20;
	v4 =	vmov v14  }
0xe3: {  	[tilespmem:v8+s25+$0x0] =	vst.idx.add.f32.msk $0xffff, v15;
	v8 =	vmov v12  }
0xe4: {  	v12 =	vshll.u32 v13, $0x10;
	[tilespmem:v19+s22+$0x0] =	vst.idx.add.f32.msk $0xffff, v18  }
0xe5: {  	s5 =	sadd.s32 $0x40, s5;
	v14 =	vshll.u32 v17, $0x10;
	v13 =	vand.u32 $0xFFFF0000, v17;
	v12 =	vmul.f32 v12, v21;
	[tilespmem:v19+s23+$0x0] =	vst.idx.add.f32.msk $0xffff, v16  }
0xe6: {  	_ =	sdelay $0x2  }
0xe7: {  	v14 =	vmul.f32 v14, v9  }
0xe8: {  	v15 =	vshll.u32 v11, $0x10;
	v13 =	vmul.f32 v13, v9;
	v2 =	vld.idx.msk [tilespmem:v2+s24+$0x0], $0xffff  }
0xe9: {  	v62 =	vand.u32 $0xFFFF0000, v11;
	v15 =	vmul.f32 v15, v7;
	[tilespmem:v4+s22+$0x0] =	vst.idx.add.f32.msk $0xffff, v14  }
0xea: {  	v11 =	vmul.f32 v62, v7;
	[tilespmem:v4+s23+$0x0] =	vst.idx.add.f32.msk $0xffff, v13  }
0xeb: {  	[tilespmem:v8+s22+$0x0] =	vst.idx.add.f32.msk $0xffff, v15  }
0xec: {  	[tilespmem:v8+s23+$0x0] =	vst.idx.add.f32.msk $0xffff, v11  }
0xed: {  	v1 =	vld.idx.msk [tilespmem:v1+s24+$0x0], $0xffff  }
0xee: {  	v6 =	vld.idx.msk [tilespmem:v6+s24+$0x0], $0xffff;
	_ =	sdelay $0x1  }
0xef: {  	s30 =	sadd.s32 $0x1, s30  }
0xf0: {  	p0 =	sne.s32 s30, $0x5;
	v2 =	vshll.u32 v2, $0x10  }
.Ltmp4:
0xf1: {  	v2 =	vmul.f32 v2, v5;
	v1 =	vshll.u32 v1, $0x10;
	(pc) =	sbr.rel @p0 .LBB2_5-.Ltmp4, $4  }
0xf2: {  	[tilespmem:v10+s25+$0x0] =	vst.idx.add.f32.msk $0xffff, v12;
	v1 =	vmul.f32 v1, v9;
	v63 =	vshll.u32 v6, $0x10  }
0xf3: {  	[tilespmem:v3+s25+$0x0] =	vst.idx.add.f32.msk $0xffff, v2;
	v5 =	vmul.f32 v63, v7  }
0xf4: {  	[tilespmem:v4+s25+$0x0] =	vst.idx.add.f32.msk $0xffff, v1  }
0xf5: {  	[tilespmem:v8+s25+$0x0] =	vst.idx.add.f32.msk $0xffff, v5  }
0xf6: {  	_ =	swait.ge [sflag:s17], $0x1F40  }
0xf7: {  	[sflag:s17] =	ssyncset.done $0x0  }
0xf8: {  	[sflag:s17] =	ssyncadd.s32 $0xFFFFE0C0  }
0xf9: {  	s29 =	sadd.s32 $0x1, s29;
	_ =	swait.ge [sflag:s18], $0x1F40  }
0xfa: {  	p0 =	sne.s32 s29, s11;
	[sflag:s18] =	ssyncset.done $0x0  }
.Ltmp5:
0xfb: {  	[sflag:s18] =	ssyncadd.s32 $0xFFFFE0C0;
	(pc) =	sbr.rel @p0 .LBB2_1-.Ltmp5, $4  }
0xfc: {  	[hbm4b:s10+s2] =	stream.linear.scatter [tilespmem:s19], [sflag:$0x5], $0xC350, $0x38;
	[tilespmem:$0x1B700] =	vst v63  }
0xfd: {  	_ =	swait.ge [sflag:s14], $0xC350  }
0xfe: {  	[sflag:s14] =	ssyncset.done $0x0  }
0xff: {  	[sflag:s14] =	ssyncadd.s32 $0xFFFF3CB0  }
0x100: {  	_ =	sfence.sel $0x180000  }
0x101: {  	[bflag:$0x0] =	sbarrier.arrive $0xFFFF  }
0x102: {  	_ =	strace $0x90000050  }
0x103: {  	s0 =	stileid.u32;
	[bflag:$0x2] =	sbarrier.arrive $0xFFFF  }
0x104: {  	p0 =	sne.s32 s0, $0x0;
	s0 =	rddreg [dreg:$0x2]  }
0x105: {  	s0 =	sadd.s32 @!p0 $0x100000, s0  }
0x106: {  	[sflag:s0] =	ssyncadd.tile.s32 @!p0 $0x1;
	_ =	shalt  }
.Lfunc_end2:
_tile_overlayer_lowered:
.L_overlay_start_2:
0x107: {  	(tag) =	ssettag $0x2  }
0x108: {  	s0 =	rddreg [dreg:$0x0];
	s2 =	stileid.u32  }
0x109: {  	s1 =	rddreg [dreg:$0x1];
	p0 =	sne.s32 s2, $0x0  }
0x10a: {  	s3 =	rddreg [dreg:$0x2];
	[bflag:$0x3] =	sbarrier.arrive $0xFFFF;
	s2 =	simm.s32 @!p0 $0x1C05  }
0x10b: {  	[timem:s3], [sflag:s2] =	dma.local @!p0 [hbm:s0], s1  }
0x10c: {  	s0 =	simm.s32 @!p0 $0x5  }
0x10d: {  	_ =	swait.ge @!p0 [sflag:s0], s1  }
0x10e: {  	s1 =	ssub.s32 @!p0 $0x0, s1;
	[sflag:s0] =	ssyncset.done @!p0 $0x0  }
0x10f: {  	[sflag:s0] =	ssyncadd.s32 @!p0 s1  }
0x110: {  	[bflag:$0x3] =	sbarrier.arrive $0xFFFF  }
0x111: {  	_ =	shalt  }

</sc_bundles>
